<compile_context>
chip_gen: v7x
topology: tpu7x:2x2x1
jax: 0.10.2.dev20260603
libtpu: 0.0.44.dev20260713+nightly
codegen_flags: <defaults>
</compile_context>

<pallas_src>
import functools

import jax
import jax.numpy as jnp
from jax import lax
from jax.experimental import pallas as pl
from jax.experimental.pallas import tpu as pltpu
from jax.experimental.pallas import tpu_sc as plsc

NSEG = 256
D = 128
N_ROWS = 100000
NC = 2
NS = 16
NW = NC * NS
CH = 128
N_FULL = 24
T_BIG = 56
T_SMALL = 48
BIG_WORKERS = 20
NBUF = 4

_mesh = plsc.VectorSubcoreMesh(core_axis_name="c", subcore_axis_name="s")


@functools.partial(
    pl.kernel,
    mesh=_mesh,
    out_type=jax.ShapeDtypeStruct((NC, NSEG, D), jnp.float32),
    scratch_types=(
        [pltpu.VMEM((CH,), jnp.int32) for _ in range(NBUF)]
        + [pltpu.VMEM((CH, D), jnp.float32) for _ in range(NBUF)]
        + [
            pltpu.VMEM((T_BIG,), jnp.int32),
            pltpu.VMEM((T_SMALL,), jnp.int32),
            pltpu.VMEM((T_BIG, D), jnp.float32),
            pltpu.VMEM((T_SMALL, D), jnp.float32),
            pltpu.VMEM((NS, D), jnp.float32),
            pltpu.VMEM_SHARED((NSEG, D), jnp.float32),
        ]
        + [pltpu.SemaphoreType.DMA for _ in range(3 * NBUF + 1)]
    ),
)
def _sc_partials(feat_hbm, ids_hbm, out_hbm, *scratch):
    ids_bufs = scratch[0:NBUF]
    row_bufs = scratch[NBUF:2 * NBUF]
    ids_tb, ids_ts, rows_tb, rows_ts, zbuf, acc = scratch[2 * NBUF:2 * NBUF + 6]
    sems = scratch[2 * NBUF + 6:]
    sem_i = sems[0:NBUF]
    sem_r = sems[NBUF:2 * NBUF]
    sem_s = sems[2 * NBUF:3 * NBUF]
    sem_t = sems[3 * NBUF]

    c = lax.axis_index("c")
    s = lax.axis_index("s")
    wid = s * NC + c
    base = pl.multiple_of(3120 * wid + 8 * jnp.minimum(wid, BIG_WORKERS), 8)

    loads = {}

    def start_load(j):
        p = j % NBUF
        off = pl.multiple_of(base + j * CH, 8)
        ci = pltpu.make_async_copy(ids_hbm.at[pl.ds(off, CH)], ids_bufs[p], sem_i[p])
        cr = pltpu.make_async_copy(feat_hbm.at[pl.ds(off, CH), :], row_bufs[p], sem_r[p])
        ci.start()
        cr.start()
        loads[j] = (ci, cr)

    start_load(0)

    zero = jnp.zeros((16,), jnp.float32)
    for i in range(NS):
        for j in range(D // 16):
            zbuf[i, pl.ds(j * 16, 16)] = zero
    pltpu.sync_copy(zbuf, acc.at[pl.ds(s * NS, NS), :])
    plsc.subcore_barrier()

    for j in range(1, NBUF - 1):
        start_load(j)

    toff = pl.multiple_of(base + N_FULL * CH, 8)
    t_ib = pltpu.make_async_copy(ids_hbm.at[pl.ds(toff, T_BIG)], ids_tb, sem_t)
    t_rb = pltpu.make_async_copy(feat_hbm.at[pl.ds(toff, T_BIG), :], rows_tb, sem_t)
    t_is = pltpu.make_async_copy(ids_hbm.at[pl.ds(toff, T_SMALL)], ids_ts, sem_t)
    t_rs = pltpu.make_async_copy(feat_hbm.at[pl.ds(toff, T_SMALL), :], rows_ts, sem_t)

    @pl.when(wid < BIG_WORKERS)
    def _start_big_tail():
        t_ib.start()
        t_rb.start()

    @pl.when(wid >= BIG_WORKERS)
    def _start_small_tail():
        t_is.start()
        t_rs.start()

    scats = {}
    for j in range(N_FULL):
        p = j % NBUF
        ci, cr = loads.pop(j)
        ci.wait()
        cr.wait()
        if j >= 1:
            scats.pop(j - 1).wait()
        sc = pltpu.make_async_copy(row_bufs[p], acc.at[ids_bufs[p]], sem_s[p])
        sc.start(add=True)
        scats[j] = sc
        nxt = j + NBUF - 1
        if nxt < N_FULL:
            start_load(nxt)
    scats.pop(N_FULL - 1).wait()

    @pl.when(wid < BIG_WORKERS)
    def _big_tail():
        t_ib.wait()
        t_rb.wait()
        pltpu.sync_copy(rows_tb, acc.at[ids_tb], add=True)

    @pl.when(wid >= BIG_WORKERS)
    def _small_tail():
        t_is.wait()
        t_rs.wait()
        pltpu.sync_copy(rows_ts, acc.at[ids_ts], add=True)

    plsc.subcore_barrier()
    pltpu.sync_copy(
        acc.at[pl.ds(s * NS, NS), :],
        out_hbm.at[c, pl.ds(s * NS, NS), :],
    )


def _combine(partials):
    def body(p_ref, o_ref):
        o_ref[...] = p_ref[0, :, :] + p_ref[1, :, :]

    return pl.pallas_call(
        body,
        out_shape=jax.ShapeDtypeStruct((NSEG, D), jnp.float32),
    )(partials)


def kernel(feat, segment_ids):
    partials = _sc_partials(feat, segment_ids.astype(jnp.int32))
    return _combine(partials)

# --- scband reference (transcript-rebuilt; emitter-appended) ---
"""Pipeline reference for scband-sum-node-11905649344609 (READ-ONLY COPY).

The authoritative reference and input builder live on the scoring server;
editing this copy changes nothing except your own understanding.
"""

import jax, jax.numpy as jnp
import numpy as np

NUM_SEGMENTS = 256

def setup_inputs(seed: int = 0) -> dict:
    key = jax.random.key(seed)
    k1, k2 = jax.random.split(key)
    feat = jax.random.normal(k1, (100000, 128), dtype=jnp.float32)
    segment_ids = jnp.sort(jax.random.randint(k2, (100000,), 0, NUM_SEGMENTS, dtype=jnp.int64))
    return {"feat": feat, "segment_ids": segment_ids}

def reference(feat, segment_ids):
    # DGL SumNode: for a batched graph, sum node embeddings within each graph.
    # Batched-graph membership is encoded as sorted segment_ids (one id per node).
    # torch.sum over each graph's nodes + stack == segment_sum over segment ids.
    out = jax.ops.segment_sum(feat, segment_ids, num_segments=NUM_SEGMENTS)
    return out

if __name__ == "__main__":
    import jax
    _d = setup_inputs()
    print(jax.jit(kernel)(*tuple(_d.values())))

</pallas_src>

<mosaic_0001>
#map = affine_map<(d0, d1) -> (0, 0)>
#map1 = affine_map<(d0, d1) -> (0)>
#map2 = affine_map<(d0, d1) -> (0, 0, 0)>
module attributes {stable_mosaic.version = 14 : i64} {
  func.func @_sc_partials(%arg0: i32, %arg1: i32, %arg2: memref<100000x128xf32, #tpu.memory_space<hbm>>, %arg3: memref<100000xi32, #tpu.memory_space<hbm>>, %arg4: memref<2x256x128xf32, #tpu.memory_space<hbm>>, %arg5: memref<128xi32, #tpu.memory_space<vmem>>, %arg6: memref<128xi32, #tpu.memory_space<vmem>>, %arg7: memref<128xi32, #tpu.memory_space<vmem>>, %arg8: memref<128xi32, #tpu.memory_space<vmem>>, %arg9: memref<128x128xf32, #tpu.memory_space<vmem>>, %arg10: memref<128x128xf32, #tpu.memory_space<vmem>>, %arg11: memref<128x128xf32, #tpu.memory_space<vmem>>, %arg12: memref<128x128xf32, #tpu.memory_space<vmem>>, %arg13: memref<56xi32, #tpu.memory_space<vmem>>, %arg14: memref<48xi32, #tpu.memory_space<vmem>>, %arg15: memref<56x128xf32, #tpu.memory_space<vmem>>, %arg16: memref<48x128xf32, #tpu.memory_space<vmem>>, %arg17: memref<16x128xf32, #tpu.memory_space<vmem>>, %arg18: memref<256x128xf32, #tpu.memory_space<vmem_shared>>, %arg19: memref<!tpu.dma_semaphore, #tpu.memory_space<semaphore_mem>>, %arg20: memref<!tpu.dma_semaphore, #tpu.memory_space<semaphore_mem>>, %arg21: memref<!tpu.dma_semaphore, #tpu.memory_space<semaphore_mem>>, %arg22: memref<!tpu.dma_semaphore, #tpu.memory_space<semaphore_mem>>, %arg23: memref<!tpu.dma_semaphore, #tpu.memory_space<semaphore_mem>>, %arg24: memref<!tpu.dma_semaphore, #tpu.memory_space<semaphore_mem>>, %arg25: memref<!tpu.dma_semaphore, #tpu.memory_space<semaphore_mem>>, %arg26: memref<!tpu.dma_semaphore, #tpu.memory_space<semaphore_mem>>, %arg27: memref<!tpu.dma_semaphore, #tpu.memory_space<semaphore_mem>>, %arg28: memref<!tpu.dma_semaphore, #tpu.memory_space<semaphore_mem>>, %arg29: memref<!tpu.dma_semaphore, #tpu.memory_space<semaphore_mem>>, %arg30: memref<!tpu.dma_semaphore, #tpu.memory_space<semaphore_mem>>, %arg31: memref<!tpu.dma_semaphore, #tpu.memory_space<semaphore_mem>>) attributes {dimension_semantics = [#tpu.dimension_semantics<core_parallel>, #tpu.dimension_semantics<subcore_parallel>], iteration_bounds = array<i64: 2, 16>, scalar_prefetch = 0 : i64, scratch_operands = 27 : i64, tpu.core_type = #tpu.core_type<sc_vector_subcore>, window_params = [{transform_indices = #map}, {transform_indices = #map1}, {transform_indices = #map2}]} {
    %mul3A = arith.constant 2 : i32
    %mul3A_0 = arith.muli %arg1, %mul3A : i32
    %add3A = arith.addi %mul3A_0, %arg0 : i32
    %mul3A_1 = arith.constant 3120 : i32
    %mul3A_2 = arith.muli %mul3A_1, %add3A : i32
    %min3A = arith.constant 20 : i32
    %min3A_3 = arith.minsi %add3A, %min3A : i32
    %mul3A_4 = arith.constant 8 : i32
    %mul3A_5 = arith.muli %mul3A_4, %min3A_3 : i32
    %add3A_6 = arith.addi %mul3A_2, %mul3A_5 : i32
    %multiple_of3A = tpu.assume_multiple %add3A_6, 8 : i32
    %add3A_7 = arith.constant 0 : i32
    %add3A_8 = arith.addi %multiple_of3A, %add3A_7 : i32
    %multiple_of3A_9 = tpu.assume_multiple %add3A_8, 8 : i32
    %dma_start3A = tpu.memref_slice %arg3[%multiple_of3A_9] : memref<100000xi32, #tpu.memory_space<hbm>> -> memref<128xi32, #tpu.memory_space<hbm>>
    %dma_start3A_10 = tpu.memref_slice %arg3[%multiple_of3A_9] : memref<100000xi32, #tpu.memory_space<hbm>> -> memref<128xi32, #tpu.memory_space<hbm>>
    tpu.enqueue_dma source(%dma_start3A_10 : memref<128xi32, #tpu.memory_space<hbm>>) target(%arg5 : memref<128xi32, #tpu.memory_space<vmem>>) target_semaphore(%arg19 : memref<!tpu.dma_semaphore, #tpu.memory_space<semaphore_mem>>)
    %dma_start3A_11 = arith.constant 0 : i32
    %dma_start3A_12 = tpu.memref_slice %arg2[%multiple_of3A_9, %dma_start3A_11] : memref<100000x128xf32, #tpu.memory_space<hbm>> -> memref<128x128xf32, #tpu.memory_space<hbm>>
    %dma_start3A_13 = arith.constant 0 : i32
    %dma_start3A_14 = tpu.memref_slice %arg2[%multiple_of3A_9, %dma_start3A_13] : memref<100000x128xf32, #tpu.memory_space<hbm>> -> memref<128x128xf32, #tpu.memory_space<hbm>>
    tpu.enqueue_dma source(%dma_start3A_14 : memref<128x128xf32, #tpu.memory_space<hbm>>) target(%arg9 : memref<128x128xf32, #tpu.memory_space<vmem>>) target_semaphore(%arg23 : memref<!tpu.dma_semaphore, #tpu.memory_space<semaphore_mem>>)
    %broadcast_in_dim3A = arith.constant 0.000000e+00 : f32
    %broadcast_in_dim3A_15 = vector.broadcast %broadcast_in_dim3A : f32 to vector<16xf32>
    %swap3A = arith.constant 0 : i32
    %swap3A_16 = arith.index_cast %swap3A : i32 to index
    %swap3A_17 = arith.constant 0 : index
    %swap3A_18 = tpu.vector_load %arg17[%swap3A_16, %swap3A_17] {strides = array<i32>} : memref<16x128xf32, #tpu.memory_space<vmem>>, vector<1x16xf32>,
    %swap3A_19 = vector.shape_cast %swap3A_18 : vector<1x16xf32> to vector<16xf32>
    %swap3A_20 = vector.shape_cast %broadcast_in_dim3A_15 : vector<16xf32> to vector<1x16xf32>
    tpu.vector_store %arg17[%swap3A_16, %swap3A_17], %swap3A_20 {strides = array<i32>} : memref<16x128xf32, #tpu.memory_space<vmem>>, vector<1x16xf32>,
    %swap3A_21 = arith.constant 0 : i32
    %swap3A_22 = arith.index_cast %swap3A_21 : i32 to index
    %swap3A_23 = arith.constant 16 : index
    %swap3A_24 = tpu.vector_load %arg17[%swap3A_22, %swap3A_23] {strides = array<i32>} : memref<16x128xf32, #tpu.memory_space<vmem>>, vector<1x16xf32>,
    %swap3A_25 = vector.shape_cast %swap3A_24 : vector<1x16xf32> to vector<16xf32>
    %swap3A_26 = vector.shape_cast %broadcast_in_dim3A_15 : vector<16xf32> to vector<1x16xf32>
    tpu.vector_store %arg17[%swap3A_22, %swap3A_23], %swap3A_26 {strides = array<i32>} : memref<16x128xf32, #tpu.memory_space<vmem>>, vector<1x16xf32>,
    %swap3A_27 = arith.constant 0 : i32
    %swap3A_28 = arith.index_cast %swap3A_27 : i32 to index
    %swap3A_29 = arith.constant 32 : index
    %swap3A_30 = tpu.vector_load %arg17[%swap3A_28, %swap3A_29] {strides = array<i32>} : memref<16x128xf32, #tpu.memory_space<vmem>>, vector<1x16xf32>,
    %swap3A_31 = vector.shape_cast %swap3A_30 : vector<1x16xf32> to vector<16xf32>
    %swap3A_32 = vector.shape_cast %broadcast_in_dim3A_15 : vector<16xf32> to vector<1x16xf32>
    tpu.vector_store %arg17[%swap3A_28, %swap3A_29], %swap3A_32 {strides = array<i32>} : memref<16x128xf32, #tpu.memory_space<vmem>>, vector<1x16xf32>,
    %swap3A_33 = arith.constant 0 : i32
    %swap3A_34 = arith.index_cast %swap3A_33 : i32 to index
    %swap3A_35 = arith.constant 48 : index
    %swap3A_36 = tpu.vector_load %arg17[%swap3A_34, %swap3A_35] {strides = array<i32>} : memref<16x128xf32, #tpu.memory_space<vmem>>, vector<1x16xf32>,
    %swap3A_37 = vector.shape_cast %swap3A_36 : vector<1x16xf32> to vector<16xf32>
    %swap3A_38 = vector.shape_cast %broadcast_in_dim3A_15 : vector<16xf32> to vector<1x16xf32>
    tpu.vector_store %arg17[%swap3A_34, %swap3A_35], %swap3A_38 {strides = array<i32>} : memref<16x128xf32, #tpu.memory_space<vmem>>, vector<1x16xf32>,
    %swap3A_39 = arith.constant 0 : i32
    %swap3A_40 = arith.index_cast %swap3A_39 : i32 to index
    %swap3A_41 = arith.constant 64 : index
    %swap3A_42 = tpu.vector_load %arg17[%swap3A_40, %swap3A_41] {strides = array<i32>} : memref<16x128xf32, #tpu.memory_space<vmem>>, vector<1x16xf32>,
    %swap3A_43 = vector.shape_cast %swap3A_42 : vector<1x16xf32> to vector<16xf32>
    %swap3A_44 = vector.shape_cast %broadcast_in_dim3A_15 : vector<16xf32> to vector<1x16xf32>
    tpu.vector_store %arg17[%swap3A_40, %swap3A_41], %swap3A_44 {strides = array<i32>} : memref<16x128xf32, #tpu.memory_space<vmem>>, vector<1x16xf32>,
    %swap3A_45 = arith.constant 0 : i32
    %swap3A_46 = arith.index_cast %swap3A_45 : i32 to index
    %swap3A_47 = arith.constant 80 : index
    %swap3A_48 = tpu.vector_load %arg17[%swap3A_46, %swap3A_47] {strides = array<i32>} : memref<16x128xf32, #tpu.memory_space<vmem>>, vector<1x16xf32>,
    %swap3A_49 = vector.shape_cast %swap3A_48 : vector<1x16xf32> to vector<16xf32>
    %swap3A_50 = vector.shape_cast %broadcast_in_dim3A_15 : vector<16xf32> to vector<1x16xf32>
    tpu.vector_store %arg17[%swap3A_46, %swap3A_47], %swap3A_50 {strides = array<i32>} : memref<16x128xf32, #tpu.memory_space<vmem>>, vector<1x16xf32>,
    %swap3A_51 = arith.constant 0 : i32
    %swap3A_52 = arith.index_cast %swap3A_51 : i32 to index
    %swap3A_53 = arith.constant 96 : index
    %swap3A_54 = tpu.vector_load %arg17[%swap3A_52, %swap3A_53] {strides = array<i32>} : memref<16x128xf32, #tpu.memory_space<vmem>>, vector<1x16xf32>,
    %swap3A_55 = vector.shape_cast %swap3A_54 : vector<1x16xf32> to vector<16xf32>
    %swap3A_56 = vector.shape_cast %broadcast_in_dim3A_15 : vector<16xf32> to vector<1x16xf32>
    tpu.vector_store %arg17[%swap3A_52, %swap3A_53], %swap3A_56 {strides = array<i32>} : memref<16x128xf32, #tpu.memory_space<vmem>>, vector<1x16xf32>,
    %swap3A_57 = arith.constant 0 : i32
    %swap3A_58 = arith.index_cast %swap3A_57 : i32 to index
    %swap3A_59 = arith.constant 112 : index
    %swap3A_60 = tpu.vector_load %arg17[%swap3A_58, %swap3A_59] {strides = array<i32>} : memref<16x128xf32, #tpu.memory_space<vmem>>, vector<1x16xf32>,
    %swap3A_61 = vector.shape_cast %swap3A_60 : vector<1x16xf32> to vector<16xf32>
    %swap3A_62 = vector.shape_cast %broadcast_in_dim3A_15 : vector<16xf32> to vector<1x16xf32>
    tpu.vector_store %arg17[%swap3A_58, %swap3A_59], %swap3A_62 {strides = array<i32>} : memref<16x128xf32, #tpu.memory_space<vmem>>, vector<1x16xf32>,
    %swap3A_63 = arith.constant 1 : i32
    %swap3A_64 = arith.index_cast %swap3A_63 : i32 to index
    %swap3A_65 = arith.constant 0 : index
    %swap3A_66 = tpu.vector_load %arg17[%swap3A_64, %swap3A_65] {strides = array<i32>} : memref<16x128xf32, #tpu.memory_space<vmem>>, vector<1x16xf32>,
    %swap3A_67 = vector.shape_cast %swap3A_66 : vector<1x16xf32> to vector<16xf32>
    %swap3A_68 = vector.shape_cast %broadcast_in_dim3A_15 : vector<16xf32> to vector<1x16xf32>
    tpu.vector_store %arg17[%swap3A_64, %swap3A_65], %swap3A_68 {strides = array<i32>} : memref<16x128xf32, #tpu.memory_space<vmem>>, vector<1x16xf32>,
    %swap3A_69 = arith.constant 1 : i32
    %swap3A_70 = arith.index_cast %swap3A_69 : i32 to index
    %swap3A_71 = arith.constant 16 : index
    %swap3A_72 = tpu.vector_load %arg17[%swap3A_70, %swap3A_71] {strides = array<i32>} : memref<16x128xf32, #tpu.memory_space<vmem>>, vector<1x16xf32>,
    %swap3A_73 = vector.shape_cast %swap3A_72 : vector<1x16xf32> to vector<16xf32>
    %swap3A_74 = vector.shape_cast %broadcast_in_dim3A_15 : vector<16xf32> to vector<1x16xf32>
    tpu.vector_store %arg17[%swap3A_70, %swap3A_71], %swap3A_74 {strides = array<i32>} : memref<16x128xf32, #tpu.memory_space<vmem>>, vector<1x16xf32>,
    %swap3A_75 = arith.constant 1 : i32
    %swap3A_76 = arith.index_cast %swap3A_75 : i32 to index
    %swap3A_77 = arith.constant 32 : index
    %swap3A_78 = tpu.vector_load %arg17[%swap3A_76, %swap3A_77] {strides = array<i32>} : memref<16x128xf32, #tpu.memory_space<vmem>>, vector<1x16xf32>,
    %swap3A_79 = vector.shape_cast %swap3A_78 : vector<1x16xf32> to vector<16xf32>
    %swap3A_80 = vector.shape_cast %broadcast_in_dim3A_15 : vector<16xf32> to vector<1x16xf32>
    tpu.vector_store %arg17[%swap3A_76, %swap3A_77], %swap3A_80 {strides = array<i32>} : memref<16x128xf32, #tpu.memory_space<vmem>>, vector<1x16xf32>,
    %swap3A_81 = arith.constant 1 : i32
    %swap3A_82 = arith.index_cast %swap3A_81 : i32 to index
    %swap3A_83 = arith.constant 48 : index
    %swap3A_84 = tpu.vector_load %arg17[%swap3A_82, %swap3A_83] {strides = array<i32>} : memref<16x128xf32, #tpu.memory_space<vmem>>, vector<1x16xf32>,
    %swap3A_85 = vector.shape_cast %swap3A_84 : vector<1x16xf32> to vector<16xf32>
    %swap3A_86 = vector.shape_cast %broadcast_in_dim3A_15 : vector<16xf32> to vector<1x16xf32>
    tpu.vector_store %arg17[%swap3A_82, %swap3A_83], %swap3A_86 {strides = array<i32>} : memref<16x128xf32, #tpu.memory_space<vmem>>, vector<1x16xf32>,
    %swap3A_87 = arith.constant 1 : i32
    %swap3A_88 = arith.index_cast %swap3A_87 : i32 to index
    %swap3A_89 = arith.constant 64 : index
    %swap3A_90 = tpu.vector_load %arg17[%swap3A_88, %swap3A_89] {strides = array<i32>} : memref<16x128xf32, #tpu.memory_space<vmem>>, vector<1x16xf32>,
    %swap3A_91 = vector.shape_cast %swap3A_90 : vector<1x16xf32> to vector<16xf32>
    %swap3A_92 = vector.shape_cast %broadcast_in_dim3A_15 : vector<16xf32> to vector<1x16xf32>
    tpu.vector_store %arg17[%swap3A_88, %swap3A_89], %swap3A_92 {strides = array<i32>} : memref<16x128xf32, #tpu.memory_space<vmem>>, vector<1x16xf32>,
    %swap3A_93 = arith.constant 1 : i32
    %swap3A_94 = arith.index_cast %swap3A_93 : i32 to index
    %swap3A_95 = arith.constant 80 : index
    %swap3A_96 = tpu.vector_load %arg17[%swap3A_94, %swap3A_95] {strides = array<i32>} : memref<16x128xf32, #tpu.memory_space<vmem>>, vector<1x16xf32>,
    %swap3A_97 = vector.shape_cast %swap3A_96 : vector<1x16xf32> to vector<16xf32>
    %swap3A_98 = vector.shape_cast %broadcast_in_dim3A_15 : vector<16xf32> to vector<1x16xf32>
    tpu.vector_store %arg17[%swap3A_94, %swap3A_95], %swap3A_98 {strides = array<i32>} : memref<16x128xf32, #tpu.memory_space<vmem>>, vector<1x16xf32>,
    %swap3A_99 = arith.constant 1 : i32
    %swap3A_100 = arith.index_cast %swap3A_99 : i32 to index
    %swap3A_101 = arith.constant 96 : index
    %swap3A_102 = tpu.vector_load %arg17[%swap3A_100, %swap3A_101] {strides = array<i32>} : memref<16x128xf32, #tpu.memory_space<vmem>>, vector<1x16xf32>,
    %swap3A_103 = vector.shape_cast %swap3A_102 : vector<1x16xf32> to vector<16xf32>
    %swap3A_104 = vector.shape_cast %broadcast_in_dim3A_15 : vector<16xf32> to vector<1x16xf32>
    tpu.vector_store %arg17[%swap3A_100, %swap3A_101], %swap3A_104 {strides = array<i32>} : memref<16x128xf32, #tpu.memory_space<vmem>>, vector<1x16xf32>,
    %swap3A_105 = arith.constant 1 : i32
    %swap3A_106 = arith.index_cast %swap3A_105 : i32 to index
    %swap3A_107 = arith.constant 112 : index
    %swap3A_108 = tpu.vector_load %arg17[%swap3A_106, %swap3A_107] {strides = array<i32>} : memref<16x128xf32, #tpu.memory_space<vmem>>, vector<1x16xf32>,
    %swap3A_109 = vector.shape_cast %swap3A_108 : vector<1x16xf32> to vector<16xf32>
    %swap3A_110 = vector.shape_cast %broadcast_in_dim3A_15 : vector<16xf32> to vector<1x16xf32>
    tpu.vector_store %arg17[%swap3A_106, %swap3A_107], %swap3A_110 {strides = array<i32>} : memref<16x128xf32, #tpu.memory_space<vmem>>, vector<1x16xf32>,
    %swap3A_111 = arith.constant 2 : i32
    %swap3A_112 = arith.index_cast %swap3A_111 : i32 to index
    %swap3A_113 = arith.constant 0 : index
    %swap3A_114 = tpu.vector_load %arg17[%swap3A_112, %swap3A_113] {strides = array<i32>} : memref<16x128xf32, #tpu.memory_space<vmem>>, vector<1x16xf32>,
    %swap3A_115 = vector.shape_cast %swap3A_114 : vector<1x16xf32> to vector<16xf32>
    %swap3A_116 = vector.shape_cast %broadcast_in_dim3A_15 : vector<16xf32> to vector<1x16xf32>
    tpu.vector_store %arg17[%swap3A_112, %swap3A_113], %swap3A_116 {strides = array<i32>} : memref<16x128xf32, #tpu.memory_space<vmem>>, vector<1x16xf32>,
    %swap3A_117 = arith.constant 2 : i32
    %swap3A_118 = arith.index_cast %swap3A_117 : i32 to index
    %swap3A_119 = arith.constant 16 : index
    %swap3A_120 = tpu.vector_load %arg17[%swap3A_118, %swap3A_119] {strides = array<i32>} : memref<16x128xf32, #tpu.memory_space<vmem>>, vector<1x16xf32>,
    %swap3A_121 = vector.shape_cast %swap3A_120 : vector<1x16xf32> to vector<16xf32>
    %swap3A_122 = vector.shape_cast %broadcast_in_dim3A_15 : vector<16xf32> to vector<1x16xf32>
    tpu.vector_store %arg17[%swap3A_118, %swap3A_119], %swap3A_122 {strides = array<i32>} : memref<16x128xf32, #tpu.memory_space<vmem>>, vector<1x16xf32>,
    %swap3A_123 = arith.constant 2 : i32
    %swap3A_124 = arith.index_cast %swap3A_123 : i32 to index
    %swap3A_125 = arith.constant 32 : index
    %swap3A_126 = tpu.vector_load %arg17[%swap3A_124, %swap3A_125] {strides = array<i32>} : memref<16x128xf32, #tpu.memory_space<vmem>>, vector<1x16xf32>,
    %swap3A_127 = vector.shape_cast %swap3A_126 : vector<1x16xf32> to vector<16xf32>
    %swap3A_128 = vector.shape_cast %broadcast_in_dim3A_15 : vector<16xf32> to vector<1x16xf32>
    tpu.vector_store %arg17[%swap3A_124, %swap3A_125], %swap3A_128 {strides = array<i32>} : memref<16x128xf32, #tpu.memory_space<vmem>>, vector<1x16xf32>,
    %swap3A_129 = arith.constant 2 : i32
    %swap3A_130 = arith.index_cast %swap3A_129 : i32 to index
    %swap3A_131 = arith.constant 48 : index
    %swap3A_132 = tpu.vector_load %arg17[%swap3A_130, %swap3A_131] {strides = array<i32>} : memref<16x128xf32, #tpu.memory_space<vmem>>, vector<1x16xf32>,
    %swap3A_133 = vector.shape_cast %swap3A_132 : vector<1x16xf32> to vector<16xf32>
    %swap3A_134 = vector.shape_cast %broadcast_in_dim3A_15 : vector<16xf32> to vector<1x16xf32>
    tpu.vector_store %arg17[%swap3A_130, %swap3A_131], %swap3A_134 {strides = array<i32>} : memref<16x128xf32, #tpu.memory_space<vmem>>, vector<1x16xf32>,
    %swap3A_135 = arith.constant 2 : i32
    %swap3A_136 = arith.index_cast %swap3A_135 : i32 to index
    %swap3A_137 = arith.constant 64 : index
    %swap3A_138 = tpu.vector_load %arg17[%swap3A_136, %swap3A_137] {strides = array<i32>} : memref<16x128xf32, #tpu.memory_space<vmem>>, vector<1x16xf32>,
    %swap3A_139 = vector.shape_cast %swap3A_138 : vector<1x16xf32> to vector<16xf32>
    %swap3A_140 = vector.shape_cast %broadcast_in_dim3A_15 : vector<16xf32> to vector<1x16xf32>
    tpu.vector_store %arg17[%swap3A_136, %swap3A_137], %swap3A_140 {strides = array<i32>} : memref<16x128xf32, #tpu.memory_space<vmem>>, vector<1x16xf32>,
    %swap3A_141 = arith.constant 2 : i32
    %swap3A_142 = arith.index_cast %swap3A_141 : i32 to index
    %swap3A_143 = arith.constant 80 : index
    %swap3A_144 = tpu.vector_load %arg17[%swap3A_142, %swap3A_143] {strides = array<i32>} : memref<16x128xf32, #tpu.memory_space<vmem>>, vector<1x16xf32>,
    %swap3A_145 = vector.shape_cast %swap3A_144 : vector<1x16xf32> to vector<16xf32>
    %swap3A_146 = vector.shape_cast %broadcast_in_dim3A_15 : vector<16xf32> to vector<1x16xf32>
    tpu.vector_store %arg17[%swap3A_142, %swap3A_143], %swap3A_146 {strides = array<i32>} : memref<16x128xf32, #tpu.memory_space<vmem>>, vector<1x16xf32>,
    %swap3A_147 = arith.constant 2 : i32
    %swap3A_148 = arith.index_cast %swap3A_147 : i32 to index
    %swap3A_149 = arith.constant 96 : index
    %swap3A_150 = tpu.vector_load %arg17[%swap3A_148, %swap3A_149] {strides = array<i32>} : memref<16x128xf32, #tpu.memory_space<vmem>>, vector<1x16xf32>,
    %swap3A_151 = vector.shape_cast %swap3A_150 : vector<1x16xf32> to vector<16xf32>
    %swap3A_152 = vector.shape_cast %broadcast_in_dim3A_15 : vector<16xf32> to vector<1x16xf32>
    tpu.vector_store %arg17[%swap3A_148, %swap3A_149], %swap3A_152 {strides = array<i32>} : memref<16x128xf32, #tpu.memory_space<vmem>>, vector<1x16xf32>,
    %swap3A_153 = arith.constant 2 : i32
    %swap3A_154 = arith.index_cast %swap3A_153 : i32 to index
    %swap3A_155 = arith.constant 112 : index
    %swap3A_156 = tpu.vector_load %arg17[%swap3A_154, %swap3A_155] {strides = array<i32>} : memref<16x128xf32, #tpu.memory_space<vmem>>, vector<1x16xf32>,
    %swap3A_157 = vector.shape_cast %swap3A_156 : vector<1x16xf32> to vector<16xf32>
    %swap3A_158 = vector.shape_cast %broadcast_in_dim3A_15 : vector<16xf32> to vector<1x16xf32>
    tpu.vector_store %arg17[%swap3A_154, %swap3A_155], %swap3A_158 {strides = array<i32>} : memref<16x128xf32, #tpu.memory_space<vmem>>, vector<1x16xf32>,
    %swap3A_159 = arith.constant 3 : i32
    %swap3A_160 = arith.index_cast %swap3A_159 : i32 to index
    %swap3A_161 = arith.constant 0 : index
    %swap3A_162 = tpu.vector_load %arg17[%swap3A_160, %swap3A_161] {strides = array<i32>} : memref<16x128xf32, #tpu.memory_space<vmem>>, vector<1x16xf32>,
    %swap3A_163 = vector.shape_cast %swap3A_162 : vector<1x16xf32> to vector<16xf32>
    %swap3A_164 = vector.shape_cast %broadcast_in_dim3A_15 : vector<16xf32> to vector<1x16xf32>
    tpu.vector_store %arg17[%swap3A_160, %swap3A_161], %swap3A_164 {strides = array<i32>} : memref<16x128xf32, #tpu.memory_space<vmem>>, vector<1x16xf32>,
    %swap3A_165 = arith.constant 3 : i32
    %swap3A_166 = arith.index_cast %swap3A_165 : i32 to index
    %swap3A_167 = arith.constant 16 : index
    %swap3A_168 = tpu.vector_load %arg17[%swap3A_166, %swap3A_167] {strides = array<i32>} : memref<16x128xf32, #tpu.memory_space<vmem>>, vector<1x16xf32>,
    %swap3A_169 = vector.shape_cast %swap3A_168 : vector<1x16xf32> to vector<16xf32>
    %swap3A_170 = vector.shape_cast %broadcast_in_dim3A_15 : vector<16xf32> to vector<1x16xf32>
    tpu.vector_store %arg17[%swap3A_166, %swap3A_167], %swap3A_170 {strides = array<i32>} : memref<16x128xf32, #tpu.memory_space<vmem>>, vector<1x16xf32>,
    %swap3A_171 = arith.constant 3 : i32
    %swap3A_172 = arith.index_cast %swap3A_171 : i32 to index
    %swap3A_173 = arith.constant 32 : index
    %swap3A_174 = tpu.vector_load %arg17[%swap3A_172, %swap3A_173] {strides = array<i32>} : memref<16x128xf32, #tpu.memory_space<vmem>>, vector<1x16xf32>,
    %swap3A_175 = vector.shape_cast %swap3A_174 : vector<1x16xf32> to vector<16xf32>
    %swap3A_176 = vector.shape_cast %broadcast_in_dim3A_15 : vector<16xf32> to vector<1x16xf32>
    tpu.vector_store %arg17[%swap3A_172, %swap3A_173], %swap3A_176 {strides = array<i32>} : memref<16x128xf32, #tpu.memory_space<vmem>>, vector<1x16xf32>,
    %swap3A_177 = arith.constant 3 : i32
    %swap3A_178 = arith.index_cast %swap3A_177 : i32 to index
    %swap3A_179 = arith.constant 48 : index
    %swap3A_180 = tpu.vector_load %arg17[%swap3A_178, %swap3A_179] {strides = array<i32>} : memref<16x128xf32, #tpu.memory_space<vmem>>, vector<1x16xf32>,
    %swap3A_181 = vector.shape_cast %swap3A_180 : vector<1x16xf32> to vector<16xf32>
    %swap3A_182 = vector.shape_cast %broadcast_in_dim3A_15 : vector<16xf32> to vector<1x16xf32>
    tpu.vector_store %arg17[%swap3A_178, %swap3A_179], %swap3A_182 {strides = array<i32>} : memref<16x128xf32, #tpu.memory_space<vmem>>, vector<1x16xf32>,
    %swap3A_183 = arith.constant 3 : i32
    %swap3A_184 = arith.index_cast %swap3A_183 : i32 to index
    %swap3A_185 = arith.constant 64 : index
    %swap3A_186 = tpu.vector_load %arg17[%swap3A_184, %swap3A_185] {strides = array<i32>} : memref<16x128xf32, #tpu.memory_space<vmem>>, vector<1x16xf32>,
    %swap3A_187 = vector.shape_cast %swap3A_186 : vector<1x16xf32> to vector<16xf32>
    %swap3A_188 = vector.shape_cast %broadcast_in_dim3A_15 : vector<16xf32> to vector<1x16xf32>
    tpu.vector_store %arg17[%swap3A_184, %swap3A_185], %swap3A_188 {strides = array<i32>} : memref<16x128xf32, #tpu.memory_space<vmem>>, vector<1x16xf32>,
    %swap3A_189 = arith.constant 3 : i32
    %swap3A_190 = arith.index_cast %swap3A_189 : i32 to index
    %swap3A_191 = arith.constant 80 : index
    %swap3A_192 = tpu.vector_load %arg17[%swap3A_190, %swap3A_191] {strides = array<i32>} : memref<16x128xf32, #tpu.memory_space<vmem>>, vector<1x16xf32>,
    %swap3A_193 = vector.shape_cast %swap3A_192 : vector<1x16xf32> to vector<16xf32>
    %swap3A_194 = vector.shape_cast %broadcast_in_dim3A_15 : vector<16xf32> to vector<1x16xf32>
    tpu.vector_store %arg17[%swap3A_190, %swap3A_191], %swap3A_194 {strides = array<i32>} : memref<16x128xf32, #tpu.memory_space<vmem>>, vector<1x16xf32>,
    %swap3A_195 = arith.constant 3 : i32
    %swap3A_196 = arith.index_cast %swap3A_195 : i32 to index
    %swap3A_197 = arith.constant 96 : index
    %swap3A_198 = tpu.vector_load %arg17[%swap3A_196, %swap3A_197] {strides = array<i32>} : memref<16x128xf32, #tpu.memory_space<vmem>>, vector<1x16xf32>,
    %swap3A_199 = vector.shape_cast %swap3A_198 : vector<1x16xf32> to vector<16xf32>
    %swap3A_200 = vector.shape_cast %broadcast_in_dim3A_15 : vector<16xf32> to vector<1x16xf32>
    tpu.vector_store %arg17[%swap3A_196, %swap3A_197], %swap3A_200 {strides = array<i32>} : memref<16x128xf32, #tpu.memory_space<vmem>>, vector<1x16xf32>,
    %swap3A_201 = arith.constant 3 : i32
    %swap3A_202 = arith.index_cast %swap3A_201 : i32 to index
    %swap3A_203 = arith.constant 112 : index
    %swap3A_204 = tpu.vector_load %arg17[%swap3A_202, %swap3A_203] {strides = array<i32>} : memref<16x128xf32, #tpu.memory_space<vmem>>, vector<1x16xf32>,
    %swap3A_205 = vector.shape_cast %swap3A_204 : vector<1x16xf32> to vector<16xf32>
    %swap3A_206 = vector.shape_cast %broadcast_in_dim3A_15 : vector<16xf32> to vector<1x16xf32>
    tpu.vector_store %arg17[%swap3A_202, %swap3A_203], %swap3A_206 {strides = array<i32>} : memref<16x128xf32, #tpu.memory_space<vmem>>, vector<1x16xf32>,
    %swap3A_207 = arith.constant 4 : i32
    %swap3A_208 = arith.index_cast %swap3A_207 : i32 to index
    %swap3A_209 = arith.constant 0 : index
    %swap3A_210 = tpu.vector_load %arg17[%swap3A_208, %swap3A_209] {strides = array<i32>} : memref<16x128xf32, #tpu.memory_space<vmem>>, vector<1x16xf32>,
    %swap3A_211 = vector.shape_cast %swap3A_210 : vector<1x16xf32> to vector<16xf32>
    %swap3A_212 = vector.shape_cast %broadcast_in_dim3A_15 : vector<16xf32> to vector<1x16xf32>
    tpu.vector_store %arg17[%swap3A_208, %swap3A_209], %swap3A_212 {strides = array<i32>} : memref<16x128xf32, #tpu.memory_space<vmem>>, vector<1x16xf32>,
    %swap3A_213 = arith.constant 4 : i32
    %swap3A_214 = arith.index_cast %swap3A_213 : i32 to index
    %swap3A_215 = arith.constant 16 : index
    %swap3A_216 = tpu.vector_load %arg17[%swap3A_214, %swap3A_215] {strides = array<i32>} : memref<16x128xf32, #tpu.memory_space<vmem>>, vector<1x16xf32>,
    %swap3A_217 = vector.shape_cast %swap3A_216 : vector<1x16xf32> to vector<16xf32>
    %swap3A_218 = vector.shape_cast %broadcast_in_dim3A_15 : vector<16xf32> to vector<1x16xf32>
    tpu.vector_store %arg17[%swap3A_214, %swap3A_215], %swap3A_218 {strides = array<i32>} : memref<16x128xf32, #tpu.memory_space<vmem>>, vector<1x16xf32>,
    %swap3A_219 = arith.constant 4 : i32
    %swap3A_220 = arith.index_cast %swap3A_219 : i32 to index
    %swap3A_221 = arith.constant 32 : index
    %swap3A_222 = tpu.vector_load %arg17[%swap3A_220, %swap3A_221] {strides = array<i32>} : memref<16x128xf32, #tpu.memory_space<vmem>>, vector<1x16xf32>,
    %swap3A_223 = vector.shape_cast %swap3A_222 : vector<1x16xf32> to vector<16xf32>
    %swap3A_224 = vector.shape_cast %broadcast_in_dim3A_15 : vector<16xf32> to vector<1x16xf32>
    tpu.vector_store %arg17[%swap3A_220, %swap3A_221], %swap3A_224 {strides = array<i32>} : memref<16x128xf32, #tpu.memory_space<vmem>>, vector<1x16xf32>,
    %swap3A_225 = arith.constant 4 : i32
    %swap3A_226 = arith.index_cast %swap3A_225 : i32 to index
    %swap3A_227 = arith.constant 48 : index
    %swap3A_228 = tpu.vector_load %arg17[%swap3A_226, %swap3A_227] {strides = array<i32>} : memref<16x128xf32, #tpu.memory_space<vmem>>, vector<1x16xf32>,
    %swap3A_229 = vector.shape_cast %swap3A_228 : vector<1x16xf32> to vector<16xf32>
    %swap3A_230 = vector.shape_cast %broadcast_in_dim3A_15 : vector<16xf32> to vector<1x16xf32>
    tpu.vector_store %arg17[%swap3A_226, %swap3A_227], %swap3A_230 {strides = array<i32>} : memref<16x128xf32, #tpu.memory_space<vmem>>, vector<1x16xf32>,
    %swap3A_231 = arith.constant 4 : i32
    %swap3A_232 = arith.index_cast %swap3A_231 : i32 to index
    %swap3A_233 = arith.constant 64 : index
    %swap3A_234 = tpu.vector_load %arg17[%swap3A_232, %swap3A_233] {strides = array<i32>} : memref<16x128xf32, #tpu.memory_space<vmem>>, vector<1x16xf32>,
    %swap3A_235 = vector.shape_cast %swap3A_234 : vector<1x16xf32> to vector<16xf32>
    %swap3A_236 = vector.shape_cast %broadcast_in_dim3A_15 : vector<16xf32> to vector<1x16xf32>
    tpu.vector_store %arg17[%swap3A_232, %swap3A_233], %swap3A_236 {strides = array<i32>} : memref<16x128xf32, #tpu.memory_space<vmem>>, vector<1x16xf32>,
    %swap3A_237 = arith.constant 4 : i32
    %swap3A_238 = arith.index_cast %swap3A_237 : i32 to index
    %swap3A_239 = arith.constant 80 : index
    %swap3A_240 = tpu.vector_load %arg17[%swap3A_238, %swap3A_239] {strides = array<i32>} : memref<16x128xf32, #tpu.memory_space<vmem>>, vector<1x16xf32>,
    %swap3A_241 = vector.shape_cast %swap3A_240 : vector<1x16xf32> to vector<16xf32>
    %swap3A_242 = vector.shape_cast %broadcast_in_dim3A_15 : vector<16xf32> to vector<1x16xf32>
    tpu.vector_store %arg17[%swap3A_238, %swap3A_239], %swap3A_242 {strides = array<i32>} : memref<16x128xf32, #tpu.memory_space<vmem>>, vector<1x16xf32>,
    %swap3A_243 = arith.constant 4 : i32
    %swap3A_244 = arith.index_cast %swap3A_243 : i32 to index
    %swap3A_245 = arith.constant 96 : index
    %swap3A_246 = tpu.vector_load %arg17[%swap3A_244, %swap3A_245] {strides = array<i32>} : memref<16x128xf32, #tpu.memory_space<vmem>>, vector<1x16xf32>,
    %swap3A_247 = vector.shape_cast %swap3A_246 : vector<1x16xf32> to vector<16xf32>
    %swap3A_248 = vector.shape_cast %broadcast_in_dim3A_15 : vector<16xf32> to vector<1x16xf32>
    tpu.vector_store %arg17[%swap3A_244, %swap3A_245], %swap3A_248 {strides = array<i32>} : memref<16x128xf32, #tpu.memory_space<vmem>>, vector<1x16xf32>,
    %swap3A_249 = arith.constant 4 : i32
    %swap3A_250 = arith.index_cast %swap3A_249 : i32 to index
    %swap3A_251 = arith.constant 112 : index
    %swap3A_252 = tpu.vector_load %arg17[%swap3A_250, %swap3A_251] {strides = array<i32>} : memref<16x128xf32, #tpu.memory_space<vmem>>, vector<1x16xf32>,
    %swap3A_253 = vector.shape_cast %swap3A_252 : vector<1x16xf32> to vector<16xf32>
    %swap3A_254 = vector.shape_cast %broadcast_in_dim3A_15 : vector<16xf32> to vector<1x16xf32>
    tpu.vector_store %arg17[%swap3A_250, %swap3A_251], %swap3A_254 {strides = array<i32>} : memref<16x128xf32, #tpu.memory_space<vmem>>, vector<1x16xf32>,
    %swap3A_255 = arith.constant 5 : i32
    %swap3A_256 = arith.index_cast %swap3A_255 : i32 to index
    %swap3A_257 = arith.constant 0 : index
    %swap3A_258 = tpu.vector_load %arg17[%swap3A_256, %swap3A_257] {strides = array<i32>} : memref<16x128xf32, #tpu.memory_space<vmem>>, vector<1x16xf32>,
    %swap3A_259 = vector.shape_cast %swap3A_258 : vector<1x16xf32> to vector<16xf32>
    %swap3A_260 = vector.shape_cast %broadcast_in_dim3A_15 : vector<16xf32> to vector<1x16xf32>
    tpu.vector_store %arg17[%swap3A_256, %swap3A_257], %swap3A_260 {strides = array<i32>} : memref<16x128xf32, #tpu.memory_space<vmem>>, vector<1x16xf32>,
    %swap3A_261 = arith.constant 5 : i32
    %swap3A_262 = arith.index_cast %swap3A_261 : i32 to index
    %swap3A_263 = arith.constant 16 : index
    %swap3A_264 = tpu.vector_load %arg17[%swap3A_262, %swap3A_263] {strides = array<i32>} : memref<16x128xf32, #tpu.memory_space<vmem>>, vector<1x16xf32>,
    %swap3A_265 = vector.shape_cast %swap3A_264 : vector<1x16xf32> to vector<16xf32>
    %swap3A_266 = vector.shape_cast %broadcast_in_dim3A_15 : vector<16xf32> to vector<1x16xf32>
    tpu.vector_store %arg17[%swap3A_262, %swap3A_263], %swap3A_266 {strides = array<i32>} : memref<16x128xf32, #tpu.memory_space<vmem>>, vector<1x16xf32>,
    %swap3A_267 = arith.constant 5 : i32
    %swap3A_268 = arith.index_cast %swap3A_267 : i32 to index
    %swap3A_269 = arith.constant 32 : index
    %swap3A_270 = tpu.vector_load %arg17[%swap3A_268, %swap3A_269] {strides = array<i32>} : memref<16x128xf32, #tpu.memory_space<vmem>>, vector<1x16xf32>,
    %swap3A_271 = vector.shape_cast %swap3A_270 : vector<1x16xf32> to vector<16xf32>
    %swap3A_272 = vector.shape_cast %broadcast_in_dim3A_15 : vector<16xf32> to vector<1x16xf32>
    tpu.vector_store %arg17[%swap3A_268, %swap3A_269], %swap3A_272 {strides = array<i32>} : memref<16x128xf32, #tpu.memory_space<vmem>>, vector<1x16xf32>,
    %swap3A_273 = arith.constant 5 : i32
    %swap3A_274 = arith.index_cast %swap3A_273 : i32 to index
    %swap3A_275 = arith.constant 48 : index
    %swap3A_276 = tpu.vector_load %arg17[%swap3A_274, %swap3A_275] {strides = array<i32>} : memref<16x128xf32, #tpu.memory_space<vmem>>, vector<1x16xf32>,
    %swap3A_277 = vector.shape_cast %swap3A_276 : vector<1x16xf32> to vector<16xf32>
    %swap3A_278 = vector.shape_cast %broadcast_in_dim3A_15 : vector<16xf32> to vector<1x16xf32>
    tpu.vector_store %arg17[%swap3A_274, %swap3A_275], %swap3A_278 {strides = array<i32>} : memref<16x128xf32, #tpu.memory_space<vmem>>, vector<1x16xf32>,
    %swap3A_279 = arith.constant 5 : i32
    %swap3A_280 = arith.index_cast %swap3A_279 : i32 to index
    %swap3A_281 = arith.constant 64 : index
    %swap3A_282 = tpu.vector_load %arg17[%swap3A_280, %swap3A_281] {strides = array<i32>} : memref<16x128xf32, #tpu.memory_space<vmem>>, vector<1x16xf32>,
    %swap3A_283 = vector.shape_cast %swap3A_282 : vector<1x16xf32> to vector<16xf32>
    %swap3A_284 = vector.shape_cast %broadcast_in_dim3A_15 : vector<16xf32> to vector<1x16xf32>
    tpu.vector_store %arg17[%swap3A_280, %swap3A_281], %swap3A_284 {strides = array<i32>} : memref<16x128xf32, #tpu.memory_space<vmem>>, vector<1x16xf32>,
    %swap3A_285 = arith.constant 5 : i32
    %swap3A_286 = arith.index_cast %swap3A_285 : i32 to index
    %swap3A_287 = arith.constant 80 : index
    %swap3A_288 = tpu.vector_load %arg17[%swap3A_286, %swap3A_287] {strides = array<i32>} : memref<16x128xf32, #tpu.memory_space<vmem>>, vector<1x16xf32>,
    %swap3A_289 = vector.shape_cast %swap3A_288 : vector<1x16xf32> to vector<16xf32>
    %swap3A_290 = vector.shape_cast %broadcast_in_dim3A_15 : vector<16xf32> to vector<1x16xf32>
    tpu.vector_store %arg17[%swap3A_286, %swap3A_287], %swap3A_290 {strides = array<i32>} : memref<16x128xf32, #tpu.memory_space<vmem>>, vector<1x16xf32>,
    %swap3A_291 = arith.constant 5 : i32
    %swap3A_292 = arith.index_cast %swap3A_291 : i32 to index
    %swap3A_293 = arith.constant 96 : index
    %swap3A_294 = tpu.vector_load %arg17[%swap3A_292, %swap3A_293] {strides = array<i32>} : memref<16x128xf32, #tpu.memory_space<vmem>>, vector<1x16xf32>,
    %swap3A_295 = vector.shape_cast %swap3A_294 : vector<1x16xf32> to vector<16xf32>
    %swap3A_296 = vector.shape_cast %broadcast_in_dim3A_15 : vector<16xf32> to vector<1x16xf32>
    tpu.vector_store %arg17[%swap3A_292, %swap3A_293], %swap3A_296 {strides = array<i32>} : memref<16x128xf32, #tpu.memory_space<vmem>>, vector<1x16xf32>,
    %swap3A_297 = arith.constant 5 : i32
    %swap3A_298 = arith.index_cast %swap3A_297 : i32 to index
    %swap3A_299 = arith.constant 112 : index
    %swap3A_300 = tpu.vector_load %arg17[%swap3A_298, %swap3A_299] {strides = array<i32>} : memref<16x128xf32, #tpu.memory_space<vmem>>, vector<1x16xf32>,
    %swap3A_301 = vector.shape_cast %swap3A_300 : vector<1x16xf32> to vector<16xf32>
    %swap3A_302 = vector.shape_cast %broadcast_in_dim3A_15 : vector<16xf32> to vector<1x16xf32>
    tpu.vector_store %arg17[%swap3A_298, %swap3A_299], %swap3A_302 {strides = array<i32>} : memref<16x128xf32, #tpu.memory_space<vmem>>, vector<1x16xf32>,
    %swap3A_303 = arith.constant 6 : i32
    %swap3A_304 = arith.index_cast %swap3A_303 : i32 to index
    %swap3A_305 = arith.constant 0 : index
    %swap3A_306 = tpu.vector_load %arg17[%swap3A_304, %swap3A_305] {strides = array<i32>} : memref<16x128xf32, #tpu.memory_space<vmem>>, vector<1x16xf32>,
    %swap3A_307 = vector.shape_cast %swap3A_306 : vector<1x16xf32> to vector<16xf32>
    %swap3A_308 = vector.shape_cast %broadcast_in_dim3A_15 : vector<16xf32> to vector<1x16xf32>
    tpu.vector_store %arg17[%swap3A_304, %swap3A_305], %swap3A_308 {strides = array<i32>} : memref<16x128xf32, #tpu.memory_space<vmem>>, vector<1x16xf32>,
    %swap3A_309 = arith.constant 6 : i32
    %swap3A_310 = arith.index_cast %swap3A_309 : i32 to index
    %swap3A_311 = arith.constant 16 : index
    %swap3A_312 = tpu.vector_load %arg17[%swap3A_310, %swap3A_311] {strides = array<i32>} : memref<16x128xf32, #tpu.memory_space<vmem>>, vector<1x16xf32>,
    %swap3A_313 = vector.shape_cast %swap3A_312 : vector<1x16xf32> to vector<16xf32>
    %swap3A_314 = vector.shape_cast %broadcast_in_dim3A_15 : vector<16xf32> to vector<1x16xf32>
    tpu.vector_store %arg17[%swap3A_310, %swap3A_311], %swap3A_314 {strides = array<i32>} : memref<16x128xf32, #tpu.memory_space<vmem>>, vector<1x16xf32>,
    %swap3A_315 = arith.constant 6 : i32
    %swap3A_316 = arith.index_cast %swap3A_315 : i32 to index
    %swap3A_317 = arith.constant 32 : index
    %swap3A_318 = tpu.vector_load %arg17[%swap3A_316, %swap3A_317] {strides = array<i32>} : memref<16x128xf32, #tpu.memory_space<vmem>>, vector<1x16xf32>,
    %swap3A_319 = vector.shape_cast %swap3A_318 : vector<1x16xf32> to vector<16xf32>
    %swap3A_320 = vector.shape_cast %broadcast_in_dim3A_15 : vector<16xf32> to vector<1x16xf32>
    tpu.vector_store %arg17[%swap3A_316, %swap3A_317], %swap3A_320 {strides = array<i32>} : memref<16x128xf32, #tpu.memory_space<vmem>>, vector<1x16xf32>,
    %swap3A_321 = arith.constant 6 : i32
    %swap3A_322 = arith.index_cast %swap3A_321 : i32 to index
    %swap3A_323 = arith.constant 48 : index
    %swap3A_324 = tpu.vector_load %arg17[%swap3A_322, %swap3A_323] {strides = array<i32>} : memref<16x128xf32, #tpu.memory_space<vmem>>, vector<1x16xf32>,
    %swap3A_325 = vector.shape_cast %swap3A_324 : vector<1x16xf32> to vector<16xf32>
    %swap3A_326 = vector.shape_cast %broadcast_in_dim3A_15 : vector<16xf32> to vector<1x16xf32>
    tpu.vector_store %arg17[%swap3A_322, %swap3A_323], %swap3A_326 {strides = array<i32>} : memref<16x128xf32, #tpu.memory_space<vmem>>, vector<1x16xf32>,
    %swap3A_327 = arith.constant 6 : i32
    %swap3A_328 = arith.index_cast %swap3A_327 : i32 to index
    %swap3A_329 = arith.constant 64 : index
    %swap3A_330 = tpu.vector_load %arg17[%swap3A_328, %swap3A_329] {strides = array<i32>} : memref<16x128xf32, #tpu.memory_space<vmem>>, vector<1x16xf32>,
    %swap3A_331 = vector.shape_cast %swap3A_330 : vector<1x16xf32> to vector<16xf32>
    %swap3A_332 = vector.shape_cast %broadcast_in_dim3A_15 : vector<16xf32> to vector<1x16xf32>
    tpu.vector_store %arg17[%swap3A_328, %swap3A_329], %swap3A_332 {strides = array<i32>} : memref<16x128xf32, #tpu.memory_space<vmem>>, vector<1x16xf32>,
    %swap3A_333 = arith.constant 6 : i32
    %swap3A_334 = arith.index_cast %swap3A_333 : i32 to index
    %swap3A_335 = arith.constant 80 : index
    %swap3A_336 = tpu.vector_load %arg17[%swap3A_334, %swap3A_335] {strides = array<i32>} : memref<16x128xf32, #tpu.memory_space<vmem>>, vector<1x16xf32>,
    %swap3A_337 = vector.shape_cast %swap3A_336 : vector<1x16xf32> to vector<16xf32>
    %swap3A_338 = vector.shape_cast %broadcast_in_dim3A_15 : vector<16xf32> to vector<1x16xf32>
    tpu.vector_store %arg17[%swap3A_334, %swap3A_335], %swap3A_338 {strides = array<i32>} : memref<16x128xf32, #tpu.memory_space<vmem>>, vector<1x16xf32>,
    %swap3A_339 = arith.constant 6 : i32
    %swap3A_340 = arith.index_cast %swap3A_339 : i32 to index
    %swap3A_341 = arith.constant 96 : index
    %swap3A_342 = tpu.vector_load %arg17[%swap3A_340, %swap3A_341] {strides = array<i32>} : memref<16x128xf32, #tpu.memory_space<vmem>>, vector<1x16xf32>,
    %swap3A_343 = vector.shape_cast %swap3A_342 : vector<1x16xf32> to vector<16xf32>
    %swap3A_344 = vector.shape_cast %broadcast_in_dim3A_15 : vector<16xf32> to vector<1x16xf32>
    tpu.vector_store %arg17[%swap3A_340, %swap3A_341], %swap3A_344 {strides = array<i32>} : memref<16x128xf32, #tpu.memory_space<vmem>>, vector<1x16xf32>,
    %swap3A_345 = arith.constant 6 : i32
    %swap3A_346 = arith.index_cast %swap3A_345 : i32 to index
    %swap3A_347 = arith.constant 112 : index
    %swap3A_348 = tpu.vector_load %arg17[%swap3A_346, %swap3A_347] {strides = array<i32>} : memref<16x128xf32, #tpu.memory_space<vmem>>, vector<1x16xf32>,
    %swap3A_349 = vector.shape_cast %swap3A_348 : vector<1x16xf32> to vector<16xf32>
    %swap3A_350 = vector.shape_cast %broadcast_in_dim3A_15 : vector<16xf32> to vector<1x16xf32>
    tpu.vector_store %arg17[%swap3A_346, %swap3A_347], %swap3A_350 {strides = array<i32>} : memref<16x128xf32, #tpu.memory_space<vmem>>, vector<1x16xf32>,
    %swap3A_351 = arith.constant 7 : i32
    %swap3A_352 = arith.index_cast %swap3A_351 : i32 to index
    %swap3A_353 = arith.constant 0 : index
    %swap3A_354 = tpu.vector_load %arg17[%swap3A_352, %swap3A_353] {strides = array<i32>} : memref<16x128xf32, #tpu.memory_space<vmem>>, vector<1x16xf32>,
    %swap3A_355 = vector.shape_cast %swap3A_354 : vector<1x16xf32> to vector<16xf32>
    %swap3A_356 = vector.shape_cast %broadcast_in_dim3A_15 : vector<16xf32> to vector<1x16xf32>
    tpu.vector_store %arg17[%swap3A_352, %swap3A_353], %swap3A_356 {strides = array<i32>} : memref<16x128xf32, #tpu.memory_space<vmem>>, vector<1x16xf32>,
    %swap3A_357 = arith.constant 7 : i32
    %swap3A_358 = arith.index_cast %swap3A_357 : i32 to index
    %swap3A_359 = arith.constant 16 : index
    %swap3A_360 = tpu.vector_load %arg17[%swap3A_358, %swap3A_359] {strides = array<i32>} : memref<16x128xf32, #tpu.memory_space<vmem>>, vector<1x16xf32>,
    %swap3A_361 = vector.shape_cast %swap3A_360 : vector<1x16xf32> to vector<16xf32>
    %swap3A_362 = vector.shape_cast %broadcast_in_dim3A_15 : vector<16xf32> to vector<1x16xf32>
    tpu.vector_store %arg17[%swap3A_358, %swap3A_359], %swap3A_362 {strides = array<i32>} : memref<16x128xf32, #tpu.memory_space<vmem>>, vector<1x16xf32>,
    %swap3A_363 = arith.constant 7 : i32
    %swap3A_364 = arith.index_cast %swap3A_363 : i32 to index
    %swap3A_365 = arith.constant 32 : index
    %swap3A_366 = tpu.vector_load %arg17[%swap3A_364, %swap3A_365] {strides = array<i32>} : memref<16x128xf32, #tpu.memory_space<vmem>>, vector<1x16xf32>,
    %swap3A_367 = vector.shape_cast %swap3A_366 : vector<1x16xf32> to vector<16xf32>
    %swap3A_368 = vector.shape_cast %broadcast_in_dim3A_15 : vector<16xf32> to vector<1x16xf32>
    tpu.vector_store %arg17[%swap3A_364, %swap3A_365], %swap3A_368 {strides = array<i32>} : memref<16x128xf32, #tpu.memory_space<vmem>>, vector<1x16xf32>,
    %swap3A_369 = arith.constant 7 : i32
    %swap3A_370 = arith.index_cast %swap3A_369 : i32 to index
    %swap3A_371 = arith.constant 48 : index
    %swap3A_372 = tpu.vector_load %arg17[%swap3A_370, %swap3A_371] {strides = array<i32>} : memref<16x128xf32, #tpu.memory_space<vmem>>, vector<1x16xf32>,
    %swap3A_373 = vector.shape_cast %swap3A_372 : vector<1x16xf32> to vector<16xf32>
    %swap3A_374 = vector.shape_cast %broadcast_in_dim3A_15 : vector<16xf32> to vector<1x16xf32>
    tpu.vector_store %arg17[%swap3A_370, %swap3A_371], %swap3A_374 {strides = array<i32>} : memref<16x128xf32, #tpu.memory_space<vmem>>, vector<1x16xf32>,
    %swap3A_375 = arith.constant 7 : i32
    %swap3A_376 = arith.index_cast %swap3A_375 : i32 to index
    %swap3A_377 = arith.constant 64 : index
    %swap3A_378 = tpu.vector_load %arg17[%swap3A_376, %swap3A_377] {strides = array<i32>} : memref<16x128xf32, #tpu.memory_space<vmem>>, vector<1x16xf32>,
    %swap3A_379 = vector.shape_cast %swap3A_378 : vector<1x16xf32> to vector<16xf32>
    %swap3A_380 = vector.shape_cast %broadcast_in_dim3A_15 : vector<16xf32> to vector<1x16xf32>
    tpu.vector_store %arg17[%swap3A_376, %swap3A_377], %swap3A_380 {strides = array<i32>} : memref<16x128xf32, #tpu.memory_space<vmem>>, vector<1x16xf32>,
    %swap3A_381 = arith.constant 7 : i32
    %swap3A_382 = arith.index_cast %swap3A_381 : i32 to index
    %swap3A_383 = arith.constant 80 : index
    %swap3A_384 = tpu.vector_load %arg17[%swap3A_382, %swap3A_383] {strides = array<i32>} : memref<16x128xf32, #tpu.memory_space<vmem>>, vector<1x16xf32>,
    %swap3A_385 = vector.shape_cast %swap3A_384 : vector<1x16xf32> to vector<16xf32>
    %swap3A_386 = vector.shape_cast %broadcast_in_dim3A_15 : vector<16xf32> to vector<1x16xf32>
    tpu.vector_store %arg17[%swap3A_382, %swap3A_383], %swap3A_386 {strides = array<i32>} : memref<16x128xf32, #tpu.memory_space<vmem>>, vector<1x16xf32>,
    %swap3A_387 = arith.constant 7 : i32
    %swap3A_388 = arith.index_cast %swap3A_387 : i32 to index
    %swap3A_389 = arith.constant 96 : index
    %swap3A_390 = tpu.vector_load %arg17[%swap3A_388, %swap3A_389] {strides = array<i32>} : memref<16x128xf32, #tpu.memory_space<vmem>>, vector<1x16xf32>,
    %swap3A_391 = vector.shape_cast %swap3A_390 : vector<1x16xf32> to vector<16xf32>
    %swap3A_392 = vector.shape_cast %broadcast_in_dim3A_15 : vector<16xf32> to vector<1x16xf32>
    tpu.vector_store %arg17[%swap3A_388, %swap3A_389], %swap3A_392 {strides = array<i32>} : memref<16x128xf32, #tpu.memory_space<vmem>>, vector<1x16xf32>,
    %swap3A_393 = arith.constant 7 : i32
    %swap3A_394 = arith.index_cast %swap3A_393 : i32 to index
    %swap3A_395 = arith.constant 112 : index
    %swap3A_396 = tpu.vector_load %arg17[%swap3A_394, %swap3A_395] {strides = array<i32>} : memref<16x128xf32, #tpu.memory_space<vmem>>, vector<1x16xf32>,
    %swap3A_397 = vector.shape_cast %swap3A_396 : vector<1x16xf32> to vector<16xf32>
    %swap3A_398 = vector.shape_cast %broadcast_in_dim3A_15 : vector<16xf32> to vector<1x16xf32>
    tpu.vector_store %arg17[%swap3A_394, %swap3A_395], %swap3A_398 {strides = array<i32>} : memref<16x128xf32, #tpu.memory_space<vmem>>, vector<1x16xf32>,
    %swap3A_399 = arith.constant 8 : i32
    %swap3A_400 = arith.index_cast %swap3A_399 : i32 to index
    %swap3A_401 = arith.constant 0 : index
    %swap3A_402 = tpu.vector_load %arg17[%swap3A_400, %swap3A_401] {strides = array<i32>} : memref<16x128xf32, #tpu.memory_space<vmem>>, vector<1x16xf32>,
    %swap3A_403 = vector.shape_cast %swap3A_402 : vector<1x16xf32> to vector<16xf32>
    %swap3A_404 = vector.shape_cast %broadcast_in_dim3A_15 : vector<16xf32> to vector<1x16xf32>
    tpu.vector_store %arg17[%swap3A_400, %swap3A_401], %swap3A_404 {strides = array<i32>} : memref<16x128xf32, #tpu.memory_space<vmem>>, vector<1x16xf32>,
    %swap3A_405 = arith.constant 8 : i32
    %swap3A_406 = arith.index_cast %swap3A_405 : i32 to index
    %swap3A_407 = arith.constant 16 : index
    %swap3A_408 = tpu.vector_load %arg17[%swap3A_406, %swap3A_407] {strides = array<i32>} : memref<16x128xf32, #tpu.memory_space<vmem>>, vector<1x16xf32>,
    %swap3A_409 = vector.shape_cast %swap3A_408 : vector<1x16xf32> to vector<16xf32>
    %swap3A_410 = vector.shape_cast %broadcast_in_dim3A_15 : vector<16xf32> to vector<1x16xf32>
    tpu.vector_store %arg17[%swap3A_406, %swap3A_407], %swap3A_410 {strides = array<i32>} : memref<16x128xf32, #tpu.memory_space<vmem>>, vector<1x16xf32>,
    %swap3A_411 = arith.constant 8 : i32
    %swap3A_412 = arith.index_cast %swap3A_411 : i32 to index
    %swap3A_413 = arith.constant 32 : index
    %swap3A_414 = tpu.vector_load %arg17[%swap3A_412, %swap3A_413] {strides = array<i32>} : memref<16x128xf32, #tpu.memory_space<vmem>>, vector<1x16xf32>,
    %swap3A_415 = vector.shape_cast %swap3A_414 : vector<1x16xf32> to vector<16xf32>
    %swap3A_416 = vector.shape_cast %broadcast_in_dim3A_15 : vector<16xf32> to vector<1x16xf32>
    tpu.vector_store %arg17[%swap3A_412, %swap3A_413], %swap3A_416 {strides = array<i32>} : memref<16x128xf32, #tpu.memory_space<vmem>>, vector<1x16xf32>,
    %swap3A_417 = arith.constant 8 : i32
    %swap3A_418 = arith.index_cast %swap3A_417 : i32 to index
    %swap3A_419 = arith.constant 48 : index
    %swap3A_420 = tpu.vector_load %arg17[%swap3A_418, %swap3A_419] {strides = array<i32>} : memref<16x128xf32, #tpu.memory_space<vmem>>, vector<1x16xf32>,
    %swap3A_421 = vector.shape_cast %swap3A_420 : vector<1x16xf32> to vector<16xf32>
    %swap3A_422 = vector.shape_cast %broadcast_in_dim3A_15 : vector<16xf32> to vector<1x16xf32>
    tpu.vector_store %arg17[%swap3A_418, %swap3A_419], %swap3A_422 {strides = array<i32>} : memref<16x128xf32, #tpu.memory_space<vmem>>, vector<1x16xf32>,
    %swap3A_423 = arith.constant 8 : i32
    %swap3A_424 = arith.index_cast %swap3A_423 : i32 to index
    %swap3A_425 = arith.constant 64 : index
    %swap3A_426 = tpu.vector_load %arg17[%swap3A_424, %swap3A_425] {strides = array<i32>} : memref<16x128xf32, #tpu.memory_space<vmem>>, vector<1x16xf32>,
    %swap3A_427 = vector.shape_cast %swap3A_426 : vector<1x16xf32> to vector<16xf32>
    %swap3A_428 = vector.shape_cast %broadcast_in_dim3A_15 : vector<16xf32> to vector<1x16xf32>
    tpu.vector_store %arg17[%swap3A_424, %swap3A_425], %swap3A_428 {strides = array<i32>} : memref<16x128xf32, #tpu.memory_space<vmem>>, vector<1x16xf32>,
    %swap3A_429 = arith.constant 8 : i32
    %swap3A_430 = arith.index_cast %swap3A_429 : i32 to index
    %swap3A_431 = arith.constant 80 : index
    %swap3A_432 = tpu.vector_load %arg17[%swap3A_430, %swap3A_431] {strides = array<i32>} : memref<16x128xf32, #tpu.memory_space<vmem>>, vector<1x16xf32>,
    %swap3A_433 = vector.shape_cast %swap3A_432 : vector<1x16xf32> to vector<16xf32>
    %swap3A_434 = vector.shape_cast %broadcast_in_dim3A_15 : vector<16xf32> to vector<1x16xf32>
    tpu.vector_store %arg17[%swap3A_430, %swap3A_431], %swap3A_434 {strides = array<i32>} : memref<16x128xf32, #tpu.memory_space<vmem>>, vector<1x16xf32>,
    %swap3A_435 = arith.constant 8 : i32
    %swap3A_436 = arith.index_cast %swap3A_435 : i32 to index
    %swap3A_437 = arith.constant 96 : index
    %swap3A_438 = tpu.vector_load %arg17[%swap3A_436, %swap3A_437] {strides = array<i32>} : memref<16x128xf32, #tpu.memory_space<vmem>>, vector<1x16xf32>,
    %swap3A_439 = vector.shape_cast %swap3A_438 : vector<1x16xf32> to vector<16xf32>
    %swap3A_440 = vector.shape_cast %broadcast_in_dim3A_15 : vector<16xf32> to vector<1x16xf32>
    tpu.vector_store %arg17[%swap3A_436, %swap3A_437], %swap3A_440 {strides = array<i32>} : memref<16x128xf32, #tpu.memory_space<vmem>>, vector<1x16xf32>,
    %swap3A_441 = arith.constant 8 : i32
    %swap3A_442 = arith.index_cast %swap3A_441 : i32 to index
    %swap3A_443 = arith.constant 112 : index
    %swap3A_444 = tpu.vector_load %arg17[%swap3A_442, %swap3A_443] {strides = array<i32>} : memref<16x128xf32, #tpu.memory_space<vmem>>, vector<1x16xf32>,
    %swap3A_445 = vector.shape_cast %swap3A_444 : vector<1x16xf32> to vector<16xf32>
    %swap3A_446 = vector.shape_cast %broadcast_in_dim3A_15 : vector<16xf32> to vector<1x16xf32>
    tpu.vector_store %arg17[%swap3A_442, %swap3A_443], %swap3A_446 {strides = array<i32>} : memref<16x128xf32, #tpu.memory_space<vmem>>, vector<1x16xf32>,
    %swap3A_447 = arith.constant 9 : i32
    %swap3A_448 = arith.index_cast %swap3A_447 : i32 to index
    %swap3A_449 = arith.constant 0 : index
    %swap3A_450 = tpu.vector_load %arg17[%swap3A_448, %swap3A_449] {strides = array<i32>} : memref<16x128xf32, #tpu.memory_space<vmem>>, vector<1x16xf32>,
    %swap3A_451 = vector.shape_cast %swap3A_450 : vector<1x16xf32> to vector<16xf32>
    %swap3A_452 = vector.shape_cast %broadcast_in_dim3A_15 : vector<16xf32> to vector<1x16xf32>
    tpu.vector_store %arg17[%swap3A_448, %swap3A_449], %swap3A_452 {strides = array<i32>} : memref<16x128xf32, #tpu.memory_space<vmem>>, vector<1x16xf32>,
    %swap3A_453 = arith.constant 9 : i32
    %swap3A_454 = arith.index_cast %swap3A_453 : i32 to index
    %swap3A_455 = arith.constant 16 : index
    %swap3A_456 = tpu.vector_load %arg17[%swap3A_454, %swap3A_455] {strides = array<i32>} : memref<16x128xf32, #tpu.memory_space<vmem>>, vector<1x16xf32>,
    %swap3A_457 = vector.shape_cast %swap3A_456 : vector<1x16xf32> to vector<16xf32>
    %swap3A_458 = vector.shape_cast %broadcast_in_dim3A_15 : vector<16xf32> to vector<1x16xf32>
    tpu.vector_store %arg17[%swap3A_454, %swap3A_455], %swap3A_458 {strides = array<i32>} : memref<16x128xf32, #tpu.memory_space<vmem>>, vector<1x16xf32>,
    %swap3A_459 = arith.constant 9 : i32
    %swap3A_460 = arith.index_cast %swap3A_459 : i32 to index
    %swap3A_461 = arith.constant 32 : index
    %swap3A_462 = tpu.vector_load %arg17[%swap3A_460, %swap3A_461] {strides = array<i32>} : memref<16x128xf32, #tpu.memory_space<vmem>>, vector<1x16xf32>,
    %swap3A_463 = vector.shape_cast %swap3A_462 : vector<1x16xf32> to vector<16xf32>
    %swap3A_464 = vector.shape_cast %broadcast_in_dim3A_15 : vector<16xf32> to vector<1x16xf32>
    tpu.vector_store %arg17[%swap3A_460, %swap3A_461], %swap3A_464 {strides = array<i32>} : memref<16x128xf32, #tpu.memory_space<vmem>>, vector<1x16xf32>,
    %swap3A_465 = arith.constant 9 : i32
    %swap3A_466 = arith.index_cast %swap3A_465 : i32 to index
    %swap3A_467 = arith.constant 48 : index
    %swap3A_468 = tpu.vector_load %arg17[%swap3A_466, %swap3A_467] {strides = array<i32>} : memref<16x128xf32, #tpu.memory_space<vmem>>, vector<1x16xf32>,
    %swap3A_469 = vector.shape_cast %swap3A_468 : vector<1x16xf32> to vector<16xf32>
    %swap3A_470 = vector.shape_cast %broadcast_in_dim3A_15 : vector<16xf32> to vector<1x16xf32>
    tpu.vector_store %arg17[%swap3A_466, %swap3A_467], %swap3A_470 {strides = array<i32>} : memref<16x128xf32, #tpu.memory_space<vmem>>, vector<1x16xf32>,
    %swap3A_471 = arith.constant 9 : i32
    %swap3A_472 = arith.index_cast %swap3A_471 : i32 to index
    %swap3A_473 = arith.constant 64 : index
    %swap3A_474 = tpu.vector_load %arg17[%swap3A_472, %swap3A_473] {strides = array<i32>} : memref<16x128xf32, #tpu.memory_space<vmem>>, vector<1x16xf32>,
    %swap3A_475 = vector.shape_cast %swap3A_474 : vector<1x16xf32> to vector<16xf32>
    %swap3A_476 = vector.shape_cast %broadcast_in_dim3A_15 : vector<16xf32> to vector<1x16xf32>
    tpu.vector_store %arg17[%swap3A_472, %swap3A_473], %swap3A_476 {strides = array<i32>} : memref<16x128xf32, #tpu.memory_space<vmem>>, vector<1x16xf32>,
    %swap3A_477 = arith.constant 9 : i32
    %swap3A_478 = arith.index_cast %swap3A_477 : i32 to index
    %swap3A_479 = arith.constant 80 : index
    %swap3A_480 = tpu.vector_load %arg17[%swap3A_478, %swap3A_479] {strides = array<i32>} : memref<16x128xf32, #tpu.memory_space<vmem>>, vector<1x16xf32>,
    %swap3A_481 = vector.shape_cast %swap3A_480 : vector<1x16xf32> to vector<16xf32>
    %swap3A_482 = vector.shape_cast %broadcast_in_dim3A_15 : vector<16xf32> to vector<1x16xf32>
    tpu.vector_store %arg17[%swap3A_478, %swap3A_479], %swap3A_482 {strides = array<i32>} : memref<16x128xf32, #tpu.memory_space<vmem>>, vector<1x16xf32>,
    %swap3A_483 = arith.constant 9 : i32
    %swap3A_484 = arith.index_cast %swap3A_483 : i32 to index
    %swap3A_485 = arith.constant 96 : index
    %swap3A_486 = tpu.vector_load %arg17[%swap3A_484, %swap3A_485] {strides = array<i32>} : memref<16x128xf32, #tpu.memory_space<vmem>>, vector<1x16xf32>,
    %swap3A_487 = vector.shape_cast %swap3A_486 : vector<1x16xf32> to vector<16xf32>
    %swap3A_488 = vector.shape_cast %broadcast_in_dim3A_15 : vector<16xf32> to vector<1x16xf32>
    tpu.vector_store %arg17[%swap3A_484, %swap3A_485], %swap3A_488 {strides = array<i32>} : memref<16x128xf32, #tpu.memory_space<vmem>>, vector<1x16xf32>,
    %swap3A_489 = arith.constant 9 : i32
    %swap3A_490 = arith.index_cast %swap3A_489 : i32 to index
    %swap3A_491 = arith.constant 112 : index
    %swap3A_492 = tpu.vector_load %arg17[%swap3A_490, %swap3A_491] {strides = array<i32>} : memref<16x128xf32, #tpu.memory_space<vmem>>, vector<1x16xf32>,
    %swap3A_493 = vector.shape_cast %swap3A_492 : vector<1x16xf32> to vector<16xf32>
    %swap3A_494 = vector.shape_cast %broadcast_in_dim3A_15 : vector<16xf32> to vector<1x16xf32>
    tpu.vector_store %arg17[%swap3A_490, %swap3A_491], %swap3A_494 {strides = array<i32>} : memref<16x128xf32, #tpu.memory_space<vmem>>, vector<1x16xf32>,
    %swap3A_495 = arith.constant 10 : i32
    %swap3A_496 = arith.index_cast %swap3A_495 : i32 to index
    %swap3A_497 = arith.constant 0 : index
    %swap3A_498 = tpu.vector_load %arg17[%swap3A_496, %swap3A_497] {strides = array<i32>} : memref<16x128xf32, #tpu.memory_space<vmem>>, vector<1x16xf32>,
    %swap3A_499 = vector.shape_cast %swap3A_498 : vector<1x16xf32> to vector<16xf32>
    %swap3A_500 = vector.shape_cast %broadcast_in_dim3A_15 : vector<16xf32> to vector<1x16xf32>
    tpu.vector_store %arg17[%swap3A_496, %swap3A_497], %swap3A_500 {strides = array<i32>} : memref<16x128xf32, #tpu.memory_space<vmem>>, vector<1x16xf32>,
    %swap3A_501 = arith.constant 10 : i32
    %swap3A_502 = arith.index_cast %swap3A_501 : i32 to index
    %swap3A_503 = arith.constant 16 : index
    %swap3A_504 = tpu.vector_load %arg17[%swap3A_502, %swap3A_503] {strides = array<i32>} : memref<16x128xf32, #tpu.memory_space<vmem>>, vector<1x16xf32>,
    %swap3A_505 = vector.shape_cast %swap3A_504 : vector<1x16xf32> to vector<16xf32>
    %swap3A_506 = vector.shape_cast %broadcast_in_dim3A_15 : vector<16xf32> to vector<1x16xf32>
    tpu.vector_store %arg17[%swap3A_502, %swap3A_503], %swap3A_506 {strides = array<i32>} : memref<16x128xf32, #tpu.memory_space<vmem>>, vector<1x16xf32>,
    %swap3A_507 = arith.constant 10 : i32
    %swap3A_508 = arith.index_cast %swap3A_507 : i32 to index
    %swap3A_509 = arith.constant 32 : index
    %swap3A_510 = tpu.vector_load %arg17[%swap3A_508, %swap3A_509] {strides = array<i32>} : memref<16x128xf32, #tpu.memory_space<vmem>>, vector<1x16xf32>,
    %swap3A_511 = vector.shape_cast %swap3A_510 : vector<1x16xf32> to vector<16xf32>
    %swap3A_512 = vector.shape_cast %broadcast_in_dim3A_15 : vector<16xf32> to vector<1x16xf32>
    tpu.vector_store %arg17[%swap3A_508, %swap3A_509], %swap3A_512 {strides = array<i32>} : memref<16x128xf32, #tpu.memory_space<vmem>>, vector<1x16xf32>,
    %swap3A_513 = arith.constant 10 : i32
    %swap3A_514 = arith.index_cast %swap3A_513 : i32 to index
    %swap3A_515 = arith.constant 48 : index
    %swap3A_516 = tpu.vector_load %arg17[%swap3A_514, %swap3A_515] {strides = array<i32>} : memref<16x128xf32, #tpu.memory_space<vmem>>, vector<1x16xf32>,
    %swap3A_517 = vector.shape_cast %swap3A_516 : vector<1x16xf32> to vector<16xf32>
    %swap3A_518 = vector.shape_cast %broadcast_in_dim3A_15 : vector<16xf32> to vector<1x16xf32>
    tpu.vector_store %arg17[%swap3A_514, %swap3A_515], %swap3A_518 {strides = array<i32>} : memref<16x128xf32, #tpu.memory_space<vmem>>, vector<1x16xf32>,
    %swap3A_519 = arith.constant 10 : i32
    %swap3A_520 = arith.index_cast %swap3A_519 : i32 to index
    %swap3A_521 = arith.constant 64 : index
    %swap3A_522 = tpu.vector_load %arg17[%swap3A_520, %swap3A_521] {strides = array<i32>} : memref<16x128xf32, #tpu.memory_space<vmem>>, vector<1x16xf32>,
    %swap3A_523 = vector.shape_cast %swap3A_522 : vector<1x16xf32> to vector<16xf32>
    %swap3A_524 = vector.shape_cast %broadcast_in_dim3A_15 : vector<16xf32> to vector<1x16xf32>
    tpu.vector_store %arg17[%swap3A_520, %swap3A_521], %swap3A_524 {strides = array<i32>} : memref<16x128xf32, #tpu.memory_space<vmem>>, vector<1x16xf32>,
    %swap3A_525 = arith.constant 10 : i32
    %swap3A_526 = arith.index_cast %swap3A_525 : i32 to index
    %swap3A_527 = arith.constant 80 : index
    %swap3A_528 = tpu.vector_load %arg17[%swap3A_526, %swap3A_527] {strides = array<i32>} : memref<16x128xf32, #tpu.memory_space<vmem>>, vector<1x16xf32>,
    %swap3A_529 = vector.shape_cast %swap3A_528 : vector<1x16xf32> to vector<16xf32>
    %swap3A_530 = vector.shape_cast %broadcast_in_dim3A_15 : vector<16xf32> to vector<1x16xf32>
    tpu.vector_store %arg17[%swap3A_526, %swap3A_527], %swap3A_530 {strides = array<i32>} : memref<16x128xf32, #tpu.memory_space<vmem>>, vector<1x16xf32>,
    %swap3A_531 = arith.constant 10 : i32
    %swap3A_532 = arith.index_cast %swap3A_531 : i32 to index
    %swap3A_533 = arith.constant 96 : index
    %swap3A_534 = tpu.vector_load %arg17[%swap3A_532, %swap3A_533] {strides = array<i32>} : memref<16x128xf32, #tpu.memory_space<vmem>>, vector<1x16xf32>,
    %swap3A_535 = vector.shape_cast %swap3A_534 : vector<1x16xf32> to vector<16xf32>
    %swap3A_536 = vector.shape_cast %broadcast_in_dim3A_15 : vector<16xf32> to vector<1x16xf32>
    tpu.vector_store %arg17[%swap3A_532, %swap3A_533], %swap3A_536 {strides = array<i32>} : memref<16x128xf32, #tpu.memory_space<vmem>>, vector<1x16xf32>,
    %swap3A_537 = arith.constant 10 : i32
    %swap3A_538 = arith.index_cast %swap3A_537 : i32 to index
    %swap3A_539 = arith.constant 112 : index
    %swap3A_540 = tpu.vector_load %arg17[%swap3A_538, %swap3A_539] {strides = array<i32>} : memref<16x128xf32, #tpu.memory_space<vmem>>, vector<1x16xf32>,
    %swap3A_541 = vector.shape_cast %swap3A_540 : vector<1x16xf32> to vector<16xf32>
    %swap3A_542 = vector.shape_cast %broadcast_in_dim3A_15 : vector<16xf32> to vector<1x16xf32>
    tpu.vector_store %arg17[%swap3A_538, %swap3A_539], %swap3A_542 {strides = array<i32>} : memref<16x128xf32, #tpu.memory_space<vmem>>, vector<1x16xf32>,
    %swap3A_543 = arith.constant 11 : i32
    %swap3A_544 = arith.index_cast %swap3A_543 : i32 to index
    %swap3A_545 = arith.constant 0 : index
    %swap3A_546 = tpu.vector_load %arg17[%swap3A_544, %swap3A_545] {strides = array<i32>} : memref<16x128xf32, #tpu.memory_space<vmem>>, vector<1x16xf32>,
    %swap3A_547 = vector.shape_cast %swap3A_546 : vector<1x16xf32> to vector<16xf32>
    %swap3A_548 = vector.shape_cast %broadcast_in_dim3A_15 : vector<16xf32> to vector<1x16xf32>
    tpu.vector_store %arg17[%swap3A_544, %swap3A_545], %swap3A_548 {strides = array<i32>} : memref<16x128xf32, #tpu.memory_space<vmem>>, vector<1x16xf32>,
    %swap3A_549 = arith.constant 11 : i32
    %swap3A_550 = arith.index_cast %swap3A_549 : i32 to index
    %swap3A_551 = arith.constant 16 : index
    %swap3A_552 = tpu.vector_load %arg17[%swap3A_550, %swap3A_551] {strides = array<i32>} : memref<16x128xf32, #tpu.memory_space<vmem>>, vector<1x16xf32>,
    %swap3A_553 = vector.shape_cast %swap3A_552 : vector<1x16xf32> to vector<16xf32>
    %swap3A_554 = vector.shape_cast %broadcast_in_dim3A_15 : vector<16xf32> to vector<1x16xf32>
    tpu.vector_store %arg17[%swap3A_550, %swap3A_551], %swap3A_554 {strides = array<i32>} : memref<16x128xf32, #tpu.memory_space<vmem>>, vector<1x16xf32>,
    %swap3A_555 = arith.constant 11 : i32
    %swap3A_556 = arith.index_cast %swap3A_555 : i32 to index
    %swap3A_557 = arith.constant 32 : index
    %swap3A_558 = tpu.vector_load %arg17[%swap3A_556, %swap3A_557] {strides = array<i32>} : memref<16x128xf32, #tpu.memory_space<vmem>>, vector<1x16xf32>,
    %swap3A_559 = vector.shape_cast %swap3A_558 : vector<1x16xf32> to vector<16xf32>
    %swap3A_560 = vector.shape_cast %broadcast_in_dim3A_15 : vector<16xf32> to vector<1x16xf32>
    tpu.vector_store %arg17[%swap3A_556, %swap3A_557], %swap3A_560 {strides = array<i32>} : memref<16x128xf32, #tpu.memory_space<vmem>>, vector<1x16xf32>,
    %swap3A_561 = arith.constant 11 : i32
    %swap3A_562 = arith.index_cast %swap3A_561 : i32 to index
    %swap3A_563 = arith.constant 48 : index
    %swap3A_564 = tpu.vector_load %arg17[%swap3A_562, %swap3A_563] {strides = array<i32>} : memref<16x128xf32, #tpu.memory_space<vmem>>, vector<1x16xf32>,
    %swap3A_565 = vector.shape_cast %swap3A_564 : vector<1x16xf32> to vector<16xf32>
    %swap3A_566 = vector.shape_cast %broadcast_in_dim3A_15 : vector<16xf32> to vector<1x16xf32>
    tpu.vector_store %arg17[%swap3A_562, %swap3A_563], %swap3A_566 {strides = array<i32>} : memref<16x128xf32, #tpu.memory_space<vmem>>, vector<1x16xf32>,
    %swap3A_567 = arith.constant 11 : i32
    %swap3A_568 = arith.index_cast %swap3A_567 : i32 to index
    %swap3A_569 = arith.constant 64 : index
    %swap3A_570 = tpu.vector_load %arg17[%swap3A_568, %swap3A_569] {strides = array<i32>} : memref<16x128xf32, #tpu.memory_space<vmem>>, vector<1x16xf32>,
    %swap3A_571 = vector.shape_cast %swap3A_570 : vector<1x16xf32> to vector<16xf32>
    %swap3A_572 = vector.shape_cast %broadcast_in_dim3A_15 : vector<16xf32> to vector<1x16xf32>
    tpu.vector_store %arg17[%swap3A_568, %swap3A_569], %swap3A_572 {strides = array<i32>} : memref<16x128xf32, #tpu.memory_space<vmem>>, vector<1x16xf32>,
    %swap3A_573 = arith.constant 11 : i32
    %swap3A_574 = arith.index_cast %swap3A_573 : i32 to index
    %swap3A_575 = arith.constant 80 : index
    %swap3A_576 = tpu.vector_load %arg17[%swap3A_574, %swap3A_575] {strides = array<i32>} : memref<16x128xf32, #tpu.memory_space<vmem>>, vector<1x16xf32>,
    %swap3A_577 = vector.shape_cast %swap3A_576 : vector<1x16xf32> to vector<16xf32>
    %swap3A_578 = vector.shape_cast %broadcast_in_dim3A_15 : vector<16xf32> to vector<1x16xf32>
    tpu.vector_store %arg17[%swap3A_574, %swap3A_575], %swap3A_578 {strides = array<i32>} : memref<16x128xf32, #tpu.memory_space<vmem>>, vector<1x16xf32>,
    %swap3A_579 = arith.constant 11 : i32
    %swap3A_580 = arith.index_cast %swap3A_579 : i32 to index
    %swap3A_581 = arith.constant 96 : index
    %swap3A_582 = tpu.vector_load %arg17[%swap3A_580, %swap3A_581] {strides = array<i32>} : memref<16x128xf32, #tpu.memory_space<vmem>>, vector<1x16xf32>,
    %swap3A_583 = vector.shape_cast %swap3A_582 : vector<1x16xf32> to vector<16xf32>
    %swap3A_584 = vector.shape_cast %broadcast_in_dim3A_15 : vector<16xf32> to vector<1x16xf32>
    tpu.vector_store %arg17[%swap3A_580, %swap3A_581], %swap3A_584 {strides = array<i32>} : memref<16x128xf32, #tpu.memory_space<vmem>>, vector<1x16xf32>,
    %swap3A_585 = arith.constant 11 : i32
    %swap3A_586 = arith.index_cast %swap3A_585 : i32 to index
    %swap3A_587 = arith.constant 112 : index
    %swap3A_588 = tpu.vector_load %arg17[%swap3A_586, %swap3A_587] {strides = array<i32>} : memref<16x128xf32, #tpu.memory_space<vmem>>, vector<1x16xf32>,
    %swap3A_589 = vector.shape_cast %swap3A_588 : vector<1x16xf32> to vector<16xf32>
    %swap3A_590 = vector.shape_cast %broadcast_in_dim3A_15 : vector<16xf32> to vector<1x16xf32>
    tpu.vector_store %arg17[%swap3A_586, %swap3A_587], %swap3A_590 {strides = array<i32>} : memref<16x128xf32, #tpu.memory_space<vmem>>, vector<1x16xf32>,
    %swap3A_591 = arith.constant 12 : i32
    %swap3A_592 = arith.index_cast %swap3A_591 : i32 to index
    %swap3A_593 = arith.constant 0 : index
    %swap3A_594 = tpu.vector_load %arg17[%swap3A_592, %swap3A_593] {strides = array<i32>} : memref<16x128xf32, #tpu.memory_space<vmem>>, vector<1x16xf32>,
    %swap3A_595 = vector.shape_cast %swap3A_594 : vector<1x16xf32> to vector<16xf32>
    %swap3A_596 = vector.shape_cast %broadcast_in_dim3A_15 : vector<16xf32> to vector<1x16xf32>
    tpu.vector_store %arg17[%swap3A_592, %swap3A_593], %swap3A_596 {strides = array<i32>} : memref<16x128xf32, #tpu.memory_space<vmem>>, vector<1x16xf32>,
    %swap3A_597 = arith.constant 12 : i32
    %swap3A_598 = arith.index_cast %swap3A_597 : i32 to index
    %swap3A_599 = arith.constant 16 : index
    %swap3A_600 = tpu.vector_load %arg17[%swap3A_598, %swap3A_599] {strides = array<i32>} : memref<16x128xf32, #tpu.memory_space<vmem>>, vector<1x16xf32>,
    %swap3A_601 = vector.shape_cast %swap3A_600 : vector<1x16xf32> to vector<16xf32>
    %swap3A_602 = vector.shape_cast %broadcast_in_dim3A_15 : vector<16xf32> to vector<1x16xf32>
    tpu.vector_store %arg17[%swap3A_598, %swap3A_599], %swap3A_602 {strides = array<i32>} : memref<16x128xf32, #tpu.memory_space<vmem>>, vector<1x16xf32>,
    %swap3A_603 = arith.constant 12 : i32
    %swap3A_604 = arith.index_cast %swap3A_603 : i32 to index
    %swap3A_605 = arith.constant 32 : index
    %swap3A_606 = tpu.vector_load %arg17[%swap3A_604, %swap3A_605] {strides = array<i32>} : memref<16x128xf32, #tpu.memory_space<vmem>>, vector<1x16xf32>,
    %swap3A_607 = vector.shape_cast %swap3A_606 : vector<1x16xf32> to vector<16xf32>
    %swap3A_608 = vector.shape_cast %broadcast_in_dim3A_15 : vector<16xf32> to vector<1x16xf32>
    tpu.vector_store %arg17[%swap3A_604, %swap3A_605], %swap3A_608 {strides = array<i32>} : memref<16x128xf32, #tpu.memory_space<vmem>>, vector<1x16xf32>,
    %swap3A_609 = arith.constant 12 : i32
    %swap3A_610 = arith.index_cast %swap3A_609 : i32 to index
    %swap3A_611 = arith.constant 48 : index
    %swap3A_612 = tpu.vector_load %arg17[%swap3A_610, %swap3A_611] {strides = array<i32>} : memref<16x128xf32, #tpu.memory_space<vmem>>, vector<1x16xf32>,
    %swap3A_613 = vector.shape_cast %swap3A_612 : vector<1x16xf32> to vector<16xf32>
    %swap3A_614 = vector.shape_cast %broadcast_in_dim3A_15 : vector<16xf32> to vector<1x16xf32>
    tpu.vector_store %arg17[%swap3A_610, %swap3A_611], %swap3A_614 {strides = array<i32>} : memref<16x128xf32, #tpu.memory_space<vmem>>, vector<1x16xf32>,
    %swap3A_615 = arith.constant 12 : i32
    %swap3A_616 = arith.index_cast %swap3A_615 : i32 to index
    %swap3A_617 = arith.constant 64 : index
    %swap3A_618 = tpu.vector_load %arg17[%swap3A_616, %swap3A_617] {strides = array<i32>} : memref<16x128xf32, #tpu.memory_space<vmem>>, vector<1x16xf32>,
    %swap3A_619 = vector.shape_cast %swap3A_618 : vector<1x16xf32> to vector<16xf32>
    %swap3A_620 = vector.shape_cast %broadcast_in_dim3A_15 : vector<16xf32> to vector<1x16xf32>
    tpu.vector_store %arg17[%swap3A_616, %swap3A_617], %swap3A_620 {strides = array<i32>} : memref<16x128xf32, #tpu.memory_space<vmem>>, vector<1x16xf32>,
    %swap3A_621 = arith.constant 12 : i32
    %swap3A_622 = arith.index_cast %swap3A_621 : i32 to index
    %swap3A_623 = arith.constant 80 : index
    %swap3A_624 = tpu.vector_load %arg17[%swap3A_622, %swap3A_623] {strides = array<i32>} : memref<16x128xf32, #tpu.memory_space<vmem>>, vector<1x16xf32>,
    %swap3A_625 = vector.shape_cast %swap3A_624 : vector<1x16xf32> to vector<16xf32>
    %swap3A_626 = vector.shape_cast %broadcast_in_dim3A_15 : vector<16xf32> to vector<1x16xf32>
    tpu.vector_store %arg17[%swap3A_622, %swap3A_623], %swap3A_626 {strides = array<i32>} : memref<16x128xf32, #tpu.memory_space<vmem>>, vector<1x16xf32>,
    %swap3A_627 = arith.constant 12 : i32
    %swap3A_628 = arith.index_cast %swap3A_627 : i32 to index
    %swap3A_629 = arith.constant 96 : index
    %swap3A_630 = tpu.vector_load %arg17[%swap3A_628, %swap3A_629] {strides = array<i32>} : memref<16x128xf32, #tpu.memory_space<vmem>>, vector<1x16xf32>,
    %swap3A_631 = vector.shape_cast %swap3A_630 : vector<1x16xf32> to vector<16xf32>
    %swap3A_632 = vector.shape_cast %broadcast_in_dim3A_15 : vector<16xf32> to vector<1x16xf32>
    tpu.vector_store %arg17[%swap3A_628, %swap3A_629], %swap3A_632 {strides = array<i32>} : memref<16x128xf32, #tpu.memory_space<vmem>>, vector<1x16xf32>,
    %swap3A_633 = arith.constant 12 : i32
    %swap3A_634 = arith.index_cast %swap3A_633 : i32 to index
    %swap3A_635 = arith.constant 112 : index
    %swap3A_636 = tpu.vector_load %arg17[%swap3A_634, %swap3A_635] {strides = array<i32>} : memref<16x128xf32, #tpu.memory_space<vmem>>, vector<1x16xf32>,
    %swap3A_637 = vector.shape_cast %swap3A_636 : vector<1x16xf32> to vector<16xf32>
    %swap3A_638 = vector.shape_cast %broadcast_in_dim3A_15 : vector<16xf32> to vector<1x16xf32>
    tpu.vector_store %arg17[%swap3A_634, %swap3A_635], %swap3A_638 {strides = array<i32>} : memref<16x128xf32, #tpu.memory_space<vmem>>, vector<1x16xf32>,
    %swap3A_639 = arith.constant 13 : i32
    %swap3A_640 = arith.index_cast %swap3A_639 : i32 to index
    %swap3A_641 = arith.constant 0 : index
    %swap3A_642 = tpu.vector_load %arg17[%swap3A_640, %swap3A_641] {strides = array<i32>} : memref<16x128xf32, #tpu.memory_space<vmem>>, vector<1x16xf32>,
    %swap3A_643 = vector.shape_cast %swap3A_642 : vector<1x16xf32> to vector<16xf32>
    %swap3A_644 = vector.shape_cast %broadcast_in_dim3A_15 : vector<16xf32> to vector<1x16xf32>
    tpu.vector_store %arg17[%swap3A_640, %swap3A_641], %swap3A_644 {strides = array<i32>} : memref<16x128xf32, #tpu.memory_space<vmem>>, vector<1x16xf32>,
    %swap3A_645 = arith.constant 13 : i32
    %swap3A_646 = arith.index_cast %swap3A_645 : i32 to index
    %swap3A_647 = arith.constant 16 : index
    %swap3A_648 = tpu.vector_load %arg17[%swap3A_646, %swap3A_647] {strides = array<i32>} : memref<16x128xf32, #tpu.memory_space<vmem>>, vector<1x16xf32>,
    %swap3A_649 = vector.shape_cast %swap3A_648 : vector<1x16xf32> to vector<16xf32>
    %swap3A_650 = vector.shape_cast %broadcast_in_dim3A_15 : vector<16xf32> to vector<1x16xf32>
    tpu.vector_store %arg17[%swap3A_646, %swap3A_647], %swap3A_650 {strides = array<i32>} : memref<16x128xf32, #tpu.memory_space<vmem>>, vector<1x16xf32>,
    %swap3A_651 = arith.constant 13 : i32
    %swap3A_652 = arith.index_cast %swap3A_651 : i32 to index
    %swap3A_653 = arith.constant 32 : index
    %swap3A_654 = tpu.vector_load %arg17[%swap3A_652, %swap3A_653] {strides = array<i32>} : memref<16x128xf32, #tpu.memory_space<vmem>>, vector<1x16xf32>,
    %swap3A_655 = vector.shape_cast %swap3A_654 : vector<1x16xf32> to vector<16xf32>
    %swap3A_656 = vector.shape_cast %broadcast_in_dim3A_15 : vector<16xf32> to vector<1x16xf32>
    tpu.vector_store %arg17[%swap3A_652, %swap3A_653], %swap3A_656 {strides = array<i32>} : memref<16x128xf32, #tpu.memory_space<vmem>>, vector<1x16xf32>,
    %swap3A_657 = arith.constant 13 : i32
    %swap3A_658 = arith.index_cast %swap3A_657 : i32 to index
    %swap3A_659 = arith.constant 48 : index
    %swap3A_660 = tpu.vector_load %arg17[%swap3A_658, %swap3A_659] {strides = array<i32>} : memref<16x128xf32, #tpu.memory_space<vmem>>, vector<1x16xf32>,
    %swap3A_661 = vector.shape_cast %swap3A_660 : vector<1x16xf32> to vector<16xf32>
    %swap3A_662 = vector.shape_cast %broadcast_in_dim3A_15 : vector<16xf32> to vector<1x16xf32>
    tpu.vector_store %arg17[%swap3A_658, %swap3A_659], %swap3A_662 {strides = array<i32>} : memref<16x128xf32, #tpu.memory_space<vmem>>, vector<1x16xf32>,
    %swap3A_663 = arith.constant 13 : i32
    %swap3A_664 = arith.index_cast %swap3A_663 : i32 to index
    %swap3A_665 = arith.constant 64 : index
    %swap3A_666 = tpu.vector_load %arg17[%swap3A_664, %swap3A_665] {strides = array<i32>} : memref<16x128xf32, #tpu.memory_space<vmem>>, vector<1x16xf32>,
    %swap3A_667 = vector.shape_cast %swap3A_666 : vector<1x16xf32> to vector<16xf32>
    %swap3A_668 = vector.shape_cast %broadcast_in_dim3A_15 : vector<16xf32> to vector<1x16xf32>
    tpu.vector_store %arg17[%swap3A_664, %swap3A_665], %swap3A_668 {strides = array<i32>} : memref<16x128xf32, #tpu.memory_space<vmem>>, vector<1x16xf32>,
    %swap3A_669 = arith.constant 13 : i32
    %swap3A_670 = arith.index_cast %swap3A_669 : i32 to index
    %swap3A_671 = arith.constant 80 : index
    %swap3A_672 = tpu.vector_load %arg17[%swap3A_670, %swap3A_671] {strides = array<i32>} : memref<16x128xf32, #tpu.memory_space<vmem>>, vector<1x16xf32>,
    %swap3A_673 = vector.shape_cast %swap3A_672 : vector<1x16xf32> to vector<16xf32>
    %swap3A_674 = vector.shape_cast %broadcast_in_dim3A_15 : vector<16xf32> to vector<1x16xf32>
    tpu.vector_store %arg17[%swap3A_670, %swap3A_671], %swap3A_674 {strides = array<i32>} : memref<16x128xf32, #tpu.memory_space<vmem>>, vector<1x16xf32>,
    %swap3A_675 = arith.constant 13 : i32
    %swap3A_676 = arith.index_cast %swap3A_675 : i32 to index
    %swap3A_677 = arith.constant 96 : index
    %swap3A_678 = tpu.vector_load %arg17[%swap3A_676, %swap3A_677] {strides = array<i32>} : memref<16x128xf32, #tpu.memory_space<vmem>>, vector<1x16xf32>,
    %swap3A_679 = vector.shape_cast %swap3A_678 : vector<1x16xf32> to vector<16xf32>
    %swap3A_680 = vector.shape_cast %broadcast_in_dim3A_15 : vector<16xf32> to vector<1x16xf32>
    tpu.vector_store %arg17[%swap3A_676, %swap3A_677], %swap3A_680 {strides = array<i32>} : memref<16x128xf32, #tpu.memory_space<vmem>>, vector<1x16xf32>,
    %swap3A_681 = arith.constant 13 : i32
    %swap3A_682 = arith.index_cast %swap3A_681 : i32 to index
    %swap3A_683 = arith.constant 112 : index
    %swap3A_684 = tpu.vector_load %arg17[%swap3A_682, %swap3A_683] {strides = array<i32>} : memref<16x128xf32, #tpu.memory_space<vmem>>, vector<1x16xf32>,
    %swap3A_685 = vector.shape_cast %swap3A_684 : vector<1x16xf32> to vector<16xf32>
    %swap3A_686 = vector.shape_cast %broadcast_in_dim3A_15 : vector<16xf32> to vector<1x16xf32>
    tpu.vector_store %arg17[%swap3A_682, %swap3A_683], %swap3A_686 {strides = array<i32>} : memref<16x128xf32, #tpu.memory_space<vmem>>, vector<1x16xf32>,
    %swap3A_687 = arith.constant 14 : i32
    %swap3A_688 = arith.index_cast %swap3A_687 : i32 to index
    %swap3A_689 = arith.constant 0 : index
    %swap3A_690 = tpu.vector_load %arg17[%swap3A_688, %swap3A_689] {strides = array<i32>} : memref<16x128xf32, #tpu.memory_space<vmem>>, vector<1x16xf32>,
    %swap3A_691 = vector.shape_cast %swap3A_690 : vector<1x16xf32> to vector<16xf32>
    %swap3A_692 = vector.shape_cast %broadcast_in_dim3A_15 : vector<16xf32> to vector<1x16xf32>
    tpu.vector_store %arg17[%swap3A_688, %swap3A_689], %swap3A_692 {strides = array<i32>} : memref<16x128xf32, #tpu.memory_space<vmem>>, vector<1x16xf32>,
    %swap3A_693 = arith.constant 14 : i32
    %swap3A_694 = arith.index_cast %swap3A_693 : i32 to index
    %swap3A_695 = arith.constant 16 : index
    %swap3A_696 = tpu.vector_load %arg17[%swap3A_694, %swap3A_695] {strides = array<i32>} : memref<16x128xf32, #tpu.memory_space<vmem>>, vector<1x16xf32>,
    %swap3A_697 = vector.shape_cast %swap3A_696 : vector<1x16xf32> to vector<16xf32>
    %swap3A_698 = vector.shape_cast %broadcast_in_dim3A_15 : vector<16xf32> to vector<1x16xf32>
    tpu.vector_store %arg17[%swap3A_694, %swap3A_695], %swap3A_698 {strides = array<i32>} : memref<16x128xf32, #tpu.memory_space<vmem>>, vector<1x16xf32>,
    %swap3A_699 = arith.constant 14 : i32
    %swap3A_700 = arith.index_cast %swap3A_699 : i32 to index
    %swap3A_701 = arith.constant 32 : index
    %swap3A_702 = tpu.vector_load %arg17[%swap3A_700, %swap3A_701] {strides = array<i32>} : memref<16x128xf32, #tpu.memory_space<vmem>>, vector<1x16xf32>,
    %swap3A_703 = vector.shape_cast %swap3A_702 : vector<1x16xf32> to vector<16xf32>
    %swap3A_704 = vector.shape_cast %broadcast_in_dim3A_15 : vector<16xf32> to vector<1x16xf32>
    tpu.vector_store %arg17[%swap3A_700, %swap3A_701], %swap3A_704 {strides = array<i32>} : memref<16x128xf32, #tpu.memory_space<vmem>>, vector<1x16xf32>,
    %swap3A_705 = arith.constant 14 : i32
    %swap3A_706 = arith.index_cast %swap3A_705 : i32 to index
    %swap3A_707 = arith.constant 48 : index
    %swap3A_708 = tpu.vector_load %arg17[%swap3A_706, %swap3A_707] {strides = array<i32>} : memref<16x128xf32, #tpu.memory_space<vmem>>, vector<1x16xf32>,
    %swap3A_709 = vector.shape_cast %swap3A_708 : vector<1x16xf32> to vector<16xf32>
    %swap3A_710 = vector.shape_cast %broadcast_in_dim3A_15 : vector<16xf32> to vector<1x16xf32>
    tpu.vector_store %arg17[%swap3A_706, %swap3A_707], %swap3A_710 {strides = array<i32>} : memref<16x128xf32, #tpu.memory_space<vmem>>, vector<1x16xf32>,
    %swap3A_711 = arith.constant 14 : i32
    %swap3A_712 = arith.index_cast %swap3A_711 : i32 to index
    %swap3A_713 = arith.constant 64 : index
    %swap3A_714 = tpu.vector_load %arg17[%swap3A_712, %swap3A_713] {strides = array<i32>} : memref<16x128xf32, #tpu.memory_space<vmem>>, vector<1x16xf32>,
    %swap3A_715 = vector.shape_cast %swap3A_714 : vector<1x16xf32> to vector<16xf32>
    %swap3A_716 = vector.shape_cast %broadcast_in_dim3A_15 : vector<16xf32> to vector<1x16xf32>
    tpu.vector_store %arg17[%swap3A_712, %swap3A_713], %swap3A_716 {strides = array<i32>} : memref<16x128xf32, #tpu.memory_space<vmem>>, vector<1x16xf32>,
    %swap3A_717 = arith.constant 14 : i32
    %swap3A_718 = arith.index_cast %swap3A_717 : i32 to index
    %swap3A_719 = arith.constant 80 : index
    %swap3A_720 = tpu.vector_load %arg17[%swap3A_718, %swap3A_719] {strides = array<i32>} : memref<16x128xf32, #tpu.memory_space<vmem>>, vector<1x16xf32>,
    %swap3A_721 = vector.shape_cast %swap3A_720 : vector<1x16xf32> to vector<16xf32>
    %swap3A_722 = vector.shape_cast %broadcast_in_dim3A_15 : vector<16xf32> to vector<1x16xf32>
    tpu.vector_store %arg17[%swap3A_718, %swap3A_719], %swap3A_722 {strides = array<i32>} : memref<16x128xf32, #tpu.memory_space<vmem>>, vector<1x16xf32>,
    %swap3A_723 = arith.constant 14 : i32
    %swap3A_724 = arith.index_cast %swap3A_723 : i32 to index
    %swap3A_725 = arith.constant 96 : index
    %swap3A_726 = tpu.vector_load %arg17[%swap3A_724, %swap3A_725] {strides = array<i32>} : memref<16x128xf32, #tpu.memory_space<vmem>>, vector<1x16xf32>,
    %swap3A_727 = vector.shape_cast %swap3A_726 : vector<1x16xf32> to vector<16xf32>
    %swap3A_728 = vector.shape_cast %broadcast_in_dim3A_15 : vector<16xf32> to vector<1x16xf32>
    tpu.vector_store %arg17[%swap3A_724, %swap3A_725], %swap3A_728 {strides = array<i32>} : memref<16x128xf32, #tpu.memory_space<vmem>>, vector<1x16xf32>,
    %swap3A_729 = arith.constant 14 : i32
    %swap3A_730 = arith.index_cast %swap3A_729 : i32 to index
    %swap3A_731 = arith.constant 112 : index
    %swap3A_732 = tpu.vector_load %arg17[%swap3A_730, %swap3A_731] {strides = array<i32>} : memref<16x128xf32, #tpu.memory_space<vmem>>, vector<1x16xf32>,
    %swap3A_733 = vector.shape_cast %swap3A_732 : vector<1x16xf32> to vector<16xf32>
    %swap3A_734 = vector.shape_cast %broadcast_in_dim3A_15 : vector<16xf32> to vector<1x16xf32>
    tpu.vector_store %arg17[%swap3A_730, %swap3A_731], %swap3A_734 {strides = array<i32>} : memref<16x128xf32, #tpu.memory_space<vmem>>, vector<1x16xf32>,
    %swap3A_735 = arith.constant 15 : i32
    %swap3A_736 = arith.index_cast %swap3A_735 : i32 to index
    %swap3A_737 = arith.constant 0 : index
    %swap3A_738 = tpu.vector_load %arg17[%swap3A_736, %swap3A_737] {strides = array<i32>} : memref<16x128xf32, #tpu.memory_space<vmem>>, vector<1x16xf32>,
    %swap3A_739 = vector.shape_cast %swap3A_738 : vector<1x16xf32> to vector<16xf32>
    %swap3A_740 = vector.shape_cast %broadcast_in_dim3A_15 : vector<16xf32> to vector<1x16xf32>
    tpu.vector_store %arg17[%swap3A_736, %swap3A_737], %swap3A_740 {strides = array<i32>} : memref<16x128xf32, #tpu.memory_space<vmem>>, vector<1x16xf32>,
    %swap3A_741 = arith.constant 15 : i32
    %swap3A_742 = arith.index_cast %swap3A_741 : i32 to index
    %swap3A_743 = arith.constant 16 : index
    %swap3A_744 = tpu.vector_load %arg17[%swap3A_742, %swap3A_743] {strides = array<i32>} : memref<16x128xf32, #tpu.memory_space<vmem>>, vector<1x16xf32>,
    %swap3A_745 = vector.shape_cast %swap3A_744 : vector<1x16xf32> to vector<16xf32>
    %swap3A_746 = vector.shape_cast %broadcast_in_dim3A_15 : vector<16xf32> to vector<1x16xf32>
    tpu.vector_store %arg17[%swap3A_742, %swap3A_743], %swap3A_746 {strides = array<i32>} : memref<16x128xf32, #tpu.memory_space<vmem>>, vector<1x16xf32>,
    %swap3A_747 = arith.constant 15 : i32
    %swap3A_748 = arith.index_cast %swap3A_747 : i32 to index
    %swap3A_749 = arith.constant 32 : index
    %swap3A_750 = tpu.vector_load %arg17[%swap3A_748, %swap3A_749] {strides = array<i32>} : memref<16x128xf32, #tpu.memory_space<vmem>>, vector<1x16xf32>,
    %swap3A_751 = vector.shape_cast %swap3A_750 : vector<1x16xf32> to vector<16xf32>
    %swap3A_752 = vector.shape_cast %broadcast_in_dim3A_15 : vector<16xf32> to vector<1x16xf32>
    tpu.vector_store %arg17[%swap3A_748, %swap3A_749], %swap3A_752 {strides = array<i32>} : memref<16x128xf32, #tpu.memory_space<vmem>>, vector<1x16xf32>,
    %swap3A_753 = arith.constant 15 : i32
    %swap3A_754 = arith.index_cast %swap3A_753 : i32 to index
    %swap3A_755 = arith.constant 48 : index
    %swap3A_756 = tpu.vector_load %arg17[%swap3A_754, %swap3A_755] {strides = array<i32>} : memref<16x128xf32, #tpu.memory_space<vmem>>, vector<1x16xf32>,
    %swap3A_757 = vector.shape_cast %swap3A_756 : vector<1x16xf32> to vector<16xf32>
    %swap3A_758 = vector.shape_cast %broadcast_in_dim3A_15 : vector<16xf32> to vector<1x16xf32>
    tpu.vector_store %arg17[%swap3A_754, %swap3A_755], %swap3A_758 {strides = array<i32>} : memref<16x128xf32, #tpu.memory_space<vmem>>, vector<1x16xf32>,
    %swap3A_759 = arith.constant 15 : i32
    %swap3A_760 = arith.index_cast %swap3A_759 : i32 to index
    %swap3A_761 = arith.constant 64 : index
    %swap3A_762 = tpu.vector_load %arg17[%swap3A_760, %swap3A_761] {strides = array<i32>} : memref<16x128xf32, #tpu.memory_space<vmem>>, vector<1x16xf32>,
    %swap3A_763 = vector.shape_cast %swap3A_762 : vector<1x16xf32> to vector<16xf32>
    %swap3A_764 = vector.shape_cast %broadcast_in_dim3A_15 : vector<16xf32> to vector<1x16xf32>
    tpu.vector_store %arg17[%swap3A_760, %swap3A_761], %swap3A_764 {strides = array<i32>} : memref<16x128xf32, #tpu.memory_space<vmem>>, vector<1x16xf32>,
    %swap3A_765 = arith.constant 15 : i32
    %swap3A_766 = arith.index_cast %swap3A_765 : i32 to index
    %swap3A_767 = arith.constant 80 : index
    %swap3A_768 = tpu.vector_load %arg17[%swap3A_766, %swap3A_767] {strides = array<i32>} : memref<16x128xf32, #tpu.memory_space<vmem>>, vector<1x16xf32>,
    %swap3A_769 = vector.shape_cast %swap3A_768 : vector<1x16xf32> to vector<16xf32>
    %swap3A_770 = vector.shape_cast %broadcast_in_dim3A_15 : vector<16xf32> to vector<1x16xf32>
    tpu.vector_store %arg17[%swap3A_766, %swap3A_767], %swap3A_770 {strides = array<i32>} : memref<16x128xf32, #tpu.memory_space<vmem>>, vector<1x16xf32>,
    %swap3A_771 = arith.constant 15 : i32
    %swap3A_772 = arith.index_cast %swap3A_771 : i32 to index
    %swap3A_773 = arith.constant 96 : index
    %swap3A_774 = tpu.vector_load %arg17[%swap3A_772, %swap3A_773] {strides = array<i32>} : memref<16x128xf32, #tpu.memory_space<vmem>>, vector<1x16xf32>,
    %swap3A_775 = vector.shape_cast %swap3A_774 : vector<1x16xf32> to vector<16xf32>
    %swap3A_776 = vector.shape_cast %broadcast_in_dim3A_15 : vector<16xf32> to vector<1x16xf32>
    tpu.vector_store %arg17[%swap3A_772, %swap3A_773], %swap3A_776 {strides = array<i32>} : memref<16x128xf32, #tpu.memory_space<vmem>>, vector<1x16xf32>,
    %swap3A_777 = arith.constant 15 : i32
    %swap3A_778 = arith.index_cast %swap3A_777 : i32 to index
    %swap3A_779 = arith.constant 112 : index
    %swap3A_780 = tpu.vector_load %arg17[%swap3A_778, %swap3A_779] {strides = array<i32>} : memref<16x128xf32, #tpu.memory_space<vmem>>, vector<1x16xf32>,
    %swap3A_781 = vector.shape_cast %swap3A_780 : vector<1x16xf32> to vector<16xf32>
    %swap3A_782 = vector.shape_cast %broadcast_in_dim3A_15 : vector<16xf32> to vector<1x16xf32>
    tpu.vector_store %arg17[%swap3A_778, %swap3A_779], %swap3A_782 {strides = array<i32>} : memref<16x128xf32, #tpu.memory_space<vmem>>, vector<1x16xf32>,
    %mul3A_783 = arith.constant 16 : i32
    %mul3A_784 = arith.muli %arg1, %mul3A_783 : i32
    "tpu.region"() ({
      %run_scoped3A = tpu.sem_alloc : memref<!tpu.dma_semaphore, #tpu.memory_space<semaphore_mem>>
      %dma_start3A_1303 = arith.constant 0 : i32
      %dma_start3A_1304 = tpu.memref_slice %arg18[%mul3A_784, %dma_start3A_1303] : memref<256x128xf32, #tpu.memory_space<vmem_shared>> -> memref<16x128xf32, #tpu.memory_space<vmem_shared>>
      %dma_start3A_1305 = arith.constant 0 : i32
      %dma_start3A_1306 = tpu.memref_slice %arg18[%mul3A_784, %dma_start3A_1305] : memref<256x128xf32, #tpu.memory_space<vmem_shared>> -> memref<16x128xf32, #tpu.memory_space<vmem_shared>>
      tpu.enqueue_dma source(%arg17 : memref<16x128xf32, #tpu.memory_space<vmem>>) target(%dma_start3A_1306 : memref<16x128xf32, #tpu.memory_space<vmem_shared>>) target_semaphore(%run_scoped3A : memref<!tpu.dma_semaphore, #tpu.memory_space<semaphore_mem>>)
      %dma_wait3A_1307 = arith.constant 0 : i32
      %dma_wait3A_1308 = tpu.memref_slice %arg18[%mul3A_784, %dma_wait3A_1307] : memref<256x128xf32, #tpu.memory_space<vmem_shared>> -> memref<16x128xf32, #tpu.memory_space<vmem_shared>>
      %dma_wait3A_1309 = arith.constant 0 : i32
      %dma_wait3A_1310 = tpu.memref_slice %arg18[%mul3A_784, %dma_wait3A_1309] : memref<256x128xf32, #tpu.memory_space<vmem_shared>> -> memref<16x128xf32, #tpu.memory_space<vmem_shared>>
      tpu.wait_dma2 semaphore(%run_scoped3A : memref<!tpu.dma_semaphore, #tpu.memory_space<semaphore_mem>>) src(%arg17 : memref<16x128xf32, #tpu.memory_space<vmem>>) dst(%dma_wait3A_1310 : memref<16x128xf32, #tpu.memory_space<vmem_shared>>)
      tpu.yield
    }) : () -> ()
    %barrier3A = arith.constant 0 : index
    tpu.barrier barrier_id(%barrier3A)
    %add3A_785 = arith.constant 128 : i32
    %add3A_786 = arith.addi %multiple_of3A, %add3A_785 : i32
    %multiple_of3A_787 = tpu.assume_multiple %add3A_786, 8 : i32
    %dma_start3A_788 = tpu.memref_slice %arg3[%multiple_of3A_787] : memref<100000xi32, #tpu.memory_space<hbm>> -> memref<128xi32, #tpu.memory_space<hbm>>
    %dma_start3A_789 = tpu.memref_slice %arg3[%multiple_of3A_787] : memref<100000xi32, #tpu.memory_space<hbm>> -> memref<128xi32, #tpu.memory_space<hbm>>
    tpu.enqueue_dma source(%dma_start3A_789 : memref<128xi32, #tpu.memory_space<hbm>>) target(%arg6 : memref<128xi32, #tpu.memory_space<vmem>>) target_semaphore(%arg20 : memref<!tpu.dma_semaphore, #tpu.memory_space<semaphore_mem>>)
    %dma_start3A_790 = arith.constant 0 : i32
    %dma_start3A_791 = tpu.memref_slice %arg2[%multiple_of3A_787, %dma_start3A_790] : memref<100000x128xf32, #tpu.memory_space<hbm>> -> memref<128x128xf32, #tpu.memory_space<hbm>>
    %dma_start3A_792 = arith.constant 0 : i32
    %dma_start3A_793 = tpu.memref_slice %arg2[%multiple_of3A_787, %dma_start3A_792] : memref<100000x128xf32, #tpu.memory_space<hbm>> -> memref<128x128xf32, #tpu.memory_space<hbm>>
    tpu.enqueue_dma source(%dma_start3A_793 : memref<128x128xf32, #tpu.memory_space<hbm>>) target(%arg10 : memref<128x128xf32, #tpu.memory_space<vmem>>) target_semaphore(%arg24 : memref<!tpu.dma_semaphore, #tpu.memory_space<semaphore_mem>>)
    %add3A_794 = arith.constant 256 : i32
    %add3A_795 = arith.addi %multiple_of3A, %add3A_794 : i32
    %multiple_of3A_796 = tpu.assume_multiple %add3A_795, 8 : i32
    %dma_start3A_797 = tpu.memref_slice %arg3[%multiple_of3A_796] : memref<100000xi32, #tpu.memory_space<hbm>> -> memref<128xi32, #tpu.memory_space<hbm>>
    %dma_start3A_798 = tpu.memref_slice %arg3[%multiple_of3A_796] : memref<100000xi32, #tpu.memory_space<hbm>> -> memref<128xi32, #tpu.memory_space<hbm>>
    tpu.enqueue_dma source(%dma_start3A_798 : memref<128xi32, #tpu.memory_space<hbm>>) target(%arg7 : memref<128xi32, #tpu.memory_space<vmem>>) target_semaphore(%arg21 : memref<!tpu.dma_semaphore, #tpu.memory_space<semaphore_mem>>)
    %dma_start3A_799 = arith.constant 0 : i32
    %dma_start3A_800 = tpu.memref_slice %arg2[%multiple_of3A_796, %dma_start3A_799] : memref<100000x128xf32, #tpu.memory_space<hbm>> -> memref<128x128xf32, #tpu.memory_space<hbm>>
    %dma_start3A_801 = arith.constant 0 : i32
    %dma_start3A_802 = tpu.memref_slice %arg2[%multiple_of3A_796, %dma_start3A_801] : memref<100000x128xf32, #tpu.memory_space<hbm>> -> memref<128x128xf32, #tpu.memory_space<hbm>>
    tpu.enqueue_dma source(%dma_start3A_802 : memref<128x128xf32, #tpu.memory_space<hbm>>) target(%arg11 : memref<128x128xf32, #tpu.memory_space<vmem>>) target_semaphore(%arg25 : memref<!tpu.dma_semaphore, #tpu.memory_space<semaphore_mem>>)
    %add3A_803 = arith.constant 3072 : i32
    %add3A_804 = arith.addi %multiple_of3A, %add3A_803 : i32
    %multiple_of3A_805 = tpu.assume_multiple %add3A_804, 8 : i32
    %lt3A = arith.constant 20 : i32
    %lt3A_806 = arith.cmpi slt, %add3A, %lt3A : i32
    %convert_element_type3A = arith.extui %lt3A_806 : i1 to i32
    %cond3A = arith.constant 0 : i32
    %cond3A_807 = arith.cmpi ne, %convert_element_type3A, %cond3A : i32
    scf.if %cond3A_807 {
      %dma_start3A_1303 = tpu.memref_slice %arg3[%multiple_of3A_805] : memref<100000xi32, #tpu.memory_space<hbm>> -> memref<56xi32, #tpu.memory_space<hbm>>
      %dma_start3A_1304 = tpu.memref_slice %arg3[%multiple_of3A_805] : memref<100000xi32, #tpu.memory_space<hbm>> -> memref<56xi32, #tpu.memory_space<hbm>>
      tpu.enqueue_dma source(%dma_start3A_1304 : memref<56xi32, #tpu.memory_space<hbm>>) target(%arg13 : memref<56xi32, #tpu.memory_space<vmem>>) target_semaphore(%arg31 : memref<!tpu.dma_semaphore, #tpu.memory_space<semaphore_mem>>)
      %dma_start3A_1305 = arith.constant 0 : i32
      %dma_start3A_1306 = tpu.memref_slice %arg2[%multiple_of3A_805, %dma_start3A_1305] : memref<100000x128xf32, #tpu.memory_space<hbm>> -> memref<56x128xf32, #tpu.memory_space<hbm>>
      %dma_start3A_1307 = arith.constant 0 : i32
      %dma_start3A_1308 = tpu.memref_slice %arg2[%multiple_of3A_805, %dma_start3A_1307] : memref<100000x128xf32, #tpu.memory_space<hbm>> -> memref<56x128xf32, #tpu.memory_space<hbm>>
      tpu.enqueue_dma source(%dma_start3A_1308 : memref<56x128xf32, #tpu.memory_space<hbm>>) target(%arg15 : memref<56x128xf32, #tpu.memory_space<vmem>>) target_semaphore(%arg31 : memref<!tpu.dma_semaphore, #tpu.memory_space<semaphore_mem>>)
    } else {
    }
    %ge3A = arith.constant 20 : i32
    %ge3A_808 = arith.cmpi sge, %add3A, %ge3A : i32
    %convert_element_type3A_809 = arith.extui %ge3A_808 : i1 to i32
    %cond3A_810 = arith.constant 0 : i32
    %cond3A_811 = arith.cmpi ne, %convert_element_type3A_809, %cond3A_810 : i32
    scf.if %cond3A_811 {
      %dma_start3A_1303 = tpu.memref_slice %arg3[%multiple_of3A_805] : memref<100000xi32, #tpu.memory_space<hbm>> -> memref<48xi32, #tpu.memory_space<hbm>>
      %dma_start3A_1304 = tpu.memref_slice %arg3[%multiple_of3A_805] : memref<100000xi32, #tpu.memory_space<hbm>> -> memref<48xi32, #tpu.memory_space<hbm>>
      tpu.enqueue_dma source(%dma_start3A_1304 : memref<48xi32, #tpu.memory_space<hbm>>) target(%arg14 : memref<48xi32, #tpu.memory_space<vmem>>) target_semaphore(%arg31 : memref<!tpu.dma_semaphore, #tpu.memory_space<semaphore_mem>>)
      %dma_start3A_1305 = arith.constant 0 : i32
      %dma_start3A_1306 = tpu.memref_slice %arg2[%multiple_of3A_805, %dma_start3A_1305] : memref<100000x128xf32, #tpu.memory_space<hbm>> -> memref<48x128xf32, #tpu.memory_space<hbm>>
      %dma_start3A_1307 = arith.constant 0 : i32
      %dma_start3A_1308 = tpu.memref_slice %arg2[%multiple_of3A_805, %dma_start3A_1307] : memref<100000x128xf32, #tpu.memory_space<hbm>> -> memref<48x128xf32, #tpu.memory_space<hbm>>
      tpu.enqueue_dma source(%dma_start3A_1308 : memref<48x128xf32, #tpu.memory_space<hbm>>) target(%arg16 : memref<48x128xf32, #tpu.memory_space<vmem>>) target_semaphore(%arg31 : memref<!tpu.dma_semaphore, #tpu.memory_space<semaphore_mem>>)
    } else {
    }
    %dma_wait3A = tpu.memref_slice %arg3[%multiple_of3A_9] : memref<100000xi32, #tpu.memory_space<hbm>> -> memref<128xi32, #tpu.memory_space<hbm>>
    %dma_wait3A_812 = tpu.memref_slice %arg3[%multiple_of3A_9] : memref<100000xi32, #tpu.memory_space<hbm>> -> memref<128xi32, #tpu.memory_space<hbm>>
    tpu.wait_dma2 semaphore(%arg19 : memref<!tpu.dma_semaphore, #tpu.memory_space<semaphore_mem>>) src(%dma_wait3A_812 : memref<128xi32, #tpu.memory_space<hbm>>) dst(%arg5 : memref<128xi32, #tpu.memory_space<vmem>>)
    %dma_wait3A_813 = arith.constant 0 : i32
    %dma_wait3A_814 = tpu.memref_slice %arg2[%multiple_of3A_9, %dma_wait3A_813] : memref<100000x128xf32, #tpu.memory_space<hbm>> -> memref<128x128xf32, #tpu.memory_space<hbm>>
    %dma_wait3A_815 = arith.constant 0 : i32
    %dma_wait3A_816 = tpu.memref_slice %arg2[%multiple_of3A_9, %dma_wait3A_815] : memref<100000x128xf32, #tpu.memory_space<hbm>> -> memref<128x128xf32, #tpu.memory_space<hbm>>
    tpu.wait_dma2 semaphore(%arg23 : memref<!tpu.dma_semaphore, #tpu.memory_space<semaphore_mem>>) src(%dma_wait3A_816 : memref<128x128xf32, #tpu.memory_space<hbm>>) dst(%arg9 : memref<128x128xf32, #tpu.memory_space<vmem>>)
    %dma_start3A_817 = arith.constant 0 : i32
    %dma_start3A_818 = arith.constant 0 : i32
    %dma_start3A_819 = tpu.memref_slice %arg18[%dma_start3A_817, %dma_start3A_818] : memref<256x128xf32, #tpu.memory_space<vmem_shared>> -> memref<256x128xf32, #tpu.memory_space<vmem_shared>>
    tpu.enqueue_indirect_dma source(%arg9 : memref<128x128xf32, #tpu.memory_space<vmem>>) target(%dma_start3A_819 : memref<256x128xf32, #tpu.memory_space<vmem_shared>>) offsets(%arg5 : memref<128xi32, #tpu.memory_space<vmem>>) semaphore(%arg27 : memref<!tpu.dma_semaphore, #tpu.memory_space<semaphore_mem>>) {add = true}
    %add3A_820 = arith.constant 384 : i32
    %add3A_821 = arith.addi %multiple_of3A, %add3A_820 : i32
    %multiple_of3A_822 = tpu.assume_multiple %add3A_821, 8 : i32
    %dma_start3A_823 = tpu.memref_slice %arg3[%multiple_of3A_822] : memref<100000xi32, #tpu.memory_space<hbm>> -> memref<128xi32, #tpu.memory_space<hbm>>
    %dma_start3A_824 = tpu.memref_slice %arg3[%multiple_of3A_822] : memref<100000xi32, #tpu.memory_space<hbm>> -> memref<128xi32, #tpu.memory_space<hbm>>
    tpu.enqueue_dma source(%dma_start3A_824 : memref<128xi32, #tpu.memory_space<hbm>>) target(%arg8 : memref<128xi32, #tpu.memory_space<vmem>>) target_semaphore(%arg22 : memref<!tpu.dma_semaphore, #tpu.memory_space<semaphore_mem>>)
    %dma_start3A_825 = arith.constant 0 : i32
    %dma_start3A_826 = tpu.memref_slice %arg2[%multiple_of3A_822, %dma_start3A_825] : memref<100000x128xf32, #tpu.memory_space<hbm>> -> memref<128x128xf32, #tpu.memory_space<hbm>>
    %dma_start3A_827 = arith.constant 0 : i32
    %dma_start3A_828 = tpu.memref_slice %arg2[%multiple_of3A_822, %dma_start3A_827] : memref<100000x128xf32, #tpu.memory_space<hbm>> -> memref<128x128xf32, #tpu.memory_space<hbm>>
    tpu.enqueue_dma source(%dma_start3A_828 : memref<128x128xf32, #tpu.memory_space<hbm>>) target(%arg12 : memref<128x128xf32, #tpu.memory_space<vmem>>) target_semaphore(%arg26 : memref<!tpu.dma_semaphore, #tpu.memory_space<semaphore_mem>>)
    %dma_wait3A_829 = tpu.memref_slice %arg3[%multiple_of3A_787] : memref<100000xi32, #tpu.memory_space<hbm>> -> memref<128xi32, #tpu.memory_space<hbm>>
    %dma_wait3A_830 = tpu.memref_slice %arg3[%multiple_of3A_787] : memref<100000xi32, #tpu.memory_space<hbm>> -> memref<128xi32, #tpu.memory_space<hbm>>
    tpu.wait_dma2 semaphore(%arg20 : memref<!tpu.dma_semaphore, #tpu.memory_space<semaphore_mem>>) src(%dma_wait3A_830 : memref<128xi32, #tpu.memory_space<hbm>>) dst(%arg6 : memref<128xi32, #tpu.memory_space<vmem>>)
    %dma_wait3A_831 = arith.constant 0 : i32
    %dma_wait3A_832 = tpu.memref_slice %arg2[%multiple_of3A_787, %dma_wait3A_831] : memref<100000x128xf32, #tpu.memory_space<hbm>> -> memref<128x128xf32, #tpu.memory_space<hbm>>
    %dma_wait3A_833 = arith.constant 0 : i32
    %dma_wait3A_834 = tpu.memref_slice %arg2[%multiple_of3A_787, %dma_wait3A_833] : memref<100000x128xf32, #tpu.memory_space<hbm>> -> memref<128x128xf32, #tpu.memory_space<hbm>>
    tpu.wait_dma2 semaphore(%arg24 : memref<!tpu.dma_semaphore, #tpu.memory_space<semaphore_mem>>) src(%dma_wait3A_834 : memref<128x128xf32, #tpu.memory_space<hbm>>) dst(%arg10 : memref<128x128xf32, #tpu.memory_space<vmem>>)
    %dma_wait3A_835 = arith.constant 0 : i32
    %dma_wait3A_836 = arith.constant 0 : i32
    %dma_wait3A_837 = tpu.memref_slice %arg18[%dma_wait3A_835, %dma_wait3A_836] : memref<256x128xf32, #tpu.memory_space<vmem_shared>> -> memref<256x128xf32, #tpu.memory_space<vmem_shared>>
    tpu.wait_indirect_dma semaphore(%arg27 : memref<!tpu.dma_semaphore, #tpu.memory_space<semaphore_mem>>) src(%arg9 : memref<128x128xf32, #tpu.memory_space<vmem>>) dst(%dma_wait3A_837 : memref<256x128xf32, #tpu.memory_space<vmem_shared>>)
    %dma_start3A_838 = arith.constant 0 : i32
    %dma_start3A_839 = arith.constant 0 : i32
    %dma_start3A_840 = tpu.memref_slice %arg18[%dma_start3A_838, %dma_start3A_839] : memref<256x128xf32, #tpu.memory_space<vmem_shared>> -> memref<256x128xf32, #tpu.memory_space<vmem_shared>>
    tpu.enqueue_indirect_dma source(%arg10 : memref<128x128xf32, #tpu.memory_space<vmem>>) target(%dma_start3A_840 : memref<256x128xf32, #tpu.memory_space<vmem_shared>>) offsets(%arg6 : memref<128xi32, #tpu.memory_space<vmem>>) semaphore(%arg28 : memref<!tpu.dma_semaphore, #tpu.memory_space<semaphore_mem>>) {add = true}
    %add3A_841 = arith.constant 512 : i32
    %add3A_842 = arith.addi %multiple_of3A, %add3A_841 : i32
    %multiple_of3A_843 = tpu.assume_multiple %add3A_842, 8 : i32
    %dma_start3A_844 = tpu.memref_slice %arg3[%multiple_of3A_843] : memref<100000xi32, #tpu.memory_space<hbm>> -> memref<128xi32, #tpu.memory_space<hbm>>
    %dma_start3A_845 = tpu.memref_slice %arg3[%multiple_of3A_843] : memref<100000xi32, #tpu.memory_space<hbm>> -> memref<128xi32, #tpu.memory_space<hbm>>
    tpu.enqueue_dma source(%dma_start3A_845 : memref<128xi32, #tpu.memory_space<hbm>>) target(%arg5 : memref<128xi32, #tpu.memory_space<vmem>>) target_semaphore(%arg19 : memref<!tpu.dma_semaphore, #tpu.memory_space<semaphore_mem>>)
    %dma_start3A_846 = arith.constant 0 : i32
    %dma_start3A_847 = tpu.memref_slice %arg2[%multiple_of3A_843, %dma_start3A_846] : memref<100000x128xf32, #tpu.memory_space<hbm>> -> memref<128x128xf32, #tpu.memory_space<hbm>>
    %dma_start3A_848 = arith.constant 0 : i32
    %dma_start3A_849 = tpu.memref_slice %arg2[%multiple_of3A_843, %dma_start3A_848] : memref<100000x128xf32, #tpu.memory_space<hbm>> -> memref<128x128xf32, #tpu.memory_space<hbm>>
    tpu.enqueue_dma source(%dma_start3A_849 : memref<128x128xf32, #tpu.memory_space<hbm>>) target(%arg9 : memref<128x128xf32, #tpu.memory_space<vmem>>) target_semaphore(%arg23 : memref<!tpu.dma_semaphore, #tpu.memory_space<semaphore_mem>>)
    %dma_wait3A_850 = tpu.memref_slice %arg3[%multiple_of3A_796] : memref<100000xi32, #tpu.memory_space<hbm>> -> memref<128xi32, #tpu.memory_space<hbm>>
    %dma_wait3A_851 = tpu.memref_slice %arg3[%multiple_of3A_796] : memref<100000xi32, #tpu.memory_space<hbm>> -> memref<128xi32, #tpu.memory_space<hbm>>
    tpu.wait_dma2 semaphore(%arg21 : memref<!tpu.dma_semaphore, #tpu.memory_space<semaphore_mem>>) src(%dma_wait3A_851 : memref<128xi32, #tpu.memory_space<hbm>>) dst(%arg7 : memref<128xi32, #tpu.memory_space<vmem>>)
    %dma_wait3A_852 = arith.constant 0 : i32
    %dma_wait3A_853 = tpu.memref_slice %arg2[%multiple_of3A_796, %dma_wait3A_852] : memref<100000x128xf32, #tpu.memory_space<hbm>> -> memref<128x128xf32, #tpu.memory_space<hbm>>
    %dma_wait3A_854 = arith.constant 0 : i32
    %dma_wait3A_855 = tpu.memref_slice %arg2[%multiple_of3A_796, %dma_wait3A_854] : memref<100000x128xf32, #tpu.memory_space<hbm>> -> memref<128x128xf32, #tpu.memory_space<hbm>>
    tpu.wait_dma2 semaphore(%arg25 : memref<!tpu.dma_semaphore, #tpu.memory_space<semaphore_mem>>) src(%dma_wait3A_855 : memref<128x128xf32, #tpu.memory_space<hbm>>) dst(%arg11 : memref<128x128xf32, #tpu.memory_space<vmem>>)
    %dma_wait3A_856 = arith.constant 0 : i32
    %dma_wait3A_857 = arith.constant 0 : i32
    %dma_wait3A_858 = tpu.memref_slice %arg18[%dma_wait3A_856, %dma_wait3A_857] : memref<256x128xf32, #tpu.memory_space<vmem_shared>> -> memref<256x128xf32, #tpu.memory_space<vmem_shared>>
    tpu.wait_indirect_dma semaphore(%arg28 : memref<!tpu.dma_semaphore, #tpu.memory_space<semaphore_mem>>) src(%arg10 : memref<128x128xf32, #tpu.memory_space<vmem>>) dst(%dma_wait3A_858 : memref<256x128xf32, #tpu.memory_space<vmem_shared>>)
    %dma_start3A_859 = arith.constant 0 : i32
    %dma_start3A_860 = arith.constant 0 : i32
    %dma_start3A_861 = tpu.memref_slice %arg18[%dma_start3A_859, %dma_start3A_860] : memref<256x128xf32, #tpu.memory_space<vmem_shared>> -> memref<256x128xf32, #tpu.memory_space<vmem_shared>>
    tpu.enqueue_indirect_dma source(%arg11 : memref<128x128xf32, #tpu.memory_space<vmem>>) target(%dma_start3A_861 : memref<256x128xf32, #tpu.memory_space<vmem_shared>>) offsets(%arg7 : memref<128xi32, #tpu.memory_space<vmem>>) semaphore(%arg29 : memref<!tpu.dma_semaphore, #tpu.memory_space<semaphore_mem>>) {add = true}
    %add3A_862 = arith.constant 640 : i32
    %add3A_863 = arith.addi %multiple_of3A, %add3A_862 : i32
    %multiple_of3A_864 = tpu.assume_multiple %add3A_863, 8 : i32
    %dma_start3A_865 = tpu.memref_slice %arg3[%multiple_of3A_864] : memref<100000xi32, #tpu.memory_space<hbm>> -> memref<128xi32, #tpu.memory_space<hbm>>
    %dma_start3A_866 = tpu.memref_slice %arg3[%multiple_of3A_864] : memref<100000xi32, #tpu.memory_space<hbm>> -> memref<128xi32, #tpu.memory_space<hbm>>
    tpu.enqueue_dma source(%dma_start3A_866 : memref<128xi32, #tpu.memory_space<hbm>>) target(%arg6 : memref<128xi32, #tpu.memory_space<vmem>>) target_semaphore(%arg20 : memref<!tpu.dma_semaphore, #tpu.memory_space<semaphore_mem>>)
    %dma_start3A_867 = arith.constant 0 : i32
    %dma_start3A_868 = tpu.memref_slice %arg2[%multiple_of3A_864, %dma_start3A_867] : memref<100000x128xf32, #tpu.memory_space<hbm>> -> memref<128x128xf32, #tpu.memory_space<hbm>>
    %dma_start3A_869 = arith.constant 0 : i32
    %dma_start3A_870 = tpu.memref_slice %arg2[%multiple_of3A_864, %dma_start3A_869] : memref<100000x128xf32, #tpu.memory_space<hbm>> -> memref<128x128xf32, #tpu.memory_space<hbm>>
    tpu.enqueue_dma source(%dma_start3A_870 : memref<128x128xf32, #tpu.memory_space<hbm>>) target(%arg10 : memref<128x128xf32, #tpu.memory_space<vmem>>) target_semaphore(%arg24 : memref<!tpu.dma_semaphore, #tpu.memory_space<semaphore_mem>>)
    %dma_wait3A_871 = tpu.memref_slice %arg3[%multiple_of3A_822] : memref<100000xi32, #tpu.memory_space<hbm>> -> memref<128xi32, #tpu.memory_space<hbm>>
    %dma_wait3A_872 = tpu.memref_slice %arg3[%multiple_of3A_822] : memref<100000xi32, #tpu.memory_space<hbm>> -> memref<128xi32, #tpu.memory_space<hbm>>
    tpu.wait_dma2 semaphore(%arg22 : memref<!tpu.dma_semaphore, #tpu.memory_space<semaphore_mem>>) src(%dma_wait3A_872 : memref<128xi32, #tpu.memory_space<hbm>>) dst(%arg8 : memref<128xi32, #tpu.memory_space<vmem>>)
    %dma_wait3A_873 = arith.constant 0 : i32
    %dma_wait3A_874 = tpu.memref_slice %arg2[%multiple_of3A_822, %dma_wait3A_873] : memref<100000x128xf32, #tpu.memory_space<hbm>> -> memref<128x128xf32, #tpu.memory_space<hbm>>
    %dma_wait3A_875 = arith.constant 0 : i32
    %dma_wait3A_876 = tpu.memref_slice %arg2[%multiple_of3A_822, %dma_wait3A_875] : memref<100000x128xf32, #tpu.memory_space<hbm>> -> memref<128x128xf32, #tpu.memory_space<hbm>>
    tpu.wait_dma2 semaphore(%arg26 : memref<!tpu.dma_semaphore, #tpu.memory_space<semaphore_mem>>) src(%dma_wait3A_876 : memref<128x128xf32, #tpu.memory_space<hbm>>) dst(%arg12 : memref<128x128xf32, #tpu.memory_space<vmem>>)
    %dma_wait3A_877 = arith.constant 0 : i32
    %dma_wait3A_878 = arith.constant 0 : i32
    %dma_wait3A_879 = tpu.memref_slice %arg18[%dma_wait3A_877, %dma_wait3A_878] : memref<256x128xf32, #tpu.memory_space<vmem_shared>> -> memref<256x128xf32, #tpu.memory_space<vmem_shared>>
    tpu.wait_indirect_dma semaphore(%arg29 : memref<!tpu.dma_semaphore, #tpu.memory_space<semaphore_mem>>) src(%arg11 : memref<128x128xf32, #tpu.memory_space<vmem>>) dst(%dma_wait3A_879 : memref<256x128xf32, #tpu.memory_space<vmem_shared>>)
    %dma_start3A_880 = arith.constant 0 : i32
    %dma_start3A_881 = arith.constant 0 : i32
    %dma_start3A_882 = tpu.memref_slice %arg18[%dma_start3A_880, %dma_start3A_881] : memref<256x128xf32, #tpu.memory_space<vmem_shared>> -> memref<256x128xf32, #tpu.memory_space<vmem_shared>>
    tpu.enqueue_indirect_dma source(%arg12 : memref<128x128xf32, #tpu.memory_space<vmem>>) target(%dma_start3A_882 : memref<256x128xf32, #tpu.memory_space<vmem_shared>>) offsets(%arg8 : memref<128xi32, #tpu.memory_space<vmem>>) semaphore(%arg30 : memref<!tpu.dma_semaphore, #tpu.memory_space<semaphore_mem>>) {add = true}
    %add3A_883 = arith.constant 768 : i32
    %add3A_884 = arith.addi %multiple_of3A, %add3A_883 : i32
    %multiple_of3A_885 = tpu.assume_multiple %add3A_884, 8 : i32
    %dma_start3A_886 = tpu.memref_slice %arg3[%multiple_of3A_885] : memref<100000xi32, #tpu.memory_space<hbm>> -> memref<128xi32, #tpu.memory_space<hbm>>
    %dma_start3A_887 = tpu.memref_slice %arg3[%multiple_of3A_885] : memref<100000xi32, #tpu.memory_space<hbm>> -> memref<128xi32, #tpu.memory_space<hbm>>
    tpu.enqueue_dma source(%dma_start3A_887 : memref<128xi32, #tpu.memory_space<hbm>>) target(%arg7 : memref<128xi32, #tpu.memory_space<vmem>>) target_semaphore(%arg21 : memref<!tpu.dma_semaphore, #tpu.memory_space<semaphore_mem>>)
    %dma_start3A_888 = arith.constant 0 : i32
    %dma_start3A_889 = tpu.memref_slice %arg2[%multiple_of3A_885, %dma_start3A_888] : memref<100000x128xf32, #tpu.memory_space<hbm>> -> memref<128x128xf32, #tpu.memory_space<hbm>>
    %dma_start3A_890 = arith.constant 0 : i32
    %dma_start3A_891 = tpu.memref_slice %arg2[%multiple_of3A_885, %dma_start3A_890] : memref<100000x128xf32, #tpu.memory_space<hbm>> -> memref<128x128xf32, #tpu.memory_space<hbm>>
    tpu.enqueue_dma source(%dma_start3A_891 : memref<128x128xf32, #tpu.memory_space<hbm>>) target(%arg11 : memref<128x128xf32, #tpu.memory_space<vmem>>) target_semaphore(%arg25 : memref<!tpu.dma_semaphore, #tpu.memory_space<semaphore_mem>>)
    %dma_wait3A_892 = tpu.memref_slice %arg3[%multiple_of3A_843] : memref<100000xi32, #tpu.memory_space<hbm>> -> memref<128xi32, #tpu.memory_space<hbm>>
    %dma_wait3A_893 = tpu.memref_slice %arg3[%multiple_of3A_843] : memref<100000xi32, #tpu.memory_space<hbm>> -> memref<128xi32, #tpu.memory_space<hbm>>
    tpu.wait_dma2 semaphore(%arg19 : memref<!tpu.dma_semaphore, #tpu.memory_space<semaphore_mem>>) src(%dma_wait3A_893 : memref<128xi32, #tpu.memory_space<hbm>>) dst(%arg5 : memref<128xi32, #tpu.memory_space<vmem>>)
    %dma_wait3A_894 = arith.constant 0 : i32
    %dma_wait3A_895 = tpu.memref_slice %arg2[%multiple_of3A_843, %dma_wait3A_894] : memref<100000x128xf32, #tpu.memory_space<hbm>> -> memref<128x128xf32, #tpu.memory_space<hbm>>
    %dma_wait3A_896 = arith.constant 0 : i32
    %dma_wait3A_897 = tpu.memref_slice %arg2[%multiple_of3A_843, %dma_wait3A_896] : memref<100000x128xf32, #tpu.memory_space<hbm>> -> memref<128x128xf32, #tpu.memory_space<hbm>>
    tpu.wait_dma2 semaphore(%arg23 : memref<!tpu.dma_semaphore, #tpu.memory_space<semaphore_mem>>) src(%dma_wait3A_897 : memref<128x128xf32, #tpu.memory_space<hbm>>) dst(%arg9 : memref<128x128xf32, #tpu.memory_space<vmem>>)
    %dma_wait3A_898 = arith.constant 0 : i32
    %dma_wait3A_899 = arith.constant 0 : i32
    %dma_wait3A_900 = tpu.memref_slice %arg18[%dma_wait3A_898, %dma_wait3A_899] : memref<256x128xf32, #tpu.memory_space<vmem_shared>> -> memref<256x128xf32, #tpu.memory_space<vmem_shared>>
    tpu.wait_indirect_dma semaphore(%arg30 : memref<!tpu.dma_semaphore, #tpu.memory_space<semaphore_mem>>) src(%arg12 : memref<128x128xf32, #tpu.memory_space<vmem>>) dst(%dma_wait3A_900 : memref<256x128xf32, #tpu.memory_space<vmem_shared>>)
    %dma_start3A_901 = arith.constant 0 : i32
    %dma_start3A_902 = arith.constant 0 : i32
    %dma_start3A_903 = tpu.memref_slice %arg18[%dma_start3A_901, %dma_start3A_902] : memref<256x128xf32, #tpu.memory_space<vmem_shared>> -> memref<256x128xf32, #tpu.memory_space<vmem_shared>>
    tpu.enqueue_indirect_dma source(%arg9 : memref<128x128xf32, #tpu.memory_space<vmem>>) target(%dma_start3A_903 : memref<256x128xf32, #tpu.memory_space<vmem_shared>>) offsets(%arg5 : memref<128xi32, #tpu.memory_space<vmem>>) semaphore(%arg27 : memref<!tpu.dma_semaphore, #tpu.memory_space<semaphore_mem>>) {add = true}
    %add3A_904 = arith.constant 896 : i32
    %add3A_905 = arith.addi %multiple_of3A, %add3A_904 : i32
    %multiple_of3A_906 = tpu.assume_multiple %add3A_905, 8 : i32
    %dma_start3A_907 = tpu.memref_slice %arg3[%multiple_of3A_906] : memref<100000xi32, #tpu.memory_space<hbm>> -> memref<128xi32, #tpu.memory_space<hbm>>
    %dma_start3A_908 = tpu.memref_slice %arg3[%multiple_of3A_906] : memref<100000xi32, #tpu.memory_space<hbm>> -> memref<128xi32, #tpu.memory_space<hbm>>
    tpu.enqueue_dma source(%dma_start3A_908 : memref<128xi32, #tpu.memory_space<hbm>>) target(%arg8 : memref<128xi32, #tpu.memory_space<vmem>>) target_semaphore(%arg22 : memref<!tpu.dma_semaphore, #tpu.memory_space<semaphore_mem>>)
    %dma_start3A_909 = arith.constant 0 : i32
    %dma_start3A_910 = tpu.memref_slice %arg2[%multiple_of3A_906, %dma_start3A_909] : memref<100000x128xf32, #tpu.memory_space<hbm>> -> memref<128x128xf32, #tpu.memory_space<hbm>>
    %dma_start3A_911 = arith.constant 0 : i32
    %dma_start3A_912 = tpu.memref_slice %arg2[%multiple_of3A_906, %dma_start3A_911] : memref<100000x128xf32, #tpu.memory_space<hbm>> -> memref<128x128xf32, #tpu.memory_space<hbm>>
    tpu.enqueue_dma source(%dma_start3A_912 : memref<128x128xf32, #tpu.memory_space<hbm>>) target(%arg12 : memref<128x128xf32, #tpu.memory_space<vmem>>) target_semaphore(%arg26 : memref<!tpu.dma_semaphore, #tpu.memory_space<semaphore_mem>>)
    %dma_wait3A_913 = tpu.memref_slice %arg3[%multiple_of3A_864] : memref<100000xi32, #tpu.memory_space<hbm>> -> memref<128xi32, #tpu.memory_space<hbm>>
    %dma_wait3A_914 = tpu.memref_slice %arg3[%multiple_of3A_864] : memref<100000xi32, #tpu.memory_space<hbm>> -> memref<128xi32, #tpu.memory_space<hbm>>
    tpu.wait_dma2 semaphore(%arg20 : memref<!tpu.dma_semaphore, #tpu.memory_space<semaphore_mem>>) src(%dma_wait3A_914 : memref<128xi32, #tpu.memory_space<hbm>>) dst(%arg6 : memref<128xi32, #tpu.memory_space<vmem>>)
    %dma_wait3A_915 = arith.constant 0 : i32
    %dma_wait3A_916 = tpu.memref_slice %arg2[%multiple_of3A_864, %dma_wait3A_915] : memref<100000x128xf32, #tpu.memory_space<hbm>> -> memref<128x128xf32, #tpu.memory_space<hbm>>
    %dma_wait3A_917 = arith.constant 0 : i32
    %dma_wait3A_918 = tpu.memref_slice %arg2[%multiple_of3A_864, %dma_wait3A_917] : memref<100000x128xf32, #tpu.memory_space<hbm>> -> memref<128x128xf32, #tpu.memory_space<hbm>>
    tpu.wait_dma2 semaphore(%arg24 : memref<!tpu.dma_semaphore, #tpu.memory_space<semaphore_mem>>) src(%dma_wait3A_918 : memref<128x128xf32, #tpu.memory_space<hbm>>) dst(%arg10 : memref<128x128xf32, #tpu.memory_space<vmem>>)
    %dma_wait3A_919 = arith.constant 0 : i32
    %dma_wait3A_920 = arith.constant 0 : i32
    %dma_wait3A_921 = tpu.memref_slice %arg18[%dma_wait3A_919, %dma_wait3A_920] : memref<256x128xf32, #tpu.memory_space<vmem_shared>> -> memref<256x128xf32, #tpu.memory_space<vmem_shared>>
    tpu.wait_indirect_dma semaphore(%arg27 : memref<!tpu.dma_semaphore, #tpu.memory_space<semaphore_mem>>) src(%arg9 : memref<128x128xf32, #tpu.memory_space<vmem>>) dst(%dma_wait3A_921 : memref<256x128xf32, #tpu.memory_space<vmem_shared>>)
    %dma_start3A_922 = arith.constant 0 : i32
    %dma_start3A_923 = arith.constant 0 : i32
    %dma_start3A_924 = tpu.memref_slice %arg18[%dma_start3A_922, %dma_start3A_923] : memref<256x128xf32, #tpu.memory_space<vmem_shared>> -> memref<256x128xf32, #tpu.memory_space<vmem_shared>>
    tpu.enqueue_indirect_dma source(%arg10 : memref<128x128xf32, #tpu.memory_space<vmem>>) target(%dma_start3A_924 : memref<256x128xf32, #tpu.memory_space<vmem_shared>>) offsets(%arg6 : memref<128xi32, #tpu.memory_space<vmem>>) semaphore(%arg28 : memref<!tpu.dma_semaphore, #tpu.memory_space<semaphore_mem>>) {add = true}
    %add3A_925 = arith.constant 1024 : i32
    %add3A_926 = arith.addi %multiple_of3A, %add3A_925 : i32
    %multiple_of3A_927 = tpu.assume_multiple %add3A_926, 8 : i32
    %dma_start3A_928 = tpu.memref_slice %arg3[%multiple_of3A_927] : memref<100000xi32, #tpu.memory_space<hbm>> -> memref<128xi32, #tpu.memory_space<hbm>>
    %dma_start3A_929 = tpu.memref_slice %arg3[%multiple_of3A_927] : memref<100000xi32, #tpu.memory_space<hbm>> -> memref<128xi32, #tpu.memory_space<hbm>>
    tpu.enqueue_dma source(%dma_start3A_929 : memref<128xi32, #tpu.memory_space<hbm>>) target(%arg5 : memref<128xi32, #tpu.memory_space<vmem>>) target_semaphore(%arg19 : memref<!tpu.dma_semaphore, #tpu.memory_space<semaphore_mem>>)
    %dma_start3A_930 = arith.constant 0 : i32
    %dma_start3A_931 = tpu.memref_slice %arg2[%multiple_of3A_927, %dma_start3A_930] : memref<100000x128xf32, #tpu.memory_space<hbm>> -> memref<128x128xf32, #tpu.memory_space<hbm>>
    %dma_start3A_932 = arith.constant 0 : i32
    %dma_start3A_933 = tpu.memref_slice %arg2[%multiple_of3A_927, %dma_start3A_932] : memref<100000x128xf32, #tpu.memory_space<hbm>> -> memref<128x128xf32, #tpu.memory_space<hbm>>
    tpu.enqueue_dma source(%dma_start3A_933 : memref<128x128xf32, #tpu.memory_space<hbm>>) target(%arg9 : memref<128x128xf32, #tpu.memory_space<vmem>>) target_semaphore(%arg23 : memref<!tpu.dma_semaphore, #tpu.memory_space<semaphore_mem>>)
    %dma_wait3A_934 = tpu.memref_slice %arg3[%multiple_of3A_885] : memref<100000xi32, #tpu.memory_space<hbm>> -> memref<128xi32, #tpu.memory_space<hbm>>
    %dma_wait3A_935 = tpu.memref_slice %arg3[%multiple_of3A_885] : memref<100000xi32, #tpu.memory_space<hbm>> -> memref<128xi32, #tpu.memory_space<hbm>>
    tpu.wait_dma2 semaphore(%arg21 : memref<!tpu.dma_semaphore, #tpu.memory_space<semaphore_mem>>) src(%dma_wait3A_935 : memref<128xi32, #tpu.memory_space<hbm>>) dst(%arg7 : memref<128xi32, #tpu.memory_space<vmem>>)
    %dma_wait3A_936 = arith.constant 0 : i32
    %dma_wait3A_937 = tpu.memref_slice %arg2[%multiple_of3A_885, %dma_wait3A_936] : memref<100000x128xf32, #tpu.memory_space<hbm>> -> memref<128x128xf32, #tpu.memory_space<hbm>>
    %dma_wait3A_938 = arith.constant 0 : i32
    %dma_wait3A_939 = tpu.memref_slice %arg2[%multiple_of3A_885, %dma_wait3A_938] : memref<100000x128xf32, #tpu.memory_space<hbm>> -> memref<128x128xf32, #tpu.memory_space<hbm>>
    tpu.wait_dma2 semaphore(%arg25 : memref<!tpu.dma_semaphore, #tpu.memory_space<semaphore_mem>>) src(%dma_wait3A_939 : memref<128x128xf32, #tpu.memory_space<hbm>>) dst(%arg11 : memref<128x128xf32, #tpu.memory_space<vmem>>)
    %dma_wait3A_940 = arith.constant 0 : i32
    %dma_wait3A_941 = arith.constant 0 : i32
    %dma_wait3A_942 = tpu.memref_slice %arg18[%dma_wait3A_940, %dma_wait3A_941] : memref<256x128xf32, #tpu.memory_space<vmem_shared>> -> memref<256x128xf32, #tpu.memory_space<vmem_shared>>
    tpu.wait_indirect_dma semaphore(%arg28 : memref<!tpu.dma_semaphore, #tpu.memory_space<semaphore_mem>>) src(%arg10 : memref<128x128xf32, #tpu.memory_space<vmem>>) dst(%dma_wait3A_942 : memref<256x128xf32, #tpu.memory_space<vmem_shared>>)
    %dma_start3A_943 = arith.constant 0 : i32
    %dma_start3A_944 = arith.constant 0 : i32
    %dma_start3A_945 = tpu.memref_slice %arg18[%dma_start3A_943, %dma_start3A_944] : memref<256x128xf32, #tpu.memory_space<vmem_shared>> -> memref<256x128xf32, #tpu.memory_space<vmem_shared>>
    tpu.enqueue_indirect_dma source(%arg11 : memref<128x128xf32, #tpu.memory_space<vmem>>) target(%dma_start3A_945 : memref<256x128xf32, #tpu.memory_space<vmem_shared>>) offsets(%arg7 : memref<128xi32, #tpu.memory_space<vmem>>) semaphore(%arg29 : memref<!tpu.dma_semaphore, #tpu.memory_space<semaphore_mem>>) {add = true}
    %add3A_946 = arith.constant 1152 : i32
    %add3A_947 = arith.addi %multiple_of3A, %add3A_946 : i32
    %multiple_of3A_948 = tpu.assume_multiple %add3A_947, 8 : i32
    %dma_start3A_949 = tpu.memref_slice %arg3[%multiple_of3A_948] : memref<100000xi32, #tpu.memory_space<hbm>> -> memref<128xi32, #tpu.memory_space<hbm>>
    %dma_start3A_950 = tpu.memref_slice %arg3[%multiple_of3A_948] : memref<100000xi32, #tpu.memory_space<hbm>> -> memref<128xi32, #tpu.memory_space<hbm>>
    tpu.enqueue_dma source(%dma_start3A_950 : memref<128xi32, #tpu.memory_space<hbm>>) target(%arg6 : memref<128xi32, #tpu.memory_space<vmem>>) target_semaphore(%arg20 : memref<!tpu.dma_semaphore, #tpu.memory_space<semaphore_mem>>)
    %dma_start3A_951 = arith.constant 0 : i32
    %dma_start3A_952 = tpu.memref_slice %arg2[%multiple_of3A_948, %dma_start3A_951] : memref<100000x128xf32, #tpu.memory_space<hbm>> -> memref<128x128xf32, #tpu.memory_space<hbm>>
    %dma_start3A_953 = arith.constant 0 : i32
    %dma_start3A_954 = tpu.memref_slice %arg2[%multiple_of3A_948, %dma_start3A_953] : memref<100000x128xf32, #tpu.memory_space<hbm>> -> memref<128x128xf32, #tpu.memory_space<hbm>>
    tpu.enqueue_dma source(%dma_start3A_954 : memref<128x128xf32, #tpu.memory_space<hbm>>) target(%arg10 : memref<128x128xf32, #tpu.memory_space<vmem>>) target_semaphore(%arg24 : memref<!tpu.dma_semaphore, #tpu.memory_space<semaphore_mem>>)
    %dma_wait3A_955 = tpu.memref_slice %arg3[%multiple_of3A_906] : memref<100000xi32, #tpu.memory_space<hbm>> -> memref<128xi32, #tpu.memory_space<hbm>>
    %dma_wait3A_956 = tpu.memref_slice %arg3[%multiple_of3A_906] : memref<100000xi32, #tpu.memory_space<hbm>> -> memref<128xi32, #tpu.memory_space<hbm>>
    tpu.wait_dma2 semaphore(%arg22 : memref<!tpu.dma_semaphore, #tpu.memory_space<semaphore_mem>>) src(%dma_wait3A_956 : memref<128xi32, #tpu.memory_space<hbm>>) dst(%arg8 : memref<128xi32, #tpu.memory_space<vmem>>)
    %dma_wait3A_957 = arith.constant 0 : i32
    %dma_wait3A_958 = tpu.memref_slice %arg2[%multiple_of3A_906, %dma_wait3A_957] : memref<100000x128xf32, #tpu.memory_space<hbm>> -> memref<128x128xf32, #tpu.memory_space<hbm>>
    %dma_wait3A_959 = arith.constant 0 : i32
    %dma_wait3A_960 = tpu.memref_slice %arg2[%multiple_of3A_906, %dma_wait3A_959] : memref<100000x128xf32, #tpu.memory_space<hbm>> -> memref<128x128xf32, #tpu.memory_space<hbm>>
    tpu.wait_dma2 semaphore(%arg26 : memref<!tpu.dma_semaphore, #tpu.memory_space<semaphore_mem>>) src(%dma_wait3A_960 : memref<128x128xf32, #tpu.memory_space<hbm>>) dst(%arg12 : memref<128x128xf32, #tpu.memory_space<vmem>>)
    %dma_wait3A_961 = arith.constant 0 : i32
    %dma_wait3A_962 = arith.constant 0 : i32
    %dma_wait3A_963 = tpu.memref_slice %arg18[%dma_wait3A_961, %dma_wait3A_962] : memref<256x128xf32, #tpu.memory_space<vmem_shared>> -> memref<256x128xf32, #tpu.memory_space<vmem_shared>>
    tpu.wait_indirect_dma semaphore(%arg29 : memref<!tpu.dma_semaphore, #tpu.memory_space<semaphore_mem>>) src(%arg11 : memref<128x128xf32, #tpu.memory_space<vmem>>) dst(%dma_wait3A_963 : memref<256x128xf32, #tpu.memory_space<vmem_shared>>)
    %dma_start3A_964 = arith.constant 0 : i32
    %dma_start3A_965 = arith.constant 0 : i32
    %dma_start3A_966 = tpu.memref_slice %arg18[%dma_start3A_964, %dma_start3A_965] : memref<256x128xf32, #tpu.memory_space<vmem_shared>> -> memref<256x128xf32, #tpu.memory_space<vmem_shared>>
    tpu.enqueue_indirect_dma source(%arg12 : memref<128x128xf32, #tpu.memory_space<vmem>>) target(%dma_start3A_966 : memref<256x128xf32, #tpu.memory_space<vmem_shared>>) offsets(%arg8 : memref<128xi32, #tpu.memory_space<vmem>>) semaphore(%arg30 : memref<!tpu.dma_semaphore, #tpu.memory_space<semaphore_mem>>) {add = true}
    %add3A_967 = arith.constant 1280 : i32
    %add3A_968 = arith.addi %multiple_of3A, %add3A_967 : i32
    %multiple_of3A_969 = tpu.assume_multiple %add3A_968, 8 : i32
    %dma_start3A_970 = tpu.memref_slice %arg3[%multiple_of3A_969] : memref<100000xi32, #tpu.memory_space<hbm>> -> memref<128xi32, #tpu.memory_space<hbm>>
    %dma_start3A_971 = tpu.memref_slice %arg3[%multiple_of3A_969] : memref<100000xi32, #tpu.memory_space<hbm>> -> memref<128xi32, #tpu.memory_space<hbm>>
    tpu.enqueue_dma source(%dma_start3A_971 : memref<128xi32, #tpu.memory_space<hbm>>) target(%arg7 : memref<128xi32, #tpu.memory_space<vmem>>) target_semaphore(%arg21 : memref<!tpu.dma_semaphore, #tpu.memory_space<semaphore_mem>>)
    %dma_start3A_972 = arith.constant 0 : i32
    %dma_start3A_973 = tpu.memref_slice %arg2[%multiple_of3A_969, %dma_start3A_972] : memref<100000x128xf32, #tpu.memory_space<hbm>> -> memref<128x128xf32, #tpu.memory_space<hbm>>
    %dma_start3A_974 = arith.constant 0 : i32
    %dma_start3A_975 = tpu.memref_slice %arg2[%multiple_of3A_969, %dma_start3A_974] : memref<100000x128xf32, #tpu.memory_space<hbm>> -> memref<128x128xf32, #tpu.memory_space<hbm>>
    tpu.enqueue_dma source(%dma_start3A_975 : memref<128x128xf32, #tpu.memory_space<hbm>>) target(%arg11 : memref<128x128xf32, #tpu.memory_space<vmem>>) target_semaphore(%arg25 : memref<!tpu.dma_semaphore, #tpu.memory_space<semaphore_mem>>)
    %dma_wait3A_976 = tpu.memref_slice %arg3[%multiple_of3A_927] : memref<100000xi32, #tpu.memory_space<hbm>> -> memref<128xi32, #tpu.memory_space<hbm>>
    %dma_wait3A_977 = tpu.memref_slice %arg3[%multiple_of3A_927] : memref<100000xi32, #tpu.memory_space<hbm>> -> memref<128xi32, #tpu.memory_space<hbm>>
    tpu.wait_dma2 semaphore(%arg19 : memref<!tpu.dma_semaphore, #tpu.memory_space<semaphore_mem>>) src(%dma_wait3A_977 : memref<128xi32, #tpu.memory_space<hbm>>) dst(%arg5 : memref<128xi32, #tpu.memory_space<vmem>>)
    %dma_wait3A_978 = arith.constant 0 : i32
    %dma_wait3A_979 = tpu.memref_slice %arg2[%multiple_of3A_927, %dma_wait3A_978] : memref<100000x128xf32, #tpu.memory_space<hbm>> -> memref<128x128xf32, #tpu.memory_space<hbm>>
    %dma_wait3A_980 = arith.constant 0 : i32
    %dma_wait3A_981 = tpu.memref_slice %arg2[%multiple_of3A_927, %dma_wait3A_980] : memref<100000x128xf32, #tpu.memory_space<hbm>> -> memref<128x128xf32, #tpu.memory_space<hbm>>
    tpu.wait_dma2 semaphore(%arg23 : memref<!tpu.dma_semaphore, #tpu.memory_space<semaphore_mem>>) src(%dma_wait3A_981 : memref<128x128xf32, #tpu.memory_space<hbm>>) dst(%arg9 : memref<128x128xf32, #tpu.memory_space<vmem>>)
    %dma_wait3A_982 = arith.constant 0 : i32
    %dma_wait3A_983 = arith.constant 0 : i32
    %dma_wait3A_984 = tpu.memref_slice %arg18[%dma_wait3A_982, %dma_wait3A_983] : memref<256x128xf32, #tpu.memory_space<vmem_shared>> -> memref<256x128xf32, #tpu.memory_space<vmem_shared>>
    tpu.wait_indirect_dma semaphore(%arg30 : memref<!tpu.dma_semaphore, #tpu.memory_space<semaphore_mem>>) src(%arg12 : memref<128x128xf32, #tpu.memory_space<vmem>>) dst(%dma_wait3A_984 : memref<256x128xf32, #tpu.memory_space<vmem_shared>>)
    %dma_start3A_985 = arith.constant 0 : i32
    %dma_start3A_986 = arith.constant 0 : i32
    %dma_start3A_987 = tpu.memref_slice %arg18[%dma_start3A_985, %dma_start3A_986] : memref<256x128xf32, #tpu.memory_space<vmem_shared>> -> memref<256x128xf32, #tpu.memory_space<vmem_shared>>
    tpu.enqueue_indirect_dma source(%arg9 : memref<128x128xf32, #tpu.memory_space<vmem>>) target(%dma_start3A_987 : memref<256x128xf32, #tpu.memory_space<vmem_shared>>) offsets(%arg5 : memref<128xi32, #tpu.memory_space<vmem>>) semaphore(%arg27 : memref<!tpu.dma_semaphore, #tpu.memory_space<semaphore_mem>>) {add = true}
    %add3A_988 = arith.constant 1408 : i32
    %add3A_989 = arith.addi %multiple_of3A, %add3A_988 : i32
    %multiple_of3A_990 = tpu.assume_multiple %add3A_989, 8 : i32
    %dma_start3A_991 = tpu.memref_slice %arg3[%multiple_of3A_990] : memref<100000xi32, #tpu.memory_space<hbm>> -> memref<128xi32, #tpu.memory_space<hbm>>
    %dma_start3A_992 = tpu.memref_slice %arg3[%multiple_of3A_990] : memref<100000xi32, #tpu.memory_space<hbm>> -> memref<128xi32, #tpu.memory_space<hbm>>
    tpu.enqueue_dma source(%dma_start3A_992 : memref<128xi32, #tpu.memory_space<hbm>>) target(%arg8 : memref<128xi32, #tpu.memory_space<vmem>>) target_semaphore(%arg22 : memref<!tpu.dma_semaphore, #tpu.memory_space<semaphore_mem>>)
    %dma_start3A_993 = arith.constant 0 : i32
    %dma_start3A_994 = tpu.memref_slice %arg2[%multiple_of3A_990, %dma_start3A_993] : memref<100000x128xf32, #tpu.memory_space<hbm>> -> memref<128x128xf32, #tpu.memory_space<hbm>>
    %dma_start3A_995 = arith.constant 0 : i32
    %dma_start3A_996 = tpu.memref_slice %arg2[%multiple_of3A_990, %dma_start3A_995] : memref<100000x128xf32, #tpu.memory_space<hbm>> -> memref<128x128xf32, #tpu.memory_space<hbm>>
    tpu.enqueue_dma source(%dma_start3A_996 : memref<128x128xf32, #tpu.memory_space<hbm>>) target(%arg12 : memref<128x128xf32, #tpu.memory_space<vmem>>) target_semaphore(%arg26 : memref<!tpu.dma_semaphore, #tpu.memory_space<semaphore_mem>>)
    %dma_wait3A_997 = tpu.memref_slice %arg3[%multiple_of3A_948] : memref<100000xi32, #tpu.memory_space<hbm>> -> memref<128xi32, #tpu.memory_space<hbm>>
    %dma_wait3A_998 = tpu.memref_slice %arg3[%multiple_of3A_948] : memref<100000xi32, #tpu.memory_space<hbm>> -> memref<128xi32, #tpu.memory_space<hbm>>
    tpu.wait_dma2 semaphore(%arg20 : memref<!tpu.dma_semaphore, #tpu.memory_space<semaphore_mem>>) src(%dma_wait3A_998 : memref<128xi32, #tpu.memory_space<hbm>>) dst(%arg6 : memref<128xi32, #tpu.memory_space<vmem>>)
    %dma_wait3A_999 = arith.constant 0 : i32
    %dma_wait3A_1000 = tpu.memref_slice %arg2[%multiple_of3A_948, %dma_wait3A_999] : memref<100000x128xf32, #tpu.memory_space<hbm>> -> memref<128x128xf32, #tpu.memory_space<hbm>>
    %dma_wait3A_1001 = arith.constant 0 : i32
    %dma_wait3A_1002 = tpu.memref_slice %arg2[%multiple_of3A_948, %dma_wait3A_1001] : memref<100000x128xf32, #tpu.memory_space<hbm>> -> memref<128x128xf32, #tpu.memory_space<hbm>>
    tpu.wait_dma2 semaphore(%arg24 : memref<!tpu.dma_semaphore, #tpu.memory_space<semaphore_mem>>) src(%dma_wait3A_1002 : memref<128x128xf32, #tpu.memory_space<hbm>>) dst(%arg10 : memref<128x128xf32, #tpu.memory_space<vmem>>)
    %dma_wait3A_1003 = arith.constant 0 : i32
    %dma_wait3A_1004 = arith.constant 0 : i32
    %dma_wait3A_1005 = tpu.memref_slice %arg18[%dma_wait3A_1003, %dma_wait3A_1004] : memref<256x128xf32, #tpu.memory_space<vmem_shared>> -> memref<256x128xf32, #tpu.memory_space<vmem_shared>>
    tpu.wait_indirect_dma semaphore(%arg27 : memref<!tpu.dma_semaphore, #tpu.memory_space<semaphore_mem>>) src(%arg9 : memref<128x128xf32, #tpu.memory_space<vmem>>) dst(%dma_wait3A_1005 : memref<256x128xf32, #tpu.memory_space<vmem_shared>>)
    %dma_start3A_1006 = arith.constant 0 : i32
    %dma_start3A_1007 = arith.constant 0 : i32
    %dma_start3A_1008 = tpu.memref_slice %arg18[%dma_start3A_1006, %dma_start3A_1007] : memref<256x128xf32, #tpu.memory_space<vmem_shared>> -> memref<256x128xf32, #tpu.memory_space<vmem_shared>>
    tpu.enqueue_indirect_dma source(%arg10 : memref<128x128xf32, #tpu.memory_space<vmem>>) target(%dma_start3A_1008 : memref<256x128xf32, #tpu.memory_space<vmem_shared>>) offsets(%arg6 : memref<128xi32, #tpu.memory_space<vmem>>) semaphore(%arg28 : memref<!tpu.dma_semaphore, #tpu.memory_space<semaphore_mem>>) {add = true}
    %add3A_1009 = arith.constant 1536 : i32
    %add3A_1010 = arith.addi %multiple_of3A, %add3A_1009 : i32
    %multiple_of3A_1011 = tpu.assume_multiple %add3A_1010, 8 : i32
    %dma_start3A_1012 = tpu.memref_slice %arg3[%multiple_of3A_1011] : memref<100000xi32, #tpu.memory_space<hbm>> -> memref<128xi32, #tpu.memory_space<hbm>>
    %dma_start3A_1013 = tpu.memref_slice %arg3[%multiple_of3A_1011] : memref<100000xi32, #tpu.memory_space<hbm>> -> memref<128xi32, #tpu.memory_space<hbm>>
    tpu.enqueue_dma source(%dma_start3A_1013 : memref<128xi32, #tpu.memory_space<hbm>>) target(%arg5 : memref<128xi32, #tpu.memory_space<vmem>>) target_semaphore(%arg19 : memref<!tpu.dma_semaphore, #tpu.memory_space<semaphore_mem>>)
    %dma_start3A_1014 = arith.constant 0 : i32
    %dma_start3A_1015 = tpu.memref_slice %arg2[%multiple_of3A_1011, %dma_start3A_1014] : memref<100000x128xf32, #tpu.memory_space<hbm>> -> memref<128x128xf32, #tpu.memory_space<hbm>>
    %dma_start3A_1016 = arith.constant 0 : i32
    %dma_start3A_1017 = tpu.memref_slice %arg2[%multiple_of3A_1011, %dma_start3A_1016] : memref<100000x128xf32, #tpu.memory_space<hbm>> -> memref<128x128xf32, #tpu.memory_space<hbm>>
    tpu.enqueue_dma source(%dma_start3A_1017 : memref<128x128xf32, #tpu.memory_space<hbm>>) target(%arg9 : memref<128x128xf32, #tpu.memory_space<vmem>>) target_semaphore(%arg23 : memref<!tpu.dma_semaphore, #tpu.memory_space<semaphore_mem>>)
    %dma_wait3A_1018 = tpu.memref_slice %arg3[%multiple_of3A_969] : memref<100000xi32, #tpu.memory_space<hbm>> -> memref<128xi32, #tpu.memory_space<hbm>>
    %dma_wait3A_1019 = tpu.memref_slice %arg3[%multiple_of3A_969] : memref<100000xi32, #tpu.memory_space<hbm>> -> memref<128xi32, #tpu.memory_space<hbm>>
    tpu.wait_dma2 semaphore(%arg21 : memref<!tpu.dma_semaphore, #tpu.memory_space<semaphore_mem>>) src(%dma_wait3A_1019 : memref<128xi32, #tpu.memory_space<hbm>>) dst(%arg7 : memref<128xi32, #tpu.memory_space<vmem>>)
    %dma_wait3A_1020 = arith.constant 0 : i32
    %dma_wait3A_1021 = tpu.memref_slice %arg2[%multiple_of3A_969, %dma_wait3A_1020] : memref<100000x128xf32, #tpu.memory_space<hbm>> -> memref<128x128xf32, #tpu.memory_space<hbm>>
    %dma_wait3A_1022 = arith.constant 0 : i32
    %dma_wait3A_1023 = tpu.memref_slice %arg2[%multiple_of3A_969, %dma_wait3A_1022] : memref<100000x128xf32, #tpu.memory_space<hbm>> -> memref<128x128xf32, #tpu.memory_space<hbm>>
    tpu.wait_dma2 semaphore(%arg25 : memref<!tpu.dma_semaphore, #tpu.memory_space<semaphore_mem>>) src(%dma_wait3A_1023 : memref<128x128xf32, #tpu.memory_space<hbm>>) dst(%arg11 : memref<128x128xf32, #tpu.memory_space<vmem>>)
    %dma_wait3A_1024 = arith.constant 0 : i32
    %dma_wait3A_1025 = arith.constant 0 : i32
    %dma_wait3A_1026 = tpu.memref_slice %arg18[%dma_wait3A_1024, %dma_wait3A_1025] : memref<256x128xf32, #tpu.memory_space<vmem_shared>> -> memref<256x128xf32, #tpu.memory_space<vmem_shared>>
    tpu.wait_indirect_dma semaphore(%arg28 : memref<!tpu.dma_semaphore, #tpu.memory_space<semaphore_mem>>) src(%arg10 : memref<128x128xf32, #tpu.memory_space<vmem>>) dst(%dma_wait3A_1026 : memref<256x128xf32, #tpu.memory_space<vmem_shared>>)
    %dma_start3A_1027 = arith.constant 0 : i32
    %dma_start3A_1028 = arith.constant 0 : i32
    %dma_start3A_1029 = tpu.memref_slice %arg18[%dma_start3A_1027, %dma_start3A_1028] : memref<256x128xf32, #tpu.memory_space<vmem_shared>> -> memref<256x128xf32, #tpu.memory_space<vmem_shared>>
    tpu.enqueue_indirect_dma source(%arg11 : memref<128x128xf32, #tpu.memory_space<vmem>>) target(%dma_start3A_1029 : memref<256x128xf32, #tpu.memory_space<vmem_shared>>) offsets(%arg7 : memref<128xi32, #tpu.memory_space<vmem>>) semaphore(%arg29 : memref<!tpu.dma_semaphore, #tpu.memory_space<semaphore_mem>>) {add = true}
    %add3A_1030 = arith.constant 1664 : i32
    %add3A_1031 = arith.addi %multiple_of3A, %add3A_1030 : i32
    %multiple_of3A_1032 = tpu.assume_multiple %add3A_1031, 8 : i32
    %dma_start3A_1033 = tpu.memref_slice %arg3[%multiple_of3A_1032] : memref<100000xi32, #tpu.memory_space<hbm>> -> memref<128xi32, #tpu.memory_space<hbm>>
    %dma_start3A_1034 = tpu.memref_slice %arg3[%multiple_of3A_1032] : memref<100000xi32, #tpu.memory_space<hbm>> -> memref<128xi32, #tpu.memory_space<hbm>>
    tpu.enqueue_dma source(%dma_start3A_1034 : memref<128xi32, #tpu.memory_space<hbm>>) target(%arg6 : memref<128xi32, #tpu.memory_space<vmem>>) target_semaphore(%arg20 : memref<!tpu.dma_semaphore, #tpu.memory_space<semaphore_mem>>)
    %dma_start3A_1035 = arith.constant 0 : i32
    %dma_start3A_1036 = tpu.memref_slice %arg2[%multiple_of3A_1032, %dma_start3A_1035] : memref<100000x128xf32, #tpu.memory_space<hbm>> -> memref<128x128xf32, #tpu.memory_space<hbm>>
    %dma_start3A_1037 = arith.constant 0 : i32
    %dma_start3A_1038 = tpu.memref_slice %arg2[%multiple_of3A_1032, %dma_start3A_1037] : memref<100000x128xf32, #tpu.memory_space<hbm>> -> memref<128x128xf32, #tpu.memory_space<hbm>>
    tpu.enqueue_dma source(%dma_start3A_1038 : memref<128x128xf32, #tpu.memory_space<hbm>>) target(%arg10 : memref<128x128xf32, #tpu.memory_space<vmem>>) target_semaphore(%arg24 : memref<!tpu.dma_semaphore, #tpu.memory_space<semaphore_mem>>)
    %dma_wait3A_1039 = tpu.memref_slice %arg3[%multiple_of3A_990] : memref<100000xi32, #tpu.memory_space<hbm>> -> memref<128xi32, #tpu.memory_space<hbm>>
    %dma_wait3A_1040 = tpu.memref_slice %arg3[%multiple_of3A_990] : memref<100000xi32, #tpu.memory_space<hbm>> -> memref<128xi32, #tpu.memory_space<hbm>>
    tpu.wait_dma2 semaphore(%arg22 : memref<!tpu.dma_semaphore, #tpu.memory_space<semaphore_mem>>) src(%dma_wait3A_1040 : memref<128xi32, #tpu.memory_space<hbm>>) dst(%arg8 : memref<128xi32, #tpu.memory_space<vmem>>)
    %dma_wait3A_1041 = arith.constant 0 : i32
    %dma_wait3A_1042 = tpu.memref_slice %arg2[%multiple_of3A_990, %dma_wait3A_1041] : memref<100000x128xf32, #tpu.memory_space<hbm>> -> memref<128x128xf32, #tpu.memory_space<hbm>>
    %dma_wait3A_1043 = arith.constant 0 : i32
    %dma_wait3A_1044 = tpu.memref_slice %arg2[%multiple_of3A_990, %dma_wait3A_1043] : memref<100000x128xf32, #tpu.memory_space<hbm>> -> memref<128x128xf32, #tpu.memory_space<hbm>>
    tpu.wait_dma2 semaphore(%arg26 : memref<!tpu.dma_semaphore, #tpu.memory_space<semaphore_mem>>) src(%dma_wait3A_1044 : memref<128x128xf32, #tpu.memory_space<hbm>>) dst(%arg12 : memref<128x128xf32, #tpu.memory_space<vmem>>)
    %dma_wait3A_1045 = arith.constant 0 : i32
    %dma_wait3A_1046 = arith.constant 0 : i32
    %dma_wait3A_1047 = tpu.memref_slice %arg18[%dma_wait3A_1045, %dma_wait3A_1046] : memref<256x128xf32, #tpu.memory_space<vmem_shared>> -> memref<256x128xf32, #tpu.memory_space<vmem_shared>>
    tpu.wait_indirect_dma semaphore(%arg29 : memref<!tpu.dma_semaphore, #tpu.memory_space<semaphore_mem>>) src(%arg11 : memref<128x128xf32, #tpu.memory_space<vmem>>) dst(%dma_wait3A_1047 : memref<256x128xf32, #tpu.memory_space<vmem_shared>>)
    %dma_start3A_1048 = arith.constant 0 : i32
    %dma_start3A_1049 = arith.constant 0 : i32
    %dma_start3A_1050 = tpu.memref_slice %arg18[%dma_start3A_1048, %dma_start3A_1049] : memref<256x128xf32, #tpu.memory_space<vmem_shared>> -> memref<256x128xf32, #tpu.memory_space<vmem_shared>>
    tpu.enqueue_indirect_dma source(%arg12 : memref<128x128xf32, #tpu.memory_space<vmem>>) target(%dma_start3A_1050 : memref<256x128xf32, #tpu.memory_space<vmem_shared>>) offsets(%arg8 : memref<128xi32, #tpu.memory_space<vmem>>) semaphore(%arg30 : memref<!tpu.dma_semaphore, #tpu.memory_space<semaphore_mem>>) {add = true}
    %add3A_1051 = arith.constant 1792 : i32
    %add3A_1052 = arith.addi %multiple_of3A, %add3A_1051 : i32
    %multiple_of3A_1053 = tpu.assume_multiple %add3A_1052, 8 : i32
    %dma_start3A_1054 = tpu.memref_slice %arg3[%multiple_of3A_1053] : memref<100000xi32, #tpu.memory_space<hbm>> -> memref<128xi32, #tpu.memory_space<hbm>>
    %dma_start3A_1055 = tpu.memref_slice %arg3[%multiple_of3A_1053] : memref<100000xi32, #tpu.memory_space<hbm>> -> memref<128xi32, #tpu.memory_space<hbm>>
    tpu.enqueue_dma source(%dma_start3A_1055 : memref<128xi32, #tpu.memory_space<hbm>>) target(%arg7 : memref<128xi32, #tpu.memory_space<vmem>>) target_semaphore(%arg21 : memref<!tpu.dma_semaphore, #tpu.memory_space<semaphore_mem>>)
    %dma_start3A_1056 = arith.constant 0 : i32
    %dma_start3A_1057 = tpu.memref_slice %arg2[%multiple_of3A_1053, %dma_start3A_1056] : memref<100000x128xf32, #tpu.memory_space<hbm>> -> memref<128x128xf32, #tpu.memory_space<hbm>>
    %dma_start3A_1058 = arith.constant 0 : i32
    %dma_start3A_1059 = tpu.memref_slice %arg2[%multiple_of3A_1053, %dma_start3A_1058] : memref<100000x128xf32, #tpu.memory_space<hbm>> -> memref<128x128xf32, #tpu.memory_space<hbm>>
    tpu.enqueue_dma source(%dma_start3A_1059 : memref<128x128xf32, #tpu.memory_space<hbm>>) target(%arg11 : memref<128x128xf32, #tpu.memory_space<vmem>>) target_semaphore(%arg25 : memref<!tpu.dma_semaphore, #tpu.memory_space<semaphore_mem>>)
    %dma_wait3A_1060 = tpu.memref_slice %arg3[%multiple_of3A_1011] : memref<100000xi32, #tpu.memory_space<hbm>> -> memref<128xi32, #tpu.memory_space<hbm>>
    %dma_wait3A_1061 = tpu.memref_slice %arg3[%multiple_of3A_1011] : memref<100000xi32, #tpu.memory_space<hbm>> -> memref<128xi32, #tpu.memory_space<hbm>>
    tpu.wait_dma2 semaphore(%arg19 : memref<!tpu.dma_semaphore, #tpu.memory_space<semaphore_mem>>) src(%dma_wait3A_1061 : memref<128xi32, #tpu.memory_space<hbm>>) dst(%arg5 : memref<128xi32, #tpu.memory_space<vmem>>)
    %dma_wait3A_1062 = arith.constant 0 : i32
    %dma_wait3A_1063 = tpu.memref_slice %arg2[%multiple_of3A_1011, %dma_wait3A_1062] : memref<100000x128xf32, #tpu.memory_space<hbm>> -> memref<128x128xf32, #tpu.memory_space<hbm>>
    %dma_wait3A_1064 = arith.constant 0 : i32
    %dma_wait3A_1065 = tpu.memref_slice %arg2[%multiple_of3A_1011, %dma_wait3A_1064] : memref<100000x128xf32, #tpu.memory_space<hbm>> -> memref<128x128xf32, #tpu.memory_space<hbm>>
    tpu.wait_dma2 semaphore(%arg23 : memref<!tpu.dma_semaphore, #tpu.memory_space<semaphore_mem>>) src(%dma_wait3A_1065 : memref<128x128xf32, #tpu.memory_space<hbm>>) dst(%arg9 : memref<128x128xf32, #tpu.memory_space<vmem>>)
    %dma_wait3A_1066 = arith.constant 0 : i32
    %dma_wait3A_1067 = arith.constant 0 : i32
    %dma_wait3A_1068 = tpu.memref_slice %arg18[%dma_wait3A_1066, %dma_wait3A_1067] : memref<256x128xf32, #tpu.memory_space<vmem_shared>> -> memref<256x128xf32, #tpu.memory_space<vmem_shared>>
    tpu.wait_indirect_dma semaphore(%arg30 : memref<!tpu.dma_semaphore, #tpu.memory_space<semaphore_mem>>) src(%arg12 : memref<128x128xf32, #tpu.memory_space<vmem>>) dst(%dma_wait3A_1068 : memref<256x128xf32, #tpu.memory_space<vmem_shared>>)
    %dma_start3A_1069 = arith.constant 0 : i32
    %dma_start3A_1070 = arith.constant 0 : i32
    %dma_start3A_1071 = tpu.memref_slice %arg18[%dma_start3A_1069, %dma_start3A_1070] : memref<256x128xf32, #tpu.memory_space<vmem_shared>> -> memref<256x128xf32, #tpu.memory_space<vmem_shared>>
    tpu.enqueue_indirect_dma source(%arg9 : memref<128x128xf32, #tpu.memory_space<vmem>>) target(%dma_start3A_1071 : memref<256x128xf32, #tpu.memory_space<vmem_shared>>) offsets(%arg5 : memref<128xi32, #tpu.memory_space<vmem>>) semaphore(%arg27 : memref<!tpu.dma_semaphore, #tpu.memory_space<semaphore_mem>>) {add = true}
    %add3A_1072 = arith.constant 1920 : i32
    %add3A_1073 = arith.addi %multiple_of3A, %add3A_1072 : i32
    %multiple_of3A_1074 = tpu.assume_multiple %add3A_1073, 8 : i32
    %dma_start3A_1075 = tpu.memref_slice %arg3[%multiple_of3A_1074] : memref<100000xi32, #tpu.memory_space<hbm>> -> memref<128xi32, #tpu.memory_space<hbm>>
    %dma_start3A_1076 = tpu.memref_slice %arg3[%multiple_of3A_1074] : memref<100000xi32, #tpu.memory_space<hbm>> -> memref<128xi32, #tpu.memory_space<hbm>>
    tpu.enqueue_dma source(%dma_start3A_1076 : memref<128xi32, #tpu.memory_space<hbm>>) target(%arg8 : memref<128xi32, #tpu.memory_space<vmem>>) target_semaphore(%arg22 : memref<!tpu.dma_semaphore, #tpu.memory_space<semaphore_mem>>)
    %dma_start3A_1077 = arith.constant 0 : i32
    %dma_start3A_1078 = tpu.memref_slice %arg2[%multiple_of3A_1074, %dma_start3A_1077] : memref<100000x128xf32, #tpu.memory_space<hbm>> -> memref<128x128xf32, #tpu.memory_space<hbm>>
    %dma_start3A_1079 = arith.constant 0 : i32
    %dma_start3A_1080 = tpu.memref_slice %arg2[%multiple_of3A_1074, %dma_start3A_1079] : memref<100000x128xf32, #tpu.memory_space<hbm>> -> memref<128x128xf32, #tpu.memory_space<hbm>>
    tpu.enqueue_dma source(%dma_start3A_1080 : memref<128x128xf32, #tpu.memory_space<hbm>>) target(%arg12 : memref<128x128xf32, #tpu.memory_space<vmem>>) target_semaphore(%arg26 : memref<!tpu.dma_semaphore, #tpu.memory_space<semaphore_mem>>)
    %dma_wait3A_1081 = tpu.memref_slice %arg3[%multiple_of3A_1032] : memref<100000xi32, #tpu.memory_space<hbm>> -> memref<128xi32, #tpu.memory_space<hbm>>
    %dma_wait3A_1082 = tpu.memref_slice %arg3[%multiple_of3A_1032] : memref<100000xi32, #tpu.memory_space<hbm>> -> memref<128xi32, #tpu.memory_space<hbm>>
    tpu.wait_dma2 semaphore(%arg20 : memref<!tpu.dma_semaphore, #tpu.memory_space<semaphore_mem>>) src(%dma_wait3A_1082 : memref<128xi32, #tpu.memory_space<hbm>>) dst(%arg6 : memref<128xi32, #tpu.memory_space<vmem>>)
    %dma_wait3A_1083 = arith.constant 0 : i32
    %dma_wait3A_1084 = tpu.memref_slice %arg2[%multiple_of3A_1032, %dma_wait3A_1083] : memref<100000x128xf32, #tpu.memory_space<hbm>> -> memref<128x128xf32, #tpu.memory_space<hbm>>
    %dma_wait3A_1085 = arith.constant 0 : i32
    %dma_wait3A_1086 = tpu.memref_slice %arg2[%multiple_of3A_1032, %dma_wait3A_1085] : memref<100000x128xf32, #tpu.memory_space<hbm>> -> memref<128x128xf32, #tpu.memory_space<hbm>>
    tpu.wait_dma2 semaphore(%arg24 : memref<!tpu.dma_semaphore, #tpu.memory_space<semaphore_mem>>) src(%dma_wait3A_1086 : memref<128x128xf32, #tpu.memory_space<hbm>>) dst(%arg10 : memref<128x128xf32, #tpu.memory_space<vmem>>)
    %dma_wait3A_1087 = arith.constant 0 : i32
    %dma_wait3A_1088 = arith.constant 0 : i32
    %dma_wait3A_1089 = tpu.memref_slice %arg18[%dma_wait3A_1087, %dma_wait3A_1088] : memref<256x128xf32, #tpu.memory_space<vmem_shared>> -> memref<256x128xf32, #tpu.memory_space<vmem_shared>>
    tpu.wait_indirect_dma semaphore(%arg27 : memref<!tpu.dma_semaphore, #tpu.memory_space<semaphore_mem>>) src(%arg9 : memref<128x128xf32, #tpu.memory_space<vmem>>) dst(%dma_wait3A_1089 : memref<256x128xf32, #tpu.memory_space<vmem_shared>>)
    %dma_start3A_1090 = arith.constant 0 : i32
    %dma_start3A_1091 = arith.constant 0 : i32
    %dma_start3A_1092 = tpu.memref_slice %arg18[%dma_start3A_1090, %dma_start3A_1091] : memref<256x128xf32, #tpu.memory_space<vmem_shared>> -> memref<256x128xf32, #tpu.memory_space<vmem_shared>>
    tpu.enqueue_indirect_dma source(%arg10 : memref<128x128xf32, #tpu.memory_space<vmem>>) target(%dma_start3A_1092 : memref<256x128xf32, #tpu.memory_space<vmem_shared>>) offsets(%arg6 : memref<128xi32, #tpu.memory_space<vmem>>) semaphore(%arg28 : memref<!tpu.dma_semaphore, #tpu.memory_space<semaphore_mem>>) {add = true}
    %add3A_1093 = arith.constant 2048 : i32
    %add3A_1094 = arith.addi %multiple_of3A, %add3A_1093 : i32
    %multiple_of3A_1095 = tpu.assume_multiple %add3A_1094, 8 : i32
    %dma_start3A_1096 = tpu.memref_slice %arg3[%multiple_of3A_1095] : memref<100000xi32, #tpu.memory_space<hbm>> -> memref<128xi32, #tpu.memory_space<hbm>>
    %dma_start3A_1097 = tpu.memref_slice %arg3[%multiple_of3A_1095] : memref<100000xi32, #tpu.memory_space<hbm>> -> memref<128xi32, #tpu.memory_space<hbm>>
    tpu.enqueue_dma source(%dma_start3A_1097 : memref<128xi32, #tpu.memory_space<hbm>>) target(%arg5 : memref<128xi32, #tpu.memory_space<vmem>>) target_semaphore(%arg19 : memref<!tpu.dma_semaphore, #tpu.memory_space<semaphore_mem>>)
    %dma_start3A_1098 = arith.constant 0 : i32
    %dma_start3A_1099 = tpu.memref_slice %arg2[%multiple_of3A_1095, %dma_start3A_1098] : memref<100000x128xf32, #tpu.memory_space<hbm>> -> memref<128x128xf32, #tpu.memory_space<hbm>>
    %dma_start3A_1100 = arith.constant 0 : i32
    %dma_start3A_1101 = tpu.memref_slice %arg2[%multiple_of3A_1095, %dma_start3A_1100] : memref<100000x128xf32, #tpu.memory_space<hbm>> -> memref<128x128xf32, #tpu.memory_space<hbm>>
    tpu.enqueue_dma source(%dma_start3A_1101 : memref<128x128xf32, #tpu.memory_space<hbm>>) target(%arg9 : memref<128x128xf32, #tpu.memory_space<vmem>>) target_semaphore(%arg23 : memref<!tpu.dma_semaphore, #tpu.memory_space<semaphore_mem>>)
    %dma_wait3A_1102 = tpu.memref_slice %arg3[%multiple_of3A_1053] : memref<100000xi32, #tpu.memory_space<hbm>> -> memref<128xi32, #tpu.memory_space<hbm>>
    %dma_wait3A_1103 = tpu.memref_slice %arg3[%multiple_of3A_1053] : memref<100000xi32, #tpu.memory_space<hbm>> -> memref<128xi32, #tpu.memory_space<hbm>>
    tpu.wait_dma2 semaphore(%arg21 : memref<!tpu.dma_semaphore, #tpu.memory_space<semaphore_mem>>) src(%dma_wait3A_1103 : memref<128xi32, #tpu.memory_space<hbm>>) dst(%arg7 : memref<128xi32, #tpu.memory_space<vmem>>)
    %dma_wait3A_1104 = arith.constant 0 : i32
    %dma_wait3A_1105 = tpu.memref_slice %arg2[%multiple_of3A_1053, %dma_wait3A_1104] : memref<100000x128xf32, #tpu.memory_space<hbm>> -> memref<128x128xf32, #tpu.memory_space<hbm>>
    %dma_wait3A_1106 = arith.constant 0 : i32
    %dma_wait3A_1107 = tpu.memref_slice %arg2[%multiple_of3A_1053, %dma_wait3A_1106] : memref<100000x128xf32, #tpu.memory_space<hbm>> -> memref<128x128xf32, #tpu.memory_space<hbm>>
    tpu.wait_dma2 semaphore(%arg25 : memref<!tpu.dma_semaphore, #tpu.memory_space<semaphore_mem>>) src(%dma_wait3A_1107 : memref<128x128xf32, #tpu.memory_space<hbm>>) dst(%arg11 : memref<128x128xf32, #tpu.memory_space<vmem>>)
    %dma_wait3A_1108 = arith.constant 0 : i32
    %dma_wait3A_1109 = arith.constant 0 : i32
    %dma_wait3A_1110 = tpu.memref_slice %arg18[%dma_wait3A_1108, %dma_wait3A_1109] : memref<256x128xf32, #tpu.memory_space<vmem_shared>> -> memref<256x128xf32, #tpu.memory_space<vmem_shared>>
    tpu.wait_indirect_dma semaphore(%arg28 : memref<!tpu.dma_semaphore, #tpu.memory_space<semaphore_mem>>) src(%arg10 : memref<128x128xf32, #tpu.memory_space<vmem>>) dst(%dma_wait3A_1110 : memref<256x128xf32, #tpu.memory_space<vmem_shared>>)
    %dma_start3A_1111 = arith.constant 0 : i32
    %dma_start3A_1112 = arith.constant 0 : i32
    %dma_start3A_1113 = tpu.memref_slice %arg18[%dma_start3A_1111, %dma_start3A_1112] : memref<256x128xf32, #tpu.memory_space<vmem_shared>> -> memref<256x128xf32, #tpu.memory_space<vmem_shared>>
    tpu.enqueue_indirect_dma source(%arg11 : memref<128x128xf32, #tpu.memory_space<vmem>>) target(%dma_start3A_1113 : memref<256x128xf32, #tpu.memory_space<vmem_shared>>) offsets(%arg7 : memref<128xi32, #tpu.memory_space<vmem>>) semaphore(%arg29 : memref<!tpu.dma_semaphore, #tpu.memory_space<semaphore_mem>>) {add = true}
    %add3A_1114 = arith.constant 2176 : i32
    %add3A_1115 = arith.addi %multiple_of3A, %add3A_1114 : i32
    %multiple_of3A_1116 = tpu.assume_multiple %add3A_1115, 8 : i32
    %dma_start3A_1117 = tpu.memref_slice %arg3[%multiple_of3A_1116] : memref<100000xi32, #tpu.memory_space<hbm>> -> memref<128xi32, #tpu.memory_space<hbm>>
    %dma_start3A_1118 = tpu.memref_slice %arg3[%multiple_of3A_1116] : memref<100000xi32, #tpu.memory_space<hbm>> -> memref<128xi32, #tpu.memory_space<hbm>>
    tpu.enqueue_dma source(%dma_start3A_1118 : memref<128xi32, #tpu.memory_space<hbm>>) target(%arg6 : memref<128xi32, #tpu.memory_space<vmem>>) target_semaphore(%arg20 : memref<!tpu.dma_semaphore, #tpu.memory_space<semaphore_mem>>)
    %dma_start3A_1119 = arith.constant 0 : i32
    %dma_start3A_1120 = tpu.memref_slice %arg2[%multiple_of3A_1116, %dma_start3A_1119] : memref<100000x128xf32, #tpu.memory_space<hbm>> -> memref<128x128xf32, #tpu.memory_space<hbm>>
    %dma_start3A_1121 = arith.constant 0 : i32
    %dma_start3A_1122 = tpu.memref_slice %arg2[%multiple_of3A_1116, %dma_start3A_1121] : memref<100000x128xf32, #tpu.memory_space<hbm>> -> memref<128x128xf32, #tpu.memory_space<hbm>>
    tpu.enqueue_dma source(%dma_start3A_1122 : memref<128x128xf32, #tpu.memory_space<hbm>>) target(%arg10 : memref<128x128xf32, #tpu.memory_space<vmem>>) target_semaphore(%arg24 : memref<!tpu.dma_semaphore, #tpu.memory_space<semaphore_mem>>)
    %dma_wait3A_1123 = tpu.memref_slice %arg3[%multiple_of3A_1074] : memref<100000xi32, #tpu.memory_space<hbm>> -> memref<128xi32, #tpu.memory_space<hbm>>
    %dma_wait3A_1124 = tpu.memref_slice %arg3[%multiple_of3A_1074] : memref<100000xi32, #tpu.memory_space<hbm>> -> memref<128xi32, #tpu.memory_space<hbm>>
    tpu.wait_dma2 semaphore(%arg22 : memref<!tpu.dma_semaphore, #tpu.memory_space<semaphore_mem>>) src(%dma_wait3A_1124 : memref<128xi32, #tpu.memory_space<hbm>>) dst(%arg8 : memref<128xi32, #tpu.memory_space<vmem>>)
    %dma_wait3A_1125 = arith.constant 0 : i32
    %dma_wait3A_1126 = tpu.memref_slice %arg2[%multiple_of3A_1074, %dma_wait3A_1125] : memref<100000x128xf32, #tpu.memory_space<hbm>> -> memref<128x128xf32, #tpu.memory_space<hbm>>
    %dma_wait3A_1127 = arith.constant 0 : i32
    %dma_wait3A_1128 = tpu.memref_slice %arg2[%multiple_of3A_1074, %dma_wait3A_1127] : memref<100000x128xf32, #tpu.memory_space<hbm>> -> memref<128x128xf32, #tpu.memory_space<hbm>>
    tpu.wait_dma2 semaphore(%arg26 : memref<!tpu.dma_semaphore, #tpu.memory_space<semaphore_mem>>) src(%dma_wait3A_1128 : memref<128x128xf32, #tpu.memory_space<hbm>>) dst(%arg12 : memref<128x128xf32, #tpu.memory_space<vmem>>)
    %dma_wait3A_1129 = arith.constant 0 : i32
    %dma_wait3A_1130 = arith.constant 0 : i32
    %dma_wait3A_1131 = tpu.memref_slice %arg18[%dma_wait3A_1129, %dma_wait3A_1130] : memref<256x128xf32, #tpu.memory_space<vmem_shared>> -> memref<256x128xf32, #tpu.memory_space<vmem_shared>>
    tpu.wait_indirect_dma semaphore(%arg29 : memref<!tpu.dma_semaphore, #tpu.memory_space<semaphore_mem>>) src(%arg11 : memref<128x128xf32, #tpu.memory_space<vmem>>) dst(%dma_wait3A_1131 : memref<256x128xf32, #tpu.memory_space<vmem_shared>>)
    %dma_start3A_1132 = arith.constant 0 : i32
    %dma_start3A_1133 = arith.constant 0 : i32
    %dma_start3A_1134 = tpu.memref_slice %arg18[%dma_start3A_1132, %dma_start3A_1133] : memref<256x128xf32, #tpu.memory_space<vmem_shared>> -> memref<256x128xf32, #tpu.memory_space<vmem_shared>>
    tpu.enqueue_indirect_dma source(%arg12 : memref<128x128xf32, #tpu.memory_space<vmem>>) target(%dma_start3A_1134 : memref<256x128xf32, #tpu.memory_space<vmem_shared>>) offsets(%arg8 : memref<128xi32, #tpu.memory_space<vmem>>) semaphore(%arg30 : memref<!tpu.dma_semaphore, #tpu.memory_space<semaphore_mem>>) {add = true}
    %add3A_1135 = arith.constant 2304 : i32
    %add3A_1136 = arith.addi %multiple_of3A, %add3A_1135 : i32
    %multiple_of3A_1137 = tpu.assume_multiple %add3A_1136, 8 : i32
    %dma_start3A_1138 = tpu.memref_slice %arg3[%multiple_of3A_1137] : memref<100000xi32, #tpu.memory_space<hbm>> -> memref<128xi32, #tpu.memory_space<hbm>>
    %dma_start3A_1139 = tpu.memref_slice %arg3[%multiple_of3A_1137] : memref<100000xi32, #tpu.memory_space<hbm>> -> memref<128xi32, #tpu.memory_space<hbm>>
    tpu.enqueue_dma source(%dma_start3A_1139 : memref<128xi32, #tpu.memory_space<hbm>>) target(%arg7 : memref<128xi32, #tpu.memory_space<vmem>>) target_semaphore(%arg21 : memref<!tpu.dma_semaphore, #tpu.memory_space<semaphore_mem>>)
    %dma_start3A_1140 = arith.constant 0 : i32
    %dma_start3A_1141 = tpu.memref_slice %arg2[%multiple_of3A_1137, %dma_start3A_1140] : memref<100000x128xf32, #tpu.memory_space<hbm>> -> memref<128x128xf32, #tpu.memory_space<hbm>>
    %dma_start3A_1142 = arith.constant 0 : i32
    %dma_start3A_1143 = tpu.memref_slice %arg2[%multiple_of3A_1137, %dma_start3A_1142] : memref<100000x128xf32, #tpu.memory_space<hbm>> -> memref<128x128xf32, #tpu.memory_space<hbm>>
    tpu.enqueue_dma source(%dma_start3A_1143 : memref<128x128xf32, #tpu.memory_space<hbm>>) target(%arg11 : memref<128x128xf32, #tpu.memory_space<vmem>>) target_semaphore(%arg25 : memref<!tpu.dma_semaphore, #tpu.memory_space<semaphore_mem>>)
    %dma_wait3A_1144 = tpu.memref_slice %arg3[%multiple_of3A_1095] : memref<100000xi32, #tpu.memory_space<hbm>> -> memref<128xi32, #tpu.memory_space<hbm>>
    %dma_wait3A_1145 = tpu.memref_slice %arg3[%multiple_of3A_1095] : memref<100000xi32, #tpu.memory_space<hbm>> -> memref<128xi32, #tpu.memory_space<hbm>>
    tpu.wait_dma2 semaphore(%arg19 : memref<!tpu.dma_semaphore, #tpu.memory_space<semaphore_mem>>) src(%dma_wait3A_1145 : memref<128xi32, #tpu.memory_space<hbm>>) dst(%arg5 : memref<128xi32, #tpu.memory_space<vmem>>)
    %dma_wait3A_1146 = arith.constant 0 : i32
    %dma_wait3A_1147 = tpu.memref_slice %arg2[%multiple_of3A_1095, %dma_wait3A_1146] : memref<100000x128xf32, #tpu.memory_space<hbm>> -> memref<128x128xf32, #tpu.memory_space<hbm>>
    %dma_wait3A_1148 = arith.constant 0 : i32
    %dma_wait3A_1149 = tpu.memref_slice %arg2[%multiple_of3A_1095, %dma_wait3A_1148] : memref<100000x128xf32, #tpu.memory_space<hbm>> -> memref<128x128xf32, #tpu.memory_space<hbm>>
    tpu.wait_dma2 semaphore(%arg23 : memref<!tpu.dma_semaphore, #tpu.memory_space<semaphore_mem>>) src(%dma_wait3A_1149 : memref<128x128xf32, #tpu.memory_space<hbm>>) dst(%arg9 : memref<128x128xf32, #tpu.memory_space<vmem>>)
    %dma_wait3A_1150 = arith.constant 0 : i32
    %dma_wait3A_1151 = arith.constant 0 : i32
    %dma_wait3A_1152 = tpu.memref_slice %arg18[%dma_wait3A_1150, %dma_wait3A_1151] : memref<256x128xf32, #tpu.memory_space<vmem_shared>> -> memref<256x128xf32, #tpu.memory_space<vmem_shared>>
    tpu.wait_indirect_dma semaphore(%arg30 : memref<!tpu.dma_semaphore, #tpu.memory_space<semaphore_mem>>) src(%arg12 : memref<128x128xf32, #tpu.memory_space<vmem>>) dst(%dma_wait3A_1152 : memref<256x128xf32, #tpu.memory_space<vmem_shared>>)
    %dma_start3A_1153 = arith.constant 0 : i32
    %dma_start3A_1154 = arith.constant 0 : i32
    %dma_start3A_1155 = tpu.memref_slice %arg18[%dma_start3A_1153, %dma_start3A_1154] : memref<256x128xf32, #tpu.memory_space<vmem_shared>> -> memref<256x128xf32, #tpu.memory_space<vmem_shared>>
    tpu.enqueue_indirect_dma source(%arg9 : memref<128x128xf32, #tpu.memory_space<vmem>>) target(%dma_start3A_1155 : memref<256x128xf32, #tpu.memory_space<vmem_shared>>) offsets(%arg5 : memref<128xi32, #tpu.memory_space<vmem>>) semaphore(%arg27 : memref<!tpu.dma_semaphore, #tpu.memory_space<semaphore_mem>>) {add = true}
    %add3A_1156 = arith.constant 2432 : i32
    %add3A_1157 = arith.addi %multiple_of3A, %add3A_1156 : i32
    %multiple_of3A_1158 = tpu.assume_multiple %add3A_1157, 8 : i32
    %dma_start3A_1159 = tpu.memref_slice %arg3[%multiple_of3A_1158] : memref<100000xi32, #tpu.memory_space<hbm>> -> memref<128xi32, #tpu.memory_space<hbm>>
    %dma_start3A_1160 = tpu.memref_slice %arg3[%multiple_of3A_1158] : memref<100000xi32, #tpu.memory_space<hbm>> -> memref<128xi32, #tpu.memory_space<hbm>>
    tpu.enqueue_dma source(%dma_start3A_1160 : memref<128xi32, #tpu.memory_space<hbm>>) target(%arg8 : memref<128xi32, #tpu.memory_space<vmem>>) target_semaphore(%arg22 : memref<!tpu.dma_semaphore, #tpu.memory_space<semaphore_mem>>)
    %dma_start3A_1161 = arith.constant 0 : i32
    %dma_start3A_1162 = tpu.memref_slice %arg2[%multiple_of3A_1158, %dma_start3A_1161] : memref<100000x128xf32, #tpu.memory_space<hbm>> -> memref<128x128xf32, #tpu.memory_space<hbm>>
    %dma_start3A_1163 = arith.constant 0 : i32
    %dma_start3A_1164 = tpu.memref_slice %arg2[%multiple_of3A_1158, %dma_start3A_1163] : memref<100000x128xf32, #tpu.memory_space<hbm>> -> memref<128x128xf32, #tpu.memory_space<hbm>>
    tpu.enqueue_dma source(%dma_start3A_1164 : memref<128x128xf32, #tpu.memory_space<hbm>>) target(%arg12 : memref<128x128xf32, #tpu.memory_space<vmem>>) target_semaphore(%arg26 : memref<!tpu.dma_semaphore, #tpu.memory_space<semaphore_mem>>)
    %dma_wait3A_1165 = tpu.memref_slice %arg3[%multiple_of3A_1116] : memref<100000xi32, #tpu.memory_space<hbm>> -> memref<128xi32, #tpu.memory_space<hbm>>
    %dma_wait3A_1166 = tpu.memref_slice %arg3[%multiple_of3A_1116] : memref<100000xi32, #tpu.memory_space<hbm>> -> memref<128xi32, #tpu.memory_space<hbm>>
    tpu.wait_dma2 semaphore(%arg20 : memref<!tpu.dma_semaphore, #tpu.memory_space<semaphore_mem>>) src(%dma_wait3A_1166 : memref<128xi32, #tpu.memory_space<hbm>>) dst(%arg6 : memref<128xi32, #tpu.memory_space<vmem>>)
    %dma_wait3A_1167 = arith.constant 0 : i32
    %dma_wait3A_1168 = tpu.memref_slice %arg2[%multiple_of3A_1116, %dma_wait3A_1167] : memref<100000x128xf32, #tpu.memory_space<hbm>> -> memref<128x128xf32, #tpu.memory_space<hbm>>
    %dma_wait3A_1169 = arith.constant 0 : i32
    %dma_wait3A_1170 = tpu.memref_slice %arg2[%multiple_of3A_1116, %dma_wait3A_1169] : memref<100000x128xf32, #tpu.memory_space<hbm>> -> memref<128x128xf32, #tpu.memory_space<hbm>>
    tpu.wait_dma2 semaphore(%arg24 : memref<!tpu.dma_semaphore, #tpu.memory_space<semaphore_mem>>) src(%dma_wait3A_1170 : memref<128x128xf32, #tpu.memory_space<hbm>>) dst(%arg10 : memref<128x128xf32, #tpu.memory_space<vmem>>)
    %dma_wait3A_1171 = arith.constant 0 : i32
    %dma_wait3A_1172 = arith.constant 0 : i32
    %dma_wait3A_1173 = tpu.memref_slice %arg18[%dma_wait3A_1171, %dma_wait3A_1172] : memref<256x128xf32, #tpu.memory_space<vmem_shared>> -> memref<256x128xf32, #tpu.memory_space<vmem_shared>>
    tpu.wait_indirect_dma semaphore(%arg27 : memref<!tpu.dma_semaphore, #tpu.memory_space<semaphore_mem>>) src(%arg9 : memref<128x128xf32, #tpu.memory_space<vmem>>) dst(%dma_wait3A_1173 : memref<256x128xf32, #tpu.memory_space<vmem_shared>>)
    %dma_start3A_1174 = arith.constant 0 : i32
    %dma_start3A_1175 = arith.constant 0 : i32
    %dma_start3A_1176 = tpu.memref_slice %arg18[%dma_start3A_1174, %dma_start3A_1175] : memref<256x128xf32, #tpu.memory_space<vmem_shared>> -> memref<256x128xf32, #tpu.memory_space<vmem_shared>>
    tpu.enqueue_indirect_dma source(%arg10 : memref<128x128xf32, #tpu.memory_space<vmem>>) target(%dma_start3A_1176 : memref<256x128xf32, #tpu.memory_space<vmem_shared>>) offsets(%arg6 : memref<128xi32, #tpu.memory_space<vmem>>) semaphore(%arg28 : memref<!tpu.dma_semaphore, #tpu.memory_space<semaphore_mem>>) {add = true}
    %add3A_1177 = arith.constant 2560 : i32
    %add3A_1178 = arith.addi %multiple_of3A, %add3A_1177 : i32
    %multiple_of3A_1179 = tpu.assume_multiple %add3A_1178, 8 : i32
    %dma_start3A_1180 = tpu.memref_slice %arg3[%multiple_of3A_1179] : memref<100000xi32, #tpu.memory_space<hbm>> -> memref<128xi32, #tpu.memory_space<hbm>>
    %dma_start3A_1181 = tpu.memref_slice %arg3[%multiple_of3A_1179] : memref<100000xi32, #tpu.memory_space<hbm>> -> memref<128xi32, #tpu.memory_space<hbm>>
    tpu.enqueue_dma source(%dma_start3A_1181 : memref<128xi32, #tpu.memory_space<hbm>>) target(%arg5 : memref<128xi32, #tpu.memory_space<vmem>>) target_semaphore(%arg19 : memref<!tpu.dma_semaphore, #tpu.memory_space<semaphore_mem>>)
    %dma_start3A_1182 = arith.constant 0 : i32
    %dma_start3A_1183 = tpu.memref_slice %arg2[%multiple_of3A_1179, %dma_start3A_1182] : memref<100000x128xf32, #tpu.memory_space<hbm>> -> memref<128x128xf32, #tpu.memory_space<hbm>>
    %dma_start3A_1184 = arith.constant 0 : i32
    %dma_start3A_1185 = tpu.memref_slice %arg2[%multiple_of3A_1179, %dma_start3A_1184] : memref<100000x128xf32, #tpu.memory_space<hbm>> -> memref<128x128xf32, #tpu.memory_space<hbm>>
    tpu.enqueue_dma source(%dma_start3A_1185 : memref<128x128xf32, #tpu.memory_space<hbm>>) target(%arg9 : memref<128x128xf32, #tpu.memory_space<vmem>>) target_semaphore(%arg23 : memref<!tpu.dma_semaphore, #tpu.memory_space<semaphore_mem>>)
    %dma_wait3A_1186 = tpu.memref_slice %arg3[%multiple_of3A_1137] : memref<100000xi32, #tpu.memory_space<hbm>> -> memref<128xi32, #tpu.memory_space<hbm>>
    %dma_wait3A_1187 = tpu.memref_slice %arg3[%multiple_of3A_1137] : memref<100000xi32, #tpu.memory_space<hbm>> -> memref<128xi32, #tpu.memory_space<hbm>>
    tpu.wait_dma2 semaphore(%arg21 : memref<!tpu.dma_semaphore, #tpu.memory_space<semaphore_mem>>) src(%dma_wait3A_1187 : memref<128xi32, #tpu.memory_space<hbm>>) dst(%arg7 : memref<128xi32, #tpu.memory_space<vmem>>)
    %dma_wait3A_1188 = arith.constant 0 : i32
    %dma_wait3A_1189 = tpu.memref_slice %arg2[%multiple_of3A_1137, %dma_wait3A_1188] : memref<100000x128xf32, #tpu.memory_space<hbm>> -> memref<128x128xf32, #tpu.memory_space<hbm>>
    %dma_wait3A_1190 = arith.constant 0 : i32
    %dma_wait3A_1191 = tpu.memref_slice %arg2[%multiple_of3A_1137, %dma_wait3A_1190] : memref<100000x128xf32, #tpu.memory_space<hbm>> -> memref<128x128xf32, #tpu.memory_space<hbm>>
    tpu.wait_dma2 semaphore(%arg25 : memref<!tpu.dma_semaphore, #tpu.memory_space<semaphore_mem>>) src(%dma_wait3A_1191 : memref<128x128xf32, #tpu.memory_space<hbm>>) dst(%arg11 : memref<128x128xf32, #tpu.memory_space<vmem>>)
    %dma_wait3A_1192 = arith.constant 0 : i32
    %dma_wait3A_1193 = arith.constant 0 : i32
    %dma_wait3A_1194 = tpu.memref_slice %arg18[%dma_wait3A_1192, %dma_wait3A_1193] : memref<256x128xf32, #tpu.memory_space<vmem_shared>> -> memref<256x128xf32, #tpu.memory_space<vmem_shared>>
    tpu.wait_indirect_dma semaphore(%arg28 : memref<!tpu.dma_semaphore, #tpu.memory_space<semaphore_mem>>) src(%arg10 : memref<128x128xf32, #tpu.memory_space<vmem>>) dst(%dma_wait3A_1194 : memref<256x128xf32, #tpu.memory_space<vmem_shared>>)
    %dma_start3A_1195 = arith.constant 0 : i32
    %dma_start3A_1196 = arith.constant 0 : i32
    %dma_start3A_1197 = tpu.memref_slice %arg18[%dma_start3A_1195, %dma_start3A_1196] : memref<256x128xf32, #tpu.memory_space<vmem_shared>> -> memref<256x128xf32, #tpu.memory_space<vmem_shared>>
    tpu.enqueue_indirect_dma source(%arg11 : memref<128x128xf32, #tpu.memory_space<vmem>>) target(%dma_start3A_1197 : memref<256x128xf32, #tpu.memory_space<vmem_shared>>) offsets(%arg7 : memref<128xi32, #tpu.memory_space<vmem>>) semaphore(%arg29 : memref<!tpu.dma_semaphore, #tpu.memory_space<semaphore_mem>>) {add = true}
    %add3A_1198 = arith.constant 2688 : i32
    %add3A_1199 = arith.addi %multiple_of3A, %add3A_1198 : i32
    %multiple_of3A_1200 = tpu.assume_multiple %add3A_1199, 8 : i32
    %dma_start3A_1201 = tpu.memref_slice %arg3[%multiple_of3A_1200] : memref<100000xi32, #tpu.memory_space<hbm>> -> memref<128xi32, #tpu.memory_space<hbm>>
    %dma_start3A_1202 = tpu.memref_slice %arg3[%multiple_of3A_1200] : memref<100000xi32, #tpu.memory_space<hbm>> -> memref<128xi32, #tpu.memory_space<hbm>>
    tpu.enqueue_dma source(%dma_start3A_1202 : memref<128xi32, #tpu.memory_space<hbm>>) target(%arg6 : memref<128xi32, #tpu.memory_space<vmem>>) target_semaphore(%arg20 : memref<!tpu.dma_semaphore, #tpu.memory_space<semaphore_mem>>)
    %dma_start3A_1203 = arith.constant 0 : i32
    %dma_start3A_1204 = tpu.memref_slice %arg2[%multiple_of3A_1200, %dma_start3A_1203] : memref<100000x128xf32, #tpu.memory_space<hbm>> -> memref<128x128xf32, #tpu.memory_space<hbm>>
    %dma_start3A_1205 = arith.constant 0 : i32
    %dma_start3A_1206 = tpu.memref_slice %arg2[%multiple_of3A_1200, %dma_start3A_1205] : memref<100000x128xf32, #tpu.memory_space<hbm>> -> memref<128x128xf32, #tpu.memory_space<hbm>>
    tpu.enqueue_dma source(%dma_start3A_1206 : memref<128x128xf32, #tpu.memory_space<hbm>>) target(%arg10 : memref<128x128xf32, #tpu.memory_space<vmem>>) target_semaphore(%arg24 : memref<!tpu.dma_semaphore, #tpu.memory_space<semaphore_mem>>)
    %dma_wait3A_1207 = tpu.memref_slice %arg3[%multiple_of3A_1158] : memref<100000xi32, #tpu.memory_space<hbm>> -> memref<128xi32, #tpu.memory_space<hbm>>
    %dma_wait3A_1208 = tpu.memref_slice %arg3[%multiple_of3A_1158] : memref<100000xi32, #tpu.memory_space<hbm>> -> memref<128xi32, #tpu.memory_space<hbm>>
    tpu.wait_dma2 semaphore(%arg22 : memref<!tpu.dma_semaphore, #tpu.memory_space<semaphore_mem>>) src(%dma_wait3A_1208 : memref<128xi32, #tpu.memory_space<hbm>>) dst(%arg8 : memref<128xi32, #tpu.memory_space<vmem>>)
    %dma_wait3A_1209 = arith.constant 0 : i32
    %dma_wait3A_1210 = tpu.memref_slice %arg2[%multiple_of3A_1158, %dma_wait3A_1209] : memref<100000x128xf32, #tpu.memory_space<hbm>> -> memref<128x128xf32, #tpu.memory_space<hbm>>
    %dma_wait3A_1211 = arith.constant 0 : i32
    %dma_wait3A_1212 = tpu.memref_slice %arg2[%multiple_of3A_1158, %dma_wait3A_1211] : memref<100000x128xf32, #tpu.memory_space<hbm>> -> memref<128x128xf32, #tpu.memory_space<hbm>>
    tpu.wait_dma2 semaphore(%arg26 : memref<!tpu.dma_semaphore, #tpu.memory_space<semaphore_mem>>) src(%dma_wait3A_1212 : memref<128x128xf32, #tpu.memory_space<hbm>>) dst(%arg12 : memref<128x128xf32, #tpu.memory_space<vmem>>)
    %dma_wait3A_1213 = arith.constant 0 : i32
    %dma_wait3A_1214 = arith.constant 0 : i32
    %dma_wait3A_1215 = tpu.memref_slice %arg18[%dma_wait3A_1213, %dma_wait3A_1214] : memref<256x128xf32, #tpu.memory_space<vmem_shared>> -> memref<256x128xf32, #tpu.memory_space<vmem_shared>>
    tpu.wait_indirect_dma semaphore(%arg29 : memref<!tpu.dma_semaphore, #tpu.memory_space<semaphore_mem>>) src(%arg11 : memref<128x128xf32, #tpu.memory_space<vmem>>) dst(%dma_wait3A_1215 : memref<256x128xf32, #tpu.memory_space<vmem_shared>>)
    %dma_start3A_1216 = arith.constant 0 : i32
    %dma_start3A_1217 = arith.constant 0 : i32
    %dma_start3A_1218 = tpu.memref_slice %arg18[%dma_start3A_1216, %dma_start3A_1217] : memref<256x128xf32, #tpu.memory_space<vmem_shared>> -> memref<256x128xf32, #tpu.memory_space<vmem_shared>>
    tpu.enqueue_indirect_dma source(%arg12 : memref<128x128xf32, #tpu.memory_space<vmem>>) target(%dma_start3A_1218 : memref<256x128xf32, #tpu.memory_space<vmem_shared>>) offsets(%arg8 : memref<128xi32, #tpu.memory_space<vmem>>) semaphore(%arg30 : memref<!tpu.dma_semaphore, #tpu.memory_space<semaphore_mem>>) {add = true}
    %add3A_1219 = arith.constant 2816 : i32
    %add3A_1220 = arith.addi %multiple_of3A, %add3A_1219 : i32
    %multiple_of3A_1221 = tpu.assume_multiple %add3A_1220, 8 : i32
    %dma_start3A_1222 = tpu.memref_slice %arg3[%multiple_of3A_1221] : memref<100000xi32, #tpu.memory_space<hbm>> -> memref<128xi32, #tpu.memory_space<hbm>>
    %dma_start3A_1223 = tpu.memref_slice %arg3[%multiple_of3A_1221] : memref<100000xi32, #tpu.memory_space<hbm>> -> memref<128xi32, #tpu.memory_space<hbm>>
    tpu.enqueue_dma source(%dma_start3A_1223 : memref<128xi32, #tpu.memory_space<hbm>>) target(%arg7 : memref<128xi32, #tpu.memory_space<vmem>>) target_semaphore(%arg21 : memref<!tpu.dma_semaphore, #tpu.memory_space<semaphore_mem>>)
    %dma_start3A_1224 = arith.constant 0 : i32
    %dma_start3A_1225 = tpu.memref_slice %arg2[%multiple_of3A_1221, %dma_start3A_1224] : memref<100000x128xf32, #tpu.memory_space<hbm>> -> memref<128x128xf32, #tpu.memory_space<hbm>>
    %dma_start3A_1226 = arith.constant 0 : i32
    %dma_start3A_1227 = tpu.memref_slice %arg2[%multiple_of3A_1221, %dma_start3A_1226] : memref<100000x128xf32, #tpu.memory_space<hbm>> -> memref<128x128xf32, #tpu.memory_space<hbm>>
    tpu.enqueue_dma source(%dma_start3A_1227 : memref<128x128xf32, #tpu.memory_space<hbm>>) target(%arg11 : memref<128x128xf32, #tpu.memory_space<vmem>>) target_semaphore(%arg25 : memref<!tpu.dma_semaphore, #tpu.memory_space<semaphore_mem>>)
    %dma_wait3A_1228 = tpu.memref_slice %arg3[%multiple_of3A_1179] : memref<100000xi32, #tpu.memory_space<hbm>> -> memref<128xi32, #tpu.memory_space<hbm>>
    %dma_wait3A_1229 = tpu.memref_slice %arg3[%multiple_of3A_1179] : memref<100000xi32, #tpu.memory_space<hbm>> -> memref<128xi32, #tpu.memory_space<hbm>>
    tpu.wait_dma2 semaphore(%arg19 : memref<!tpu.dma_semaphore, #tpu.memory_space<semaphore_mem>>) src(%dma_wait3A_1229 : memref<128xi32, #tpu.memory_space<hbm>>) dst(%arg5 : memref<128xi32, #tpu.memory_space<vmem>>)
    %dma_wait3A_1230 = arith.constant 0 : i32
    %dma_wait3A_1231 = tpu.memref_slice %arg2[%multiple_of3A_1179, %dma_wait3A_1230] : memref<100000x128xf32, #tpu.memory_space<hbm>> -> memref<128x128xf32, #tpu.memory_space<hbm>>
    %dma_wait3A_1232 = arith.constant 0 : i32
    %dma_wait3A_1233 = tpu.memref_slice %arg2[%multiple_of3A_1179, %dma_wait3A_1232] : memref<100000x128xf32, #tpu.memory_space<hbm>> -> memref<128x128xf32, #tpu.memory_space<hbm>>
    tpu.wait_dma2 semaphore(%arg23 : memref<!tpu.dma_semaphore, #tpu.memory_space<semaphore_mem>>) src(%dma_wait3A_1233 : memref<128x128xf32, #tpu.memory_space<hbm>>) dst(%arg9 : memref<128x128xf32, #tpu.memory_space<vmem>>)
    %dma_wait3A_1234 = arith.constant 0 : i32
    %dma_wait3A_1235 = arith.constant 0 : i32
    %dma_wait3A_1236 = tpu.memref_slice %arg18[%dma_wait3A_1234, %dma_wait3A_1235] : memref<256x128xf32, #tpu.memory_space<vmem_shared>> -> memref<256x128xf32, #tpu.memory_space<vmem_shared>>
    tpu.wait_indirect_dma semaphore(%arg30 : memref<!tpu.dma_semaphore, #tpu.memory_space<semaphore_mem>>) src(%arg12 : memref<128x128xf32, #tpu.memory_space<vmem>>) dst(%dma_wait3A_1236 : memref<256x128xf32, #tpu.memory_space<vmem_shared>>)
    %dma_start3A_1237 = arith.constant 0 : i32
    %dma_start3A_1238 = arith.constant 0 : i32
    %dma_start3A_1239 = tpu.memref_slice %arg18[%dma_start3A_1237, %dma_start3A_1238] : memref<256x128xf32, #tpu.memory_space<vmem_shared>> -> memref<256x128xf32, #tpu.memory_space<vmem_shared>>
    tpu.enqueue_indirect_dma source(%arg9 : memref<128x128xf32, #tpu.memory_space<vmem>>) target(%dma_start3A_1239 : memref<256x128xf32, #tpu.memory_space<vmem_shared>>) offsets(%arg5 : memref<128xi32, #tpu.memory_space<vmem>>) semaphore(%arg27 : memref<!tpu.dma_semaphore, #tpu.memory_space<semaphore_mem>>) {add = true}
    %add3A_1240 = arith.constant 2944 : i32
    %add3A_1241 = arith.addi %multiple_of3A, %add3A_1240 : i32
    %multiple_of3A_1242 = tpu.assume_multiple %add3A_1241, 8 : i32
    %dma_start3A_1243 = tpu.memref_slice %arg3[%multiple_of3A_1242] : memref<100000xi32, #tpu.memory_space<hbm>> -> memref<128xi32, #tpu.memory_space<hbm>>
    %dma_start3A_1244 = tpu.memref_slice %arg3[%multiple_of3A_1242] : memref<100000xi32, #tpu.memory_space<hbm>> -> memref<128xi32, #tpu.memory_space<hbm>>
    tpu.enqueue_dma source(%dma_start3A_1244 : memref<128xi32, #tpu.memory_space<hbm>>) target(%arg8 : memref<128xi32, #tpu.memory_space<vmem>>) target_semaphore(%arg22 : memref<!tpu.dma_semaphore, #tpu.memory_space<semaphore_mem>>)
    %dma_start3A_1245 = arith.constant 0 : i32
    %dma_start3A_1246 = tpu.memref_slice %arg2[%multiple_of3A_1242, %dma_start3A_1245] : memref<100000x128xf32, #tpu.memory_space<hbm>> -> memref<128x128xf32, #tpu.memory_space<hbm>>
    %dma_start3A_1247 = arith.constant 0 : i32
    %dma_start3A_1248 = tpu.memref_slice %arg2[%multiple_of3A_1242, %dma_start3A_1247] : memref<100000x128xf32, #tpu.memory_space<hbm>> -> memref<128x128xf32, #tpu.memory_space<hbm>>
    tpu.enqueue_dma source(%dma_start3A_1248 : memref<128x128xf32, #tpu.memory_space<hbm>>) target(%arg12 : memref<128x128xf32, #tpu.memory_space<vmem>>) target_semaphore(%arg26 : memref<!tpu.dma_semaphore, #tpu.memory_space<semaphore_mem>>)
    %dma_wait3A_1249 = tpu.memref_slice %arg3[%multiple_of3A_1200] : memref<100000xi32, #tpu.memory_space<hbm>> -> memref<128xi32, #tpu.memory_space<hbm>>
    %dma_wait3A_1250 = tpu.memref_slice %arg3[%multiple_of3A_1200] : memref<100000xi32, #tpu.memory_space<hbm>> -> memref<128xi32, #tpu.memory_space<hbm>>
    tpu.wait_dma2 semaphore(%arg20 : memref<!tpu.dma_semaphore, #tpu.memory_space<semaphore_mem>>) src(%dma_wait3A_1250 : memref<128xi32, #tpu.memory_space<hbm>>) dst(%arg6 : memref<128xi32, #tpu.memory_space<vmem>>)
    %dma_wait3A_1251 = arith.constant 0 : i32
    %dma_wait3A_1252 = tpu.memref_slice %arg2[%multiple_of3A_1200, %dma_wait3A_1251] : memref<100000x128xf32, #tpu.memory_space<hbm>> -> memref<128x128xf32, #tpu.memory_space<hbm>>
    %dma_wait3A_1253 = arith.constant 0 : i32
    %dma_wait3A_1254 = tpu.memref_slice %arg2[%multiple_of3A_1200, %dma_wait3A_1253] : memref<100000x128xf32, #tpu.memory_space<hbm>> -> memref<128x128xf32, #tpu.memory_space<hbm>>
    tpu.wait_dma2 semaphore(%arg24 : memref<!tpu.dma_semaphore, #tpu.memory_space<semaphore_mem>>) src(%dma_wait3A_1254 : memref<128x128xf32, #tpu.memory_space<hbm>>) dst(%arg10 : memref<128x128xf32, #tpu.memory_space<vmem>>)
    %dma_wait3A_1255 = arith.constant 0 : i32
    %dma_wait3A_1256 = arith.constant 0 : i32
    %dma_wait3A_1257 = tpu.memref_slice %arg18[%dma_wait3A_1255, %dma_wait3A_1256] : memref<256x128xf32, #tpu.memory_space<vmem_shared>> -> memref<256x128xf32, #tpu.memory_space<vmem_shared>>
    tpu.wait_indirect_dma semaphore(%arg27 : memref<!tpu.dma_semaphore, #tpu.memory_space<semaphore_mem>>) src(%arg9 : memref<128x128xf32, #tpu.memory_space<vmem>>) dst(%dma_wait3A_1257 : memref<256x128xf32, #tpu.memory_space<vmem_shared>>)
    %dma_start3A_1258 = arith.constant 0 : i32
    %dma_start3A_1259 = arith.constant 0 : i32
    %dma_start3A_1260 = tpu.memref_slice %arg18[%dma_start3A_1258, %dma_start3A_1259] : memref<256x128xf32, #tpu.memory_space<vmem_shared>> -> memref<256x128xf32, #tpu.memory_space<vmem_shared>>
    tpu.enqueue_indirect_dma source(%arg10 : memref<128x128xf32, #tpu.memory_space<vmem>>) target(%dma_start3A_1260 : memref<256x128xf32, #tpu.memory_space<vmem_shared>>) offsets(%arg6 : memref<128xi32, #tpu.memory_space<vmem>>) semaphore(%arg28 : memref<!tpu.dma_semaphore, #tpu.memory_space<semaphore_mem>>) {add = true}
    %dma_wait3A_1261 = tpu.memref_slice %arg3[%multiple_of3A_1221] : memref<100000xi32, #tpu.memory_space<hbm>> -> memref<128xi32, #tpu.memory_space<hbm>>
    %dma_wait3A_1262 = tpu.memref_slice %arg3[%multiple_of3A_1221] : memref<100000xi32, #tpu.memory_space<hbm>> -> memref<128xi32, #tpu.memory_space<hbm>>
    tpu.wait_dma2 semaphore(%arg21 : memref<!tpu.dma_semaphore, #tpu.memory_space<semaphore_mem>>) src(%dma_wait3A_1262 : memref<128xi32, #tpu.memory_space<hbm>>) dst(%arg7 : memref<128xi32, #tpu.memory_space<vmem>>)
    %dma_wait3A_1263 = arith.constant 0 : i32
    %dma_wait3A_1264 = tpu.memref_slice %arg2[%multiple_of3A_1221, %dma_wait3A_1263] : memref<100000x128xf32, #tpu.memory_space<hbm>> -> memref<128x128xf32, #tpu.memory_space<hbm>>
    %dma_wait3A_1265 = arith.constant 0 : i32
    %dma_wait3A_1266 = tpu.memref_slice %arg2[%multiple_of3A_1221, %dma_wait3A_1265] : memref<100000x128xf32, #tpu.memory_space<hbm>> -> memref<128x128xf32, #tpu.memory_space<hbm>>
    tpu.wait_dma2 semaphore(%arg25 : memref<!tpu.dma_semaphore, #tpu.memory_space<semaphore_mem>>) src(%dma_wait3A_1266 : memref<128x128xf32, #tpu.memory_space<hbm>>) dst(%arg11 : memref<128x128xf32, #tpu.memory_space<vmem>>)
    %dma_wait3A_1267 = arith.constant 0 : i32
    %dma_wait3A_1268 = arith.constant 0 : i32
    %dma_wait3A_1269 = tpu.memref_slice %arg18[%dma_wait3A_1267, %dma_wait3A_1268] : memref<256x128xf32, #tpu.memory_space<vmem_shared>> -> memref<256x128xf32, #tpu.memory_space<vmem_shared>>
    tpu.wait_indirect_dma semaphore(%arg28 : memref<!tpu.dma_semaphore, #tpu.memory_space<semaphore_mem>>) src(%arg10 : memref<128x128xf32, #tpu.memory_space<vmem>>) dst(%dma_wait3A_1269 : memref<256x128xf32, #tpu.memory_space<vmem_shared>>)
    %dma_start3A_1270 = arith.constant 0 : i32
    %dma_start3A_1271 = arith.constant 0 : i32
    %dma_start3A_1272 = tpu.memref_slice %arg18[%dma_start3A_1270, %dma_start3A_1271] : memref<256x128xf32, #tpu.memory_space<vmem_shared>> -> memref<256x128xf32, #tpu.memory_space<vmem_shared>>
    tpu.enqueue_indirect_dma source(%arg11 : memref<128x128xf32, #tpu.memory_space<vmem>>) target(%dma_start3A_1272 : memref<256x128xf32, #tpu.memory_space<vmem_shared>>) offsets(%arg7 : memref<128xi32, #tpu.memory_space<vmem>>) semaphore(%arg29 : memref<!tpu.dma_semaphore, #tpu.memory_space<semaphore_mem>>) {add = true}
    %dma_wait3A_1273 = tpu.memref_slice %arg3[%multiple_of3A_1242] : memref<100000xi32, #tpu.memory_space<hbm>> -> memref<128xi32, #tpu.memory_space<hbm>>
    %dma_wait3A_1274 = tpu.memref_slice %arg3[%multiple_of3A_1242] : memref<100000xi32, #tpu.memory_space<hbm>> -> memref<128xi32, #tpu.memory_space<hbm>>
    tpu.wait_dma2 semaphore(%arg22 : memref<!tpu.dma_semaphore, #tpu.memory_space<semaphore_mem>>) src(%dma_wait3A_1274 : memref<128xi32, #tpu.memory_space<hbm>>) dst(%arg8 : memref<128xi32, #tpu.memory_space<vmem>>)
    %dma_wait3A_1275 = arith.constant 0 : i32
    %dma_wait3A_1276 = tpu.memref_slice %arg2[%multiple_of3A_1242, %dma_wait3A_1275] : memref<100000x128xf32, #tpu.memory_space<hbm>> -> memref<128x128xf32, #tpu.memory_space<hbm>>
    %dma_wait3A_1277 = arith.constant 0 : i32
    %dma_wait3A_1278 = tpu.memref_slice %arg2[%multiple_of3A_1242, %dma_wait3A_1277] : memref<100000x128xf32, #tpu.memory_space<hbm>> -> memref<128x128xf32, #tpu.memory_space<hbm>>
    tpu.wait_dma2 semaphore(%arg26 : memref<!tpu.dma_semaphore, #tpu.memory_space<semaphore_mem>>) src(%dma_wait3A_1278 : memref<128x128xf32, #tpu.memory_space<hbm>>) dst(%arg12 : memref<128x128xf32, #tpu.memory_space<vmem>>)
    %dma_wait3A_1279 = arith.constant 0 : i32
    %dma_wait3A_1280 = arith.constant 0 : i32
    %dma_wait3A_1281 = tpu.memref_slice %arg18[%dma_wait3A_1279, %dma_wait3A_1280] : memref<256x128xf32, #tpu.memory_space<vmem_shared>> -> memref<256x128xf32, #tpu.memory_space<vmem_shared>>
    tpu.wait_indirect_dma semaphore(%arg29 : memref<!tpu.dma_semaphore, #tpu.memory_space<semaphore_mem>>) src(%arg11 : memref<128x128xf32, #tpu.memory_space<vmem>>) dst(%dma_wait3A_1281 : memref<256x128xf32, #tpu.memory_space<vmem_shared>>)
    %dma_start3A_1282 = arith.constant 0 : i32
    %dma_start3A_1283 = arith.constant 0 : i32
    %dma_start3A_1284 = tpu.memref_slice %arg18[%dma_start3A_1282, %dma_start3A_1283] : memref<256x128xf32, #tpu.memory_space<vmem_shared>> -> memref<256x128xf32, #tpu.memory_space<vmem_shared>>
    tpu.enqueue_indirect_dma source(%arg12 : memref<128x128xf32, #tpu.memory_space<vmem>>) target(%dma_start3A_1284 : memref<256x128xf32, #tpu.memory_space<vmem_shared>>) offsets(%arg8 : memref<128xi32, #tpu.memory_space<vmem>>) semaphore(%arg30 : memref<!tpu.dma_semaphore, #tpu.memory_space<semaphore_mem>>) {add = true}
    %dma_wait3A_1285 = arith.constant 0 : i32
    %dma_wait3A_1286 = arith.constant 0 : i32
    %dma_wait3A_1287 = tpu.memref_slice %arg18[%dma_wait3A_1285, %dma_wait3A_1286] : memref<256x128xf32, #tpu.memory_space<vmem_shared>> -> memref<256x128xf32, #tpu.memory_space<vmem_shared>>
    tpu.wait_indirect_dma semaphore(%arg30 : memref<!tpu.dma_semaphore, #tpu.memory_space<semaphore_mem>>) src(%arg12 : memref<128x128xf32, #tpu.memory_space<vmem>>) dst(%dma_wait3A_1287 : memref<256x128xf32, #tpu.memory_space<vmem_shared>>)
    %lt3A_1288 = arith.constant 20 : i32
    %lt3A_1289 = arith.cmpi slt, %add3A, %lt3A_1288 : i32
    %convert_element_type3A_1290 = arith.extui %lt3A_1289 : i1 to i32
    %cond3A_1291 = arith.constant 0 : i32
    %cond3A_1292 = arith.cmpi ne, %convert_element_type3A_1290, %cond3A_1291 : i32
    scf.if %cond3A_1292 {
      %dma_wait3A_1303 = tpu.memref_slice %arg3[%multiple_of3A_805] : memref<100000xi32, #tpu.memory_space<hbm>> -> memref<56xi32, #tpu.memory_space<hbm>>
      %dma_wait3A_1304 = tpu.memref_slice %arg3[%multiple_of3A_805] : memref<100000xi32, #tpu.memory_space<hbm>> -> memref<56xi32, #tpu.memory_space<hbm>>
      tpu.wait_dma2 semaphore(%arg31 : memref<!tpu.dma_semaphore, #tpu.memory_space<semaphore_mem>>) src(%dma_wait3A_1304 : memref<56xi32, #tpu.memory_space<hbm>>) dst(%arg13 : memref<56xi32, #tpu.memory_space<vmem>>)
      %dma_wait3A_1305 = arith.constant 0 : i32
      %dma_wait3A_1306 = tpu.memref_slice %arg2[%multiple_of3A_805, %dma_wait3A_1305] : memref<100000x128xf32, #tpu.memory_space<hbm>> -> memref<56x128xf32, #tpu.memory_space<hbm>>
      %dma_wait3A_1307 = arith.constant 0 : i32
      %dma_wait3A_1308 = tpu.memref_slice %arg2[%multiple_of3A_805, %dma_wait3A_1307] : memref<100000x128xf32, #tpu.memory_space<hbm>> -> memref<56x128xf32, #tpu.memory_space<hbm>>
      tpu.wait_dma2 semaphore(%arg31 : memref<!tpu.dma_semaphore, #tpu.memory_space<semaphore_mem>>) src(%dma_wait3A_1308 : memref<56x128xf32, #tpu.memory_space<hbm>>) dst(%arg15 : memref<56x128xf32, #tpu.memory_space<vmem>>)
      "tpu.region"() ({
        %run_scoped3A = tpu.sem_alloc : memref<!tpu.dma_semaphore, #tpu.memory_space<semaphore_mem>>
        %dma_start3A_1309 = arith.constant 0 : i32
        %dma_start3A_1310 = arith.constant 0 : i32
        %dma_start3A_1311 = tpu.memref_slice %arg18[%dma_start3A_1309, %dma_start3A_1310] : memref<256x128xf32, #tpu.memory_space<vmem_shared>> -> memref<256x128xf32, #tpu.memory_space<vmem_shared>>
        tpu.enqueue_indirect_dma source(%arg15 : memref<56x128xf32, #tpu.memory_space<vmem>>) target(%dma_start3A_1311 : memref<256x128xf32, #tpu.memory_space<vmem_shared>>) offsets(%arg13 : memref<56xi32, #tpu.memory_space<vmem>>) semaphore(%run_scoped3A : memref<!tpu.dma_semaphore, #tpu.memory_space<semaphore_mem>>) {add = true}
        %dma_wait3A_1312 = arith.constant 0 : i32
        %dma_wait3A_1313 = arith.constant 0 : i32
        %dma_wait3A_1314 = tpu.memref_slice %arg18[%dma_wait3A_1312, %dma_wait3A_1313] : memref<256x128xf32, #tpu.memory_space<vmem_shared>> -> memref<256x128xf32, #tpu.memory_space<vmem_shared>>
        tpu.wait_indirect_dma semaphore(%run_scoped3A : memref<!tpu.dma_semaphore, #tpu.memory_space<semaphore_mem>>) src(%arg15 : memref<56x128xf32, #tpu.memory_space<vmem>>) dst(%dma_wait3A_1314 : memref<256x128xf32, #tpu.memory_space<vmem_shared>>)
        tpu.yield
      }) : () -> ()
    } else {
    }
    %ge3A_1293 = arith.constant 20 : i32
    %ge3A_1294 = arith.cmpi sge, %add3A, %ge3A_1293 : i32
    %convert_element_type3A_1295 = arith.extui %ge3A_1294 : i1 to i32
    %cond3A_1296 = arith.constant 0 : i32
    %cond3A_1297 = arith.cmpi ne, %convert_element_type3A_1295, %cond3A_1296 : i32
    scf.if %cond3A_1297 {
      %dma_wait3A_1303 = tpu.memref_slice %arg3[%multiple_of3A_805] : memref<100000xi32, #tpu.memory_space<hbm>> -> memref<48xi32, #tpu.memory_space<hbm>>
      %dma_wait3A_1304 = tpu.memref_slice %arg3[%multiple_of3A_805] : memref<100000xi32, #tpu.memory_space<hbm>> -> memref<48xi32, #tpu.memory_space<hbm>>
      tpu.wait_dma2 semaphore(%arg31 : memref<!tpu.dma_semaphore, #tpu.memory_space<semaphore_mem>>) src(%dma_wait3A_1304 : memref<48xi32, #tpu.memory_space<hbm>>) dst(%arg14 : memref<48xi32, #tpu.memory_space<vmem>>)
      %dma_wait3A_1305 = arith.constant 0 : i32
      %dma_wait3A_1306 = tpu.memref_slice %arg2[%multiple_of3A_805, %dma_wait3A_1305] : memref<100000x128xf32, #tpu.memory_space<hbm>> -> memref<48x128xf32, #tpu.memory_space<hbm>>
      %dma_wait3A_1307 = arith.constant 0 : i32
      %dma_wait3A_1308 = tpu.memref_slice %arg2[%multiple_of3A_805, %dma_wait3A_1307] : memref<100000x128xf32, #tpu.memory_space<hbm>> -> memref<48x128xf32, #tpu.memory_space<hbm>>
      tpu.wait_dma2 semaphore(%arg31 : memref<!tpu.dma_semaphore, #tpu.memory_space<semaphore_mem>>) src(%dma_wait3A_1308 : memref<48x128xf32, #tpu.memory_space<hbm>>) dst(%arg16 : memref<48x128xf32, #tpu.memory_space<vmem>>)
      "tpu.region"() ({
        %run_scoped3A = tpu.sem_alloc : memref<!tpu.dma_semaphore, #tpu.memory_space<semaphore_mem>>
        %dma_start3A_1309 = arith.constant 0 : i32
        %dma_start3A_1310 = arith.constant 0 : i32
        %dma_start3A_1311 = tpu.memref_slice %arg18[%dma_start3A_1309, %dma_start3A_1310] : memref<256x128xf32, #tpu.memory_space<vmem_shared>> -> memref<256x128xf32, #tpu.memory_space<vmem_shared>>
        tpu.enqueue_indirect_dma source(%arg16 : memref<48x128xf32, #tpu.memory_space<vmem>>) target(%dma_start3A_1311 : memref<256x128xf32, #tpu.memory_space<vmem_shared>>) offsets(%arg14 : memref<48xi32, #tpu.memory_space<vmem>>) semaphore(%run_scoped3A : memref<!tpu.dma_semaphore, #tpu.memory_space<semaphore_mem>>) {add = true}
        %dma_wait3A_1312 = arith.constant 0 : i32
        %dma_wait3A_1313 = arith.constant 0 : i32
        %dma_wait3A_1314 = tpu.memref_slice %arg18[%dma_wait3A_1312, %dma_wait3A_1313] : memref<256x128xf32, #tpu.memory_space<vmem_shared>> -> memref<256x128xf32, #tpu.memory_space<vmem_shared>>
        tpu.wait_indirect_dma semaphore(%run_scoped3A : memref<!tpu.dma_semaphore, #tpu.memory_space<semaphore_mem>>) src(%arg16 : memref<48x128xf32, #tpu.memory_space<vmem>>) dst(%dma_wait3A_1314 : memref<256x128xf32, #tpu.memory_space<vmem_shared>>)
        tpu.yield
      }) : () -> ()
    } else {
    }
    %barrier3A_1298 = arith.constant 0 : index
    tpu.barrier barrier_id(%barrier3A_1298)
    %mul3A_1299 = arith.constant 16 : i32
    %mul3A_1300 = arith.muli %arg1, %mul3A_1299 : i32
    %mul3A_1301 = arith.constant 16 : i32
    %mul3A_1302 = arith.muli %arg1, %mul3A_1301 : i32
    "tpu.region"() ({
      %run_scoped3A = tpu.sem_alloc : memref<!tpu.dma_semaphore, #tpu.memory_space<semaphore_mem>>
      %dma_start3A_1303 = arith.constant 0 : i32
      %dma_start3A_1304 = tpu.memref_slice %arg4[%arg0, %mul3A_1302, %dma_start3A_1303] : memref<2x256x128xf32, #tpu.memory_space<hbm>> -> memref<1x16x128xf32, #tpu.memory_space<hbm>>
      %dma_start3A_1305 = tpu.memref_squeeze %dma_start3A_1304 : memref<1x16x128xf32, #tpu.memory_space<hbm>> -> memref<16x128xf32, #tpu.memory_space<hbm>>
      %dma_start3A_1306 = arith.constant 0 : i32
      %dma_start3A_1307 = tpu.memref_slice %arg18[%mul3A_1300, %dma_start3A_1306] : memref<256x128xf32, #tpu.memory_space<vmem_shared>> -> memref<16x128xf32, #tpu.memory_space<vmem_shared>>
      tpu.enqueue_dma source(%dma_start3A_1307 : memref<16x128xf32, #tpu.memory_space<vmem_shared>>) target(%dma_start3A_1305 : memref<16x128xf32, #tpu.memory_space<hbm>>) target_semaphore(%run_scoped3A : memref<!tpu.dma_semaphore, #tpu.memory_space<semaphore_mem>>)
      %dma_wait3A_1308 = arith.constant 0 : i32
      %dma_wait3A_1309 = tpu.memref_slice %arg4[%arg0, %mul3A_1302, %dma_wait3A_1308] : memref<2x256x128xf32, #tpu.memory_space<hbm>> -> memref<1x16x128xf32, #tpu.memory_space<hbm>>
      %dma_wait3A_1310 = tpu.memref_squeeze %dma_wait3A_1309 : memref<1x16x128xf32, #tpu.memory_space<hbm>> -> memref<16x128xf32, #tpu.memory_space<hbm>>
      %dma_wait3A_1311 = arith.constant 0 : i32
      %dma_wait3A_1312 = tpu.memref_slice %arg18[%mul3A_1300, %dma_wait3A_1311] : memref<256x128xf32, #tpu.memory_space<vmem_shared>> -> memref<16x128xf32, #tpu.memory_space<vmem_shared>>
      tpu.wait_dma2 semaphore(%run_scoped3A : memref<!tpu.dma_semaphore, #tpu.memory_space<semaphore_mem>>) src(%dma_wait3A_1312 : memref<16x128xf32, #tpu.memory_space<vmem_shared>>) dst(%dma_wait3A_1310 : memref<16x128xf32, #tpu.memory_space<hbm>>)
      tpu.yield
    }) : () -> ()
    return
  }
}

module attributes {stable_mosaic.version = 14 : i64} {
  func.func @body(%arg0: memref<2x256x128xf32, #tpu.memory_space<vmem>>, %arg1: memref<256x128xf32, #tpu.memory_space<vmem>>) attributes {dimension_semantics = [], scalar_prefetch = 0 : i64, scratch_operands = 0 : i64, tpu.core_type = #tpu.core_type<tc>} {
    %get3A = arith.constant 0 : index
    %get3A_0 = arith.constant 0 : index
    %get3A_1 = arith.constant 0 : index
    %get3A_2 = vector.load %arg0[%get3A, %get3A_0, %get3A_1] : memref<2x256x128xf32, #tpu.memory_space<vmem>>, vector<1x256x128xf32>
    %get3A_3 = vector.shape_cast %get3A_2 : vector<1x256x128xf32> to vector<256x128xf32>
    %get3A_4 = arith.constant 1 : index
    %get3A_5 = arith.constant 0 : index
    %get3A_6 = arith.constant 0 : index
    %get3A_7 = vector.load %arg0[%get3A_4, %get3A_5, %get3A_6] : memref<2x256x128xf32, #tpu.memory_space<vmem>>, vector<1x256x128xf32>
    %get3A_8 = vector.shape_cast %get3A_7 : vector<1x256x128xf32> to vector<256x128xf32>
    %add3A = arith.addf %get3A_3, %get3A_8 : vector<256x128xf32>
    %swap3A = arith.constant 0 : index
    %swap3A_9 = arith.constant 0 : index
    %swap3A_10 = vector.load %arg1[%swap3A, %swap3A_9] : memref<256x128xf32, #tpu.memory_space<vmem>>, vector<256x128xf32>
    tpu.vector_store %arg1[%swap3A, %swap3A_9], %add3A {strides = array<i32>} : memref<256x128xf32, #tpu.memory_space<vmem>>, vector<256x128xf32>,
    return
  }
}

</mosaic_0001>

<sc_bundles>
// kernel: kernel.4.cloned.1.call-start
scs
__scs_entry_jumppad:
0x0: {  	(pc) =	sbr.rel $0x88, $3  }
0x1: {  	(tag) =	ssettag $0x0;
	lr =	simm.s32 $0x1  }
0x2: {  	[smem:$0x3F9F] =	sst lr;
	_ =	strace $0xD0000000  }
0x3: {  	_ = 	snop  }
0x4: {  	_ = 	snop  }
0x5: {  	_ = 	snop  }
0x6: {  	_ = 	snop  }
0x7: {  	_ = 	snop  }
__scs_overlays_trampoline_lowered:
0x8: {  	[smem:$0x3FAE] =	sst s0  }
0x9: {  	[smem:$0x3FAF] =	sst s1  }
0xa: {  	[smem:$0x3FB0] =	sst s2  }
0xb: {  	[smem:$0x3FB1] =	sst s3  }
0xc: {  	[smem:$0x3FB2] =	sst s4  }
0xd: {  	[smem:$0x3FB3] =	sst s5  }
0xe: {  	[smem:$0x3FB4] =	sst s6  }
0xf: {  	[smem:$0x3FB5] =	sst s7  }
0x10: {  	[smem:$0x3FB6] =	sst s8  }
0x11: {  	[smem:$0x3FB7] =	sst s9;
	s0 =	simm.s32 @!p0 $0x0  }
0x12: {  	s1 =	sld [smem:$0x3F9D];
	s0 =	simm.s32 @p0 $0x1  }
0x13: {  	[smem:$0x3FB8] =	sst s0;
	s0 =	simm.s32 @!p1 $0x0  }
0x14: {  	s2 =	sld [smem:$0x3F9C];
	s0 =	simm.s32 @p1 $0x1  }
0x15: {  	[smem:$0x3FB9] =	sst s0;
	s0 =	simm.s32 @!p2 $0x0  }
0x16: {  	s3 =	sld [smem:$0x3FDB];
	s0 =	simm.s32 @p2 $0x1  }
0x17: {  	s4 =	simm.s32 $0x1BF5;
	[smem:$0x3FBB] =	sst s0  }
0x18: {  	s0 =	sld [smem:$0x3F9E];
	_ =	swait.ge [sflag:s4], $0x0  }
0x19: {  	s7 =	sld [smem:$0x3F9F]  }
0x1a: {  	s8 =	sadd.s32 $0xFFFFE003, lr  }
0x1b: {  	s9 =	sadd.s32 $0xFFFFFEF7, lr;
	s5 =	simm.s32 $0xFFFFFFFF;
	p2 =	slt.u32 s8, $0xFFFFF086  }
0x1c: {  	p1 =	slt.u32 s9, $0xF7A;
	s5 =	simm.s32 @!p2 $0x0  }
0x1d: {  	s5 =	simm.s32 @p1 $0x1;
	p0 =	seq.s32 s7, s2  }
0x1e: {  	s7 =	smul.u32 @!p0 $0xF7A, s2;
	p2 =	seq.s32 @!p0 s5, $0x0  }
0x1f: {  	s9 =	smul.u32 $0xF7A, s1;
	s8 =	simm.s32 @!p0 $0x1BF5;
	p2 =	por !p2, p0  }
0x20: {  	[sflag:s8] =	ssyncset.s32 @!p0 $0xFFFFF086;
	s6 =	sadd.s32 @!p0 s3, s7;
	s7 =	simm.s32 @!p0 $0x108  }
0x21: {  	s3 =	sadd.s32 s3, s9;
	s6 =	sadd.s32 @!p0 $0x88, s6;
	s7 =	simm.s32 @p2 $0x1082  }
0x22: {  	[simem:s7], [sflag:s8] =	dma.local @!p0 [hbm:s6], $0xF7A  }
0x23: {  	s9 =	sor.u32 $0xD0000000, s2;
	s6 =	simm.s32 $0x108;
	_ =	swait.ge @!p0 [sflag:s8], $0x0  }
0x24: {  	s3 =	sadd.s32 $0x88, s3;
	s6 =	simm.s32 @!p1 $0x1082;
	[sflag:s4] =	ssyncset.s32 $0xFFFFF086  }
0x25: {  	[simem:s6], [sflag:s4] =	dma.local [hbm:s3], $0xF7A  }
0x26: {  	[smem:$0x3F9F] =	sst s1;
	(tag) =	ssettag s2;
	_ =	strace s9  }
0x27: {  	s1 =	sld [smem:$0x3FAF]  }
0x28: {  	s2 =	sld [smem:$0x3FB0]  }
0x29: {  	s4 =	sld [smem:$0x3FB2]  }
0x2a: {  	p0 =	seq.s32 s5, $0x0;
	s5 =	sld [smem:$0x3FB3]  }
0x2b: {  	s6 =	sld [smem:$0x3FB4]  }
0x2c: {  	s7 =	sld [smem:$0x3FB5]  }
0x2d: {  	s3 =	simm.s32 $0x108;
	s8 =	sld [smem:$0x3FB6]  }
0x2e: {  	s3 =	simm.s32 @!p0 $0x1082;
	s9 =	sld [smem:$0x3FB7]  }
0x2f: {  	lr =	sadd.s32 s0, s3;
	s0 =	sld [smem:$0x3FAE]  }
0x30: {  	s3 =	sld [smem:$0x3FB1]  }
0x31: {  	[smem:$0x3FBA] =	sst s10  }
0x32: {  	s10 =	sld [smem:$0x3FB8];
	_ =	sdelay $0x3  }
0x33: {  	p0 =	seq.s32 s10, $0x1;
	s10 =	sld [smem:$0x3FBA];
	_ =	sdelay $0x3  }
0x34: {  	[smem:$0x3FBA] =	sst s10  }
0x35: {  	s10 =	sld [smem:$0x3FB9];
	_ =	sdelay $0x3  }
0x36: {  	p1 =	seq.s32 s10, $0x1;
	s10 =	sld [smem:$0x3FBA];
	_ =	sdelay $0x3  }
0x37: {  	[smem:$0x3FBA] =	sst s10  }
0x38: {  	s10 =	sld [smem:$0x3FBB]  }
0x39: {  	_ = 	snop;
	(pc) =	sbr.ind lr, $3  }
0x3a: {  	_ = 	snop  }
0x3b: {  	_ = 	snop  }
0x3c: {  	p2 =	seq.s32 s10, $0x1;
	s10 =	sld [smem:$0x3FBA]  }
0x3d: {  	_ =	shalt  }
0x3e: {  	_ =	shalt  }
0x3f: {  	_ =	shalt  }
0x40: {  	_ =	shalt  }
0x41: {  	_ =	shalt  }
0x42: {  	_ =	shalt  }
0x43: {  	_ =	shalt  }
0x44: {  	_ =	shalt  }
0x45: {  	_ =	shalt  }
0x46: {  	_ =	shalt  }
0x47: {  	_ =	shalt  }
0x48: {  	_ =	shalt  }
0x49: {  	_ =	shalt  }
0x4a: {  	_ =	shalt  }
0x4b: {  	_ =	shalt  }
0x4c: {  	_ =	shalt  }
0x4d: {  	_ =	shalt  }
0x4e: {  	_ =	shalt  }
0x4f: {  	_ =	shalt  }
0x50: {  	_ =	shalt  }
0x51: {  	_ =	shalt  }
0x52: {  	_ =	shalt  }
0x53: {  	_ =	shalt  }
0x54: {  	_ =	shalt  }
0x55: {  	_ =	shalt  }
0x56: {  	_ =	shalt  }
0x57: {  	_ =	shalt  }
0x58: {  	_ =	shalt  }
0x59: {  	_ =	shalt  }
0x5a: {  	_ =	shalt  }
0x5b: {  	_ =	shalt  }
0x5c: {  	_ =	shalt  }
0x5d: {  	_ =	shalt  }
0x5e: {  	_ =	shalt  }
0x5f: {  	_ =	shalt  }
0x60: {  	_ =	shalt  }
0x61: {  	_ =	shalt  }
0x62: {  	_ =	shalt  }
0x63: {  	_ =	shalt  }
0x64: {  	_ =	shalt  }
0x65: {  	_ =	shalt  }
0x66: {  	_ =	shalt  }
0x67: {  	_ =	shalt  }
0x68: {  	_ =	shalt  }
0x69: {  	_ =	shalt  }
0x6a: {  	_ =	shalt  }
0x6b: {  	_ =	shalt  }
0x6c: {  	_ =	shalt  }
0x6d: {  	_ =	shalt  }
0x6e: {  	_ =	shalt  }
0x6f: {  	_ =	shalt  }
0x70: {  	_ =	shalt  }
0x71: {  	_ =	shalt  }
0x72: {  	_ =	shalt  }
0x73: {  	_ =	shalt  }
0x74: {  	_ =	shalt  }
0x75: {  	_ =	shalt  }
0x76: {  	_ =	shalt  }
0x77: {  	_ =	shalt  }
0x78: {  	_ =	shalt  }
0x79: {  	_ =	shalt  }
0x7a: {  	_ =	shalt  }
0x7b: {  	_ =	shalt  }
0x7c: {  	_ =	shalt  }
0x7d: {  	_ =	shalt  }
0x7e: {  	_ =	shalt  }
0x7f: {  	_ =	shalt  }
0x80: {  	_ =	shalt  }
0x81: {  	_ =	shalt  }
0x82: {  	_ =	shalt  }
0x83: {  	_ =	shalt  }
0x84: {  	_ =	shalt  }
0x85: {  	_ =	shalt  }
0x86: {  	_ =	shalt  }
0x87: {  	_ =	shalt  }
.Lfunc_end0:
.L_simem_size_0:
called_computation_lowered:
.L_overlay_start_0:
0x88: {  	s2 =	sld [smem:$0x3FD9]  }
0x89: {  	s3 =	sld [smem:$0x3FFE];
	_ =	sdelay $0x1  }
0x8a: {  	s1 =	srdreg.scid  }
0x8b: {  	s0 =	sand.u32 $0x1, s1  }
0x8c: {  	s17 =	sshll.u32 s0, $0xA;
	s2 =	sadd.s32 s3, s2  }
0x8d: {  	s2 =	sadd.s32 s2, s17  }
0x8e: {  	[smem:$0x3FC6] =	sst s2  }
0x8f: {  	_ = 	snop  }
0x90: {  	s2 =	sld [smem:$0x3FC9]  }
0x91: {  	s18 =	sld [smem:$0x3FC8];
	(tm) =	ssettm $0x1  }
0x92: {  	s4 =	sld [smem:$0x3FFB];
	_ =	sdelay $0x3  }
0x93: {  	_ =	strace s4  }
0x94: {  	s4 =	sld [smem:$0x3FFC];
	_ =	sdelay $0x3  }
0x95: {  	_ =	strace s4  }
0x96: {  	s4 =	sld [smem:$0x3FFD];
	_ =	sdelay $0x3  }
0x97: {  	_ =	strace s4  }
0x98: {  	_ =	strace $0x8FFFFFFF  }
0x99: {  	s19 =	sld [smem:$0x3FDB];
	_ =	sdelay $0x1  }
0x9a: {  	s5 =	simm.s32 $_scs_section_size  }
0x9b: {  	s6 =	simm.s32 $_size__tile_overlayer_lowered;
	s7 =	simm.s32 $_tile_overlayer_lowered  }
0x9c: {  	s22 =	simm.s32 $0x1BFF;
	s21 =	sshll.u32 s7, $0x1;
	s4 =	sadd.s32 s5, s19  }
0x9d: {  	s8 =	simm.s32 $0x0;
	s20 =	sshll.u32 s6, $0x1;
	s6 =	sadd.s32 s21, s4  }
0x9e: {  	[timem:s8], [sflag:s22] =	dma.local [hbm:s6], s20  }
0x9f: {  	_ =	swait.ge [sflag:s22], s20  }
0xa0: {  	s5 =	ssub.s32 $0x0, s20;
	[sflag:s22] =	ssyncset.done $0x0  }
0xa1: {  	[sflag:s22] =	ssyncadd.s32 s5;
	_ =	sdelay $0x1  }
0xa2: {  	s23 =	simm.s32 $0x1B8B  }
0xa3: {  	_ =	swait.ge [sflag:s23], $0x1  }
0xa4: {  	[sflag:s23] =	ssyncset.done $0x0  }
0xa5: {  	s25 =	simm.s32 $0x1B8E;
	s24 =	sld [smem:$0x3FFE];
	[sflag:s23] =	ssyncadd.s32 $0xFFFFFFFF  }
0xa6: {  	s26 =	simm.s32 $execute0_lowered;
	[smem:$0x3FD2] =	sst s25  }
0xa7: {  	s6 =	sshll.u32 s26, $0x1;
	_ =	strace $0x80000046;
	[dreg:$0x1] =	wrdreg $0xFFFFFFFF  }
0xa8: {  	s28 =	simm.s32 $_size_execute0_lowered;
	s4 =	sadd.s32 s4, s6;
	[dreg:$0x0] =	wrdreg $0x0  }
0xa9: {  	s6 =	sshll.u32 s28, $0x1;
	[dreg:$0x2] =	wrdreg s4  }
0xaa: {  	[dreg:$0x3] =	wrdreg s6  }
0xab: {  	[dreg:$0x4] =	wrdreg $0xC0  }
0xac: {  	_ =	task [dreg:s8], $0x5FFFF  }
0xad: {  	[dreg:$0x1] =	wrdreg $0xFFFFFFFF  }
0xae: {  	[dreg:$0x0] =	wrdreg $0x60  }
0xaf: {  	[dreg:$0x2] =	wrdreg s2  }
0xb0: {  	[dreg:$0x3] =	wrdreg s18  }
0xb1: {  	[dreg:$0x4] =	wrdreg s24  }
0xb2: {  	[dreg:$0x5] =	wrdreg $0x13F000  }
0xb3: {  	[dreg:$0x6] =	wrdreg $0x9  }
0xb4: {  	_ =	task.clear_ibuf [dreg:s8], $0x7FFFF;
	_ =	strace $0x90000046  }
0xb5: {  	s29 =	simm.s32 $0x9;
	_ =	strace $0x80000048  }
0xb6: {  	_ =	swait.ge [sflag:s29], $0x1  }
0xb7: {  	[sflag:s29] =	ssyncadd.s32 $0xFFFFFFFF  }
0xb8: {  	_ =	strace $0x90000048  }
0xb9: {  	_ =	sfence  }
0xba: {  	s30 =	sld [smem:$0x0];
	_ =	sdelay $0x2  }
0xbb: {  	s31 =	sshll.u32 s1, $0xD;
	s1 =	sshrl.u32 s1, $0x2  }
0xbc: {  	s3 =	sand.u32 $0x4000, s31;
	s1 =	sadd.s32 s1, s30  }
0xbd: {  	s0 =	sor.u32 s3, s0;
	s1 =	sshll.u32 s1, $0x11  }
0xbe: {  	s0 =	sor.u32 s1, s0  }
0xbf: {  	s0 =	sadd.s32 $0x8F2B, s0  }
0xc0: {  	[sflag:s0] =	ssyncadd.remote.s32 $0x1  }
0xc1: {  	_ =	sfence.sel $0xFFFF  }
0xc2: {  	[dreg:$0x0] =	wrdreg $0xFFFFFFFF;
	(pc) =	sbr.abs _section_cstart, $3  }
0xc3: {  	[dreg:$0x1] =	wrdreg $0xFFFFFFFF  }
0xc4: {  	_ =	task.clear_ibuf [dreg:s8], $0x2FFFF;
	_ =	strace $0x9FFFFFFF  }
0xc5: {  	(tm) =	ssettm $0x7FFFFFFF  }
tec
execute0_lowered:
.L_overlay_start_1:
0x0: {  	(tag) =	ssettag $0x1  }
0x1: {  	s0 =	stileid.u32;
	s2 =	srdreg.scid  }
0x2: {  	s6 =	sand.u32 $0x1, s2;
	s8 =	sshll.u32 s0, $0x1  }
0x3: {  	s1 =	rddreg [dreg:$0x0];
	s2 =	sor.u32 s6, s8  }
0x4: {  	s5 =	rddreg [dreg:$0x1];
	s7 =	smul.u32 $0xC30, s2;
	s3 =	smin.u32 s2, $0x14  }
0x5: {  	s4 =	rddreg [dreg:$0x2];
	s28 =	simm.s32 $0xC;
	s8 =	sshll.u32 s3, $0x3  }
0x6: {  	s2 =	rddreg [dreg:$0x3];
	s3 =	simm.s32 $0x0;
	s7 =	sadd.s32 s7, s8  }
0x7: {  	p0 =	sgt.u32 s0, $0x9;
	[smem:$0x7FF] =	sst s3;
	s8 =	sshrl.u32 s7, $0x3  }
0x8: {  	_ =	strace $0x80000047;
	s9 =	sshll.u32 s7, $0x4;
	s10 =	sadd.s32 $0x80, s7  }
0x9: {  	s17 =	sadd.s32 $0x180, s7;
	s19 =	sadd.s32 $0x200, s7;
	s25 =	sadd.s32 $0x280, s7  }
0xa: {  	s29 =	sadd.s32 $0x300, s7;
	s8 =	sadd.s32 s5, s8;
	s9 =	sadd.s32 s1, s9  }
0xb: {  	s11 =	sshrl.u32 s10, $0x3;
	s18 =	sshrl.u32 s17, $0x3;
	s21 =	sshrl.u32 s19, $0x3  }
0xc: {  	s23 =	sshll.u32 s19, $0x4;
	s26 =	sshrl.u32 s25, $0x3;
	[dreg:$0x5] =	wrdreg s8  }
0xd: {  	s31 =	sshrl.u32 s29, $0x3;
	s19 =	sadd.s32 $0x480, s7;
	[dreg:$0x6] =	wrdreg s9  }
0xe: {  	s8 =	sadd.s32 s5, s11;
	s9 =	sshll.u32 s10, $0x4;
	s10 =	sadd.s32 $0x100, s7  }
0xf: {  	s22 =	sadd.s32 s5, s21;
	s24 =	sadd.s32 s1, s23;
	s21 =	sshll.u32 s19, $0x4  }
0x10: {  	[dreg:$0x7] =	wrdreg s8;
	s12 =	sadd.s32 s1, s9;
	s13 =	sshrl.u32 s10, $0x3  }
0x11: {  	s15 =	sshll.u32 s10, $0x4;
	s8 =	sadd.s32 s5, s18;
	[dreg:$0xd] =	wrdreg s22  }
0x12: {  	s9 =	sshll.u32 s17, $0x4;
	[dreg:$0xe] =	wrdreg s24;
	s10 =	sshll.u32 s29, $0x4  }
0x13: {  	s22 =	sadd.s32 $0x500, s7;
	s23 =	sadd.s32 s1, s21;
	[dreg:$0x8] =	wrdreg s12  }
0x14: {  	s14 =	sadd.s32 s5, s13;
	s16 =	sadd.s32 s1, s15;
	[dreg:$0xb] =	wrdreg s8  }
0x15: {  	s20 =	sadd.s32 s1, s9;
	s8 =	sadd.s32 s5, s26;
	[dreg:$0x18] =	wrdreg s23  }
0x16: {  	s9 =	sshll.u32 s25, $0x4;
	s11 =	sadd.s32 s1, s10;
	[dreg:$0x9] =	wrdreg s14  }
0x17: {  	s12 =	sadd.s32 $0x380, s7;
	s13 =	sshll.u32 s0, $0x8;
	[dreg:$0xa] =	wrdreg s16  }
0x18: {  	s24 =	sshrl.u32 s22, $0x3;
	s26 =	sshll.u32 s22, $0x4;
	[dreg:$0xc] =	wrdreg s20  }
0x19: {  	[dreg:$0xf] =	wrdreg s8;
	s30 =	sadd.s32 s1, s9;
	s9 =	sadd.s32 s5, s31  }
0x1a: {  	[dreg:$0x12] =	wrdreg s11;
	s14 =	sshrl.u32 s12, $0x3;
	s11 =	sadd.s32 $0x400, s7  }
0x1b: {  	s20 =	sshrl.u32 s19, $0x3;
	s25 =	sadd.s32 s5, s24;
	s29 =	sadd.s32 s1, s26  }
0x1c: {  	s31 =	ssub.s32 $0x2, s6;
	s26 =	sadd.s32 $0x780, s7;
	[dreg:$0x10] =	wrdreg s30  }
0x1d: {  	s6 =	sshll.u32 s6, $0xC;
	[dreg:$0x11] =	wrdreg s9;
	s8 =	sadd.s32 s5, s14  }
0x1e: {  	s9 =	sshll.u32 s12, $0x4;
	s16 =	sshrl.u32 s11, $0x3;
	[dreg:$0x19] =	wrdreg s25  }
0x1f: {  	s18 =	sshll.u32 s11, $0x4;
	s30 =	sadd.s32 $0x580, s7;
	[dreg:$0x1a] =	wrdreg s29  }
0x20: {  	s12 =	sadd.s32 $0x600, s7;
	s19 =	sshrl.u32 s31, $0x1;
	s29 =	sshrl.u32 s26, $0x3  }
0x21: {  	[dreg:$0x13] =	wrdreg s8;
	s15 =	sadd.s32 s1, s9;
	s17 =	sadd.s32 s5, s16  }
0x22: {  	s9 =	sadd.s32 s1, s18;
	s8 =	sadd.s32 s13, s4;
	[dreg:$0x14] =	wrdreg s15  }
0x23: {  	s4 =	sadd.s32 s5, s20;
	s11 =	sshrl.u32 s30, $0x3;
	[dreg:$0x15] =	wrdreg s17  }
0x24: {  	s14 =	sshrl.u32 s12, $0x3;
	s16 =	sshll.u32 s12, $0x4;
	[dreg:$0x16] =	wrdreg s9  }
0x25: {  	s18 =	sadd.s32 $0x680, s7;
	s12 =	sadd.s32 $0x700, s7;
	[dreg:$0x17] =	wrdreg s4  }
0x26: {  	s4 =	sadd.s32 s5, s11;
	s9 =	sshll.u32 s30, $0x4;
	s15 =	sadd.s32 s5, s14  }
0x27: {  	s17 =	sadd.s32 s1, s16;
	s20 =	sshrl.u32 s18, $0x3;
	s22 =	sshrl.u32 s12, $0x3  }
0x28: {  	s24 =	sshll.u32 s12, $0x4;
	s30 =	sshll.u32 s26, $0x4;
	[dreg:$0x1b] =	wrdreg s4  }
0x29: {  	s16 =	sadd.s32 $0x880, s7;
	s6 =	sadd.s32 s6, s8;
	[dreg:$0x1d] =	wrdreg s15  }
0x2a: {  	s8 =	simm.s32 $0x200;
	s13 =	sadd.s32 s1, s9;
	[dreg:$0x1e] =	wrdreg s17  }
0x2b: {  	s4 =	sadd.s32 s5, s20;
	s9 =	sshll.u32 s18, $0x4;
	s23 =	sadd.s32 s5, s22  }
0x2c: {  	s25 =	sadd.s32 s1, s24;
	s10 =	sadd.s32 s1, s30;
	[dreg:$0x1c] =	wrdreg s13  }
0x2d: {  	s17 =	sshll.u32 s0, $0xB;
	s18 =	sshrl.u32 s16, $0x3;
	[dreg:$0x1f] =	wrdreg s4  }
0x2e: {  	s24 =	sadd.s32 $0x980, s7;
	s30 =	sadd.s32 $0xA00, s7;
	[smem:$0x7E6] =	sst s23  }
0x2f: {  	s21 =	sadd.s32 s1, s9;
	s9 =	ssub.s32 s31, s19;
	[smem:$0x7E7] =	sst s25  }
0x30: {  	s4 =	sadd.s32 s5, s29;
	s31 =	sadd.s32 $0x800, s7;
	[smem:$0x7E9] =	sst s10  }
0x31: {  	s10 =	sshll.u32 s16, $0x4;
	s19 =	sadd.s32 $0x900, s7;
	s25 =	sadd.s32 s17, s2  }
0x32: {  	s26 =	sshrl.u32 s24, $0x3;
	s29 =	sshll.u32 s24, $0x4;
	[smem:$0x7E5] =	sst s21  }
0x33: {  	s16 =	sadd.s32 $0xA80, s7;
	s17 =	sadd.s32 $0xC00, s7;
	[smem:$0x7E8] =	sst s4  }
0x34: {  	s12 =	sshrl.u32 s31, $0x3;
	s14 =	sshll.u32 s31, $0x4;
	s4 =	sadd.s32 s5, s18  }
0x35: {  	s20 =	sadd.s32 s1, s10;
	s21 =	sshrl.u32 s19, $0x3;
	[smem:$0x7EF] =	sst s25  }
0x36: {  	s23 =	sshll.u32 s19, $0x4;
	s31 =	sadd.s32 s1, s29;
	[smem:$0x7EC] =	sst s4  }
0x37: {  	s18 =	sshrl.u32 s16, $0x3;
	s11 =	sshll.u32 s16, $0x4;
	[smem:$0x7ED] =	sst s20  }
0x38: {  	s24 =	sshrl.u32 s17, $0x3;
	s29 =	sadd.s32 $0x600, s6;
	[smem:$0x7F2] =	sst s31  }
0x39: {  	s16 =	simm.s32 $0x180;
	s13 =	sadd.s32 s5, s12;
	[smem:$0x7FC] =	sst s29  }
0x3a: {  	s15 =	sadd.s32 s1, s14;
	s22 =	sadd.s32 s5, s21;
	[smem:$0x7EA] =	sst s13  }
0x3b: {  	s10 =	sadd.s32 s1, s23;
	s4 =	sshrl.u32 s30, $0x3;
	[smem:$0x7EB] =	sst s15  }
0x3c: {  	s14 =	sshll.u32 s30, $0x4;
	s19 =	sadd.s32 s1, s11;
	[smem:$0x7EE] =	sst s22  }
0x3d: {  	s30 =	sadd.s32 s5, s24;
	s31 =	simm.s32 $0x13700;
	[smem:$0x7F0] =	sst s10  }
0x3e: {  	s11 =	simm.s32 $0x4200;
	s12 =	simm.s32 $0x100;
	[smem:$0x7F6] =	sst s19  }
0x3f: {  	s24 =	simm.s32 $0x4;
	s10 =	sadd.s32 s5, s26;
	[smem:$0x7FB] =	sst s30  }
0x40: {  	s13 =	sadd.s32 s5, s4;
	s15 =	sadd.s32 s1, s14;
	[smem:$0x7FD] =	sst s31  }
0x41: {  	s26 =	sshll.u32 s17, $0x4;
	s14 =	simm.s32 $0x1;
	[smem:$0x7F1] =	sst s10  }
0x42: {  	s17 =	simm.s32 $0xC200;
	s19 =	simm.s32 $0x6;
	[smem:$0x7F3] =	sst s13  }
0x43: {  	[smem:$0x7F4] =	sst s15;
	s10 =	sadd.s32 s5, s18;
	s13 =	sadd.s32 $0xB00, s7  }
0x44: {  	s7 =	sadd.s32 $0xB80, s7;
	s6 =	sadd.s32 s1, s26;
	s15 =	simm.s32 $0x5  }
0x45: {  	s18 =	simm.s32 $0x2;
	s26 =	simm.s32 $0xB;
	[smem:$0x7F5] =	sst s10  }
0x46: {  	s20 =	sshrl.u32 s13, $0x3;
	s22 =	sshll.u32 s13, $0x4;
	s25 =	sshrl.u32 s7, $0x3  }
0x47: {  	s7 =	sshll.u32 s7, $0x4;
	s13 =	simm.s32 $0x8200;
	s21 =	sadd.s32 s5, s20  }
0x48: {  	s23 =	sadd.s32 s1, s22;
	s10 =	sadd.s32 s5, s25;
	[smem:$0x7F7] =	sst s21  }
0x49: {  	s7 =	sadd.s32 s1, s7;
	s20 =	simm.s32 $0x9;
	[smem:$0x7F8] =	sst s23  }
0x4a: {  	s22 =	simm.s32 $0x7;
	s25 =	simm.s32 $0x8;
	[smem:$0x7F9] =	sst s10  }
0x4b: {  	[smem:$0x7FA] =	sst s7;
	s7 =	smax.u32 s9, $0x1;
	s9 =	simm.s32 $0xE  }
0x4c: {  	v0 =	vimm.f32 $0.0e+00;
	s10 =	simm.s32 $0x80;
	s21 =	simm.s32 $0x3;
	s23 =	simm.s32 $0xA  }
.LBB2_1:
0x4d: {  	s1 =	rddreg [dreg:$0x5]  }
0x4e: {  	[tilespmem:s3], [sflag:$0x1] =	stream.linear.gather [hbm4b:s1+s3], $0x80, $0x38;
	[tilespmem:$0x14700] =	vst v63  }
0x4f: {  	s29 =	rddreg [dreg:$0x6]  }
0x50: {  	[tilespmem:s8], [sflag:$0x5] =	stream.linear.gather [hbm4b:s29+s3], $0x4000, $0x38;
	[tilespmem:$0x14700] =	vst v63  }
0x51: {  	[tilespmem:$0x13700] =	vst v0  }
0x52: {  	[tilespmem:$0x13710] =	vst v0  }
0x53: {  	[tilespmem:$0x13720] =	vst v0  }
0x54: {  	[tilespmem:$0x13730] =	vst v0  }
0x55: {  	[tilespmem:$0x13740] =	vst v0  }
0x56: {  	[tilespmem:$0x13750] =	vst v0  }
0x57: {  	[tilespmem:$0x13760] =	vst v0  }
0x58: {  	[tilespmem:$0x13770] =	vst v0  }
0x59: {  	[tilespmem:$0x13780] =	vst v0  }
0x5a: {  	[tilespmem:$0x13790] =	vst v0  }
0x5b: {  	[tilespmem:$0x137A0] =	vst v0  }
0x5c: {  	[tilespmem:$0x137B0] =	vst v0  }
0x5d: {  	[tilespmem:$0x137C0] =	vst v0  }
0x5e: {  	[tilespmem:$0x137D0] =	vst v0  }
0x5f: {  	[tilespmem:$0x137E0] =	vst v0  }
0x60: {  	[tilespmem:$0x137F0] =	vst v0  }
0x61: {  	[tilespmem:$0x13800] =	vst v0  }
0x62: {  	[tilespmem:$0x13810] =	vst v0  }
0x63: {  	[tilespmem:$0x13820] =	vst v0  }
0x64: {  	[tilespmem:$0x13830] =	vst v0  }
0x65: {  	[tilespmem:$0x13840] =	vst v0  }
0x66: {  	[tilespmem:$0x13850] =	vst v0  }
0x67: {  	[tilespmem:$0x13860] =	vst v0  }
0x68: {  	[tilespmem:$0x13870] =	vst v0  }
0x69: {  	[tilespmem:$0x13880] =	vst v0  }
0x6a: {  	[tilespmem:$0x13890] =	vst v0  }
0x6b: {  	[tilespmem:$0x138A0] =	vst v0  }
0x6c: {  	[tilespmem:$0x138B0] =	vst v0  }
0x6d: {  	[tilespmem:$0x138C0] =	vst v0  }
0x6e: {  	[tilespmem:$0x138D0] =	vst v0  }
0x6f: {  	[tilespmem:$0x138E0] =	vst v0  }
0x70: {  	[tilespmem:$0x138F0] =	vst v0  }
0x71: {  	[tilespmem:$0x13900] =	vst v0  }
0x72: {  	[tilespmem:$0x13910] =	vst v0  }
0x73: {  	[tilespmem:$0x13920] =	vst v0  }
0x74: {  	[tilespmem:$0x13930] =	vst v0  }
0x75: {  	[tilespmem:$0x13940] =	vst v0  }
0x76: {  	[tilespmem:$0x13950] =	vst v0  }
0x77: {  	[tilespmem:$0x13960] =	vst v0  }
0x78: {  	[tilespmem:$0x13970] =	vst v0  }
0x79: {  	[tilespmem:$0x13980] =	vst v0  }
0x7a: {  	[tilespmem:$0x13990] =	vst v0  }
0x7b: {  	[tilespmem:$0x139A0] =	vst v0  }
0x7c: {  	[tilespmem:$0x139B0] =	vst v0  }
0x7d: {  	[tilespmem:$0x139C0] =	vst v0  }
0x7e: {  	[tilespmem:$0x139D0] =	vst v0  }
0x7f: {  	[tilespmem:$0x139E0] =	vst v0  }
0x80: {  	[tilespmem:$0x139F0] =	vst v0  }
0x81: {  	[tilespmem:$0x13A00] =	vst v0  }
0x82: {  	[tilespmem:$0x13A10] =	vst v0  }
0x83: {  	[tilespmem:$0x13A20] =	vst v0  }
0x84: {  	[tilespmem:$0x13A30] =	vst v0  }
0x85: {  	[tilespmem:$0x13A40] =	vst v0  }
0x86: {  	[tilespmem:$0x13A50] =	vst v0  }
0x87: {  	[tilespmem:$0x13A60] =	vst v0  }
0x88: {  	[tilespmem:$0x13A70] =	vst v0  }
0x89: {  	[tilespmem:$0x13A80] =	vst v0  }
0x8a: {  	[tilespmem:$0x13A90] =	vst v0  }
0x8b: {  	[tilespmem:$0x13AA0] =	vst v0  }
0x8c: {  	[tilespmem:$0x13AB0] =	vst v0  }
0x8d: {  	[tilespmem:$0x13AC0] =	vst v0  }
0x8e: {  	[tilespmem:$0x13AD0] =	vst v0  }
0x8f: {  	[tilespmem:$0x13AE0] =	vst v0  }
0x90: {  	[tilespmem:$0x13AF0] =	vst v0  }
0x91: {  	[tilespmem:$0x13B00] =	vst v0  }
0x92: {  	[tilespmem:$0x13B10] =	vst v0  }
0x93: {  	[tilespmem:$0x13B20] =	vst v0  }
0x94: {  	[tilespmem:$0x13B30] =	vst v0  }
0x95: {  	[tilespmem:$0x13B40] =	vst v0  }
0x96: {  	[tilespmem:$0x13B50] =	vst v0  }
0x97: {  	[tilespmem:$0x13B60] =	vst v0  }
0x98: {  	[tilespmem:$0x13B70] =	vst v0  }
0x99: {  	[tilespmem:$0x13B80] =	vst v0  }
0x9a: {  	[tilespmem:$0x13B90] =	vst v0  }
0x9b: {  	[tilespmem:$0x13BA0] =	vst v0  }
0x9c: {  	[tilespmem:$0x13BB0] =	vst v0  }
0x9d: {  	[tilespmem:$0x13BC0] =	vst v0  }
0x9e: {  	[tilespmem:$0x13BD0] =	vst v0  }
0x9f: {  	[tilespmem:$0x13BE0] =	vst v0  }
0xa0: {  	[tilespmem:$0x13BF0] =	vst v0  }
0xa1: {  	[tilespmem:$0x13C00] =	vst v0  }
0xa2: {  	[tilespmem:$0x13C10] =	vst v0  }
0xa3: {  	[tilespmem:$0x13C20] =	vst v0  }
0xa4: {  	[tilespmem:$0x13C30] =	vst v0  }
0xa5: {  	[tilespmem:$0x13C40] =	vst v0  }
0xa6: {  	[tilespmem:$0x13C50] =	vst v0  }
0xa7: {  	[tilespmem:$0x13C60] =	vst v0  }
0xa8: {  	[tilespmem:$0x13C70] =	vst v0  }
0xa9: {  	[tilespmem:$0x13C80] =	vst v0  }
0xaa: {  	[tilespmem:$0x13C90] =	vst v0  }
0xab: {  	[tilespmem:$0x13CA0] =	vst v0  }
0xac: {  	[tilespmem:$0x13CB0] =	vst v0  }
0xad: {  	[tilespmem:$0x13CC0] =	vst v0  }
0xae: {  	[tilespmem:$0x13CD0] =	vst v0  }
0xaf: {  	[tilespmem:$0x13CE0] =	vst v0  }
0xb0: {  	[tilespmem:$0x13CF0] =	vst v0  }
0xb1: {  	[tilespmem:$0x13D00] =	vst v0  }
0xb2: {  	[tilespmem:$0x13D10] =	vst v0  }
0xb3: {  	[tilespmem:$0x13D20] =	vst v0  }
0xb4: {  	[tilespmem:$0x13D30] =	vst v0  }
0xb5: {  	[tilespmem:$0x13D40] =	vst v0  }
0xb6: {  	[tilespmem:$0x13D50] =	vst v0  }
0xb7: {  	[tilespmem:$0x13D60] =	vst v0  }
0xb8: {  	[tilespmem:$0x13D70] =	vst v0  }
0xb9: {  	[tilespmem:$0x13D80] =	vst v0  }
0xba: {  	[tilespmem:$0x13D90] =	vst v0  }
0xbb: {  	[tilespmem:$0x13DA0] =	vst v0  }
0xbc: {  	[tilespmem:$0x13DB0] =	vst v0  }
0xbd: {  	[tilespmem:$0x13DC0] =	vst v0  }
0xbe: {  	[tilespmem:$0x13DD0] =	vst v0  }
0xbf: {  	[tilespmem:$0x13DE0] =	vst v0  }
0xc0: {  	[tilespmem:$0x13DF0] =	vst v0  }
0xc1: {  	[tilespmem:$0x13E00] =	vst v0  }
0xc2: {  	[tilespmem:$0x13E10] =	vst v0  }
0xc3: {  	[tilespmem:$0x13E20] =	vst v0  }
0xc4: {  	[tilespmem:$0x13E30] =	vst v0  }
0xc5: {  	[tilespmem:$0x13E40] =	vst v0  }
0xc6: {  	[tilespmem:$0x13E50] =	vst v0  }
0xc7: {  	[tilespmem:$0x13E60] =	vst v0  }
0xc8: {  	[tilespmem:$0x13E70] =	vst v0  }
0xc9: {  	[tilespmem:$0x13E80] =	vst v0  }
0xca: {  	[tilespmem:$0x13E90] =	vst v0  }
0xcb: {  	[tilespmem:$0x13EA0] =	vst v0  }
0xcc: {  	[tilespmem:$0x13EB0] =	vst v0  }
0xcd: {  	s5 =	sld [smem:$0x7EF];
	[tilespmem:$0x13EC0] =	vst v0  }
0xce: {  	s29 =	sld [smem:$0x7FD];
	[tilespmem:$0x13ED0] =	vst v0  }
0xcf: {  	[tilespmem:$0x13EE0] =	vst v0  }
0xd0: {  	[tilespmem:$0x13EF0] =	vst v0  }
0xd1: {  	[spmem:s5] =	stream.linear.scatter [tilespmem:s29], [sflag:$0xE], $0x800, $0x38;
	[tilespmem:$0x14700] =	vst v63  }
0xd2: {  	_ =	swait.ge [sflag:s9], $0x800  }
0xd3: {  	[sflag:s9] =	ssyncset.done $0x0  }
0xd4: {  	[sflag:s9] =	ssyncadd.s32 $0xFFFFF800  }
0xd5: {  	[bflag:$0x0] =	sbarrier.arrive $0xFFFF  }
0xd6: {  	s30 =	rddreg [dreg:$0x7]  }
0xd7: {  	[tilespmem:s10], [sflag:$0x2] =	stream.linear.gather [hbm4b:s30+s3], $0x80, $0x38;
	[tilespmem:$0x14700] =	vst v63  }
0xd8: {  	s31 =	rddreg [dreg:$0x8]  }
0xd9: {  	[tilespmem:s11], [sflag:$0x6] =	stream.linear.gather [hbm4b:s31+s3], $0x4000, $0x38;
	[tilespmem:$0x14700] =	vst v63  }
0xda: {  	s0 =	rddreg [dreg:$0x9]  }
0xdb: {  	[tilespmem:s12], [sflag:$0x3] =	stream.linear.gather [hbm4b:s0+s3], $0x80, $0x38;
	[tilespmem:$0x14700] =	vst v63  }
0xdc: {  	s4 =	rddreg [dreg:$0xa]  }
0xdd: {  	[tilespmem:s13], [sflag:$0x7] =	stream.linear.gather [hbm4b:s4+s3], $0x4000, $0x38;
	[tilespmem:$0x14700] =	vst v63  }
0xde: {  	s4 =	sld [smem:$0x7FB];
	_ =	sdelay $0x1  }
0xdf: {  	s29 =	simm.s32 @p0 $0x0;
	s31 =	simm.s32 @p0 $0x10280  }
0xe0: {  	[tilespmem:s31], [sflag:$0xD] =	stream.linear.gather @p0 [hbm4b:s4+s29], $0x30, $0x38;
	[tilespmem:$0x14700] =	vst v63  }
0xe1: {  	s1 =	simm.s32 @p0 $0x11F00  }
0xe2: {  	[tilespmem:s1], [sflag:$0xD] =	stream.linear.gather @p0 [hbm4b:s6+s29], $0x1800, $0x38;
	[tilespmem:$0x14700] =	vst v63  }
0xe3: {  	s0 =	simm.s32 @!p0 $0x0;
	s29 =	simm.s32 @!p0 $0x10200  }
0xe4: {  	[tilespmem:s29], [sflag:$0xD] =	stream.linear.gather @!p0 [hbm4b:s4+s0], $0x38, $0x38;
	[tilespmem:$0x14700] =	vst v63  }
0xe5: {  	s30 =	simm.s32 @!p0 $0x10300  }
0xe6: {  	[tilespmem:s30], [sflag:$0xD] =	stream.linear.gather @!p0 [hbm4b:s6+s0], $0x1C00, $0x38;
	[tilespmem:$0x14700] =	vst v63  }
0xe7: {  	_ =	swait.ge [sflag:s14], $0x80  }
0xe8: {  	[sflag:s14] =	ssyncset.done $0x0  }
0xe9: {  	[sflag:s14] =	ssyncadd.s32 $0xFFFFFF80  }
0xea: {  	_ =	swait.ge [sflag:s15], $0x4000  }
0xeb: {  	[sflag:s15] =	ssyncset.done $0x0  }
0xec: {  	[sflag:s15] =	ssyncadd.s32 $0xFFFFC000  }
0xed: {  	[spmem:s2] =	stream.indirect.scatter.add.f32 [tilespmem:s8], [sflag:$0x9], $0x80, s3, s10, $0xb8;
	[tilespmem:$0x14700] =	vst v63  }
0xee: {  	s0 =	rddreg [dreg:$0xb]  }
0xef: {  	[tilespmem:s16], [sflag:$0x4] =	stream.linear.gather [hbm4b:s0+s3], $0x80, $0x38;
	[tilespmem:$0x14700] =	vst v63  }
0xf0: {  	s4 =	rddreg [dreg:$0xc]  }
0xf1: {  	[tilespmem:s17], [sflag:$0x8] =	stream.linear.gather [hbm4b:s4+s3], $0x4000, $0x38;
	[tilespmem:$0x14700] =	vst v63  }
0xf2: {  	_ =	swait.ge [sflag:s18], $0x80  }
0xf3: {  	[sflag:s18] =	ssyncset.done $0x0  }
0xf4: {  	[sflag:s18] =	ssyncadd.s32 $0xFFFFFF80  }
0xf5: {  	_ =	swait.ge [sflag:s19], $0x4000  }
0xf6: {  	[sflag:s19] =	ssyncset.done $0x0  }
0xf7: {  	[sflag:s19] =	ssyncadd.s32 $0xFFFFC000  }
0xf8: {  	_ =	swait.ge [sflag:s20], $0x4000  }
0xf9: {  	[sflag:s20] =	ssyncset.done $0x0  }
0xfa: {  	[sflag:s20] =	ssyncadd.s32 $0xFFFFC000  }
0xfb: {  	[spmem:s2] =	stream.indirect.scatter.add.f32 [tilespmem:s11], [sflag:$0xA], $0x80, s10, s10, $0xb8;
	[tilespmem:$0x14700] =	vst v63  }
0xfc: {  	s0 =	rddreg [dreg:$0xd]  }
0xfd: {  	[tilespmem:s3], [sflag:$0x1] =	stream.linear.gather [hbm4b:s0+s3], $0x80, $0x38;
	[tilespmem:$0x14700] =	vst v63  }
0xfe: {  	s4 =	rddreg [dreg:$0xe]  }
0xff: {  	[tilespmem:s8], [sflag:$0x5] =	stream.linear.gather [hbm4b:s4+s3], $0x4000, $0x38;
	[tilespmem:$0x14700] =	vst v63  }
0x100: {  	_ =	swait.ge [sflag:s21], $0x80  }
0x101: {  	[sflag:s21] =	ssyncset.done $0x0  }
0x102: {  	[sflag:s21] =	ssyncadd.s32 $0xFFFFFF80  }
0x103: {  	_ =	swait.ge [sflag:s22], $0x4000  }
0x104: {  	[sflag:s22] =	ssyncset.done $0x0  }
0x105: {  	[sflag:s22] =	ssyncadd.s32 $0xFFFFC000  }
0x106: {  	_ =	swait.ge [sflag:s23], $0x4000  }
0x107: {  	[sflag:s23] =	ssyncset.done $0x0  }
0x108: {  	[sflag:s23] =	ssyncadd.s32 $0xFFFFC000  }
0x109: {  	[spmem:s2] =	stream.indirect.scatter.add.f32 [tilespmem:s13], [sflag:$0xB], $0x80, s12, s10, $0xb8;
	[tilespmem:$0x14700] =	vst v63  }
0x10a: {  	s0 =	rddreg [dreg:$0xf]  }
0x10b: {  	[tilespmem:s10], [sflag:$0x2] =	stream.linear.gather [hbm4b:s0+s3], $0x80, $0x38;
	[tilespmem:$0x14700] =	vst v63  }
0x10c: {  	s4 =	rddreg [dreg:$0x10]  }
0x10d: {  	[tilespmem:s11], [sflag:$0x6] =	stream.linear.gather [hbm4b:s4+s3], $0x4000, $0x38;
	[tilespmem:$0x14700] =	vst v63  }
0x10e: {  	_ =	swait.ge [sflag:s24], $0x80  }
0x10f: {  	[sflag:s24] =	ssyncset.done $0x0  }
0x110: {  	[sflag:s24] =	ssyncadd.s32 $0xFFFFFF80  }
0x111: {  	_ =	swait.ge [sflag:s25], $0x4000  }
0x112: {  	[sflag:s25] =	ssyncset.done $0x0  }
0x113: {  	[sflag:s25] =	ssyncadd.s32 $0xFFFFC000  }
0x114: {  	_ =	swait.ge [sflag:s26], $0x4000  }
0x115: {  	[sflag:s26] =	ssyncset.done $0x0  }
0x116: {  	[sflag:s26] =	ssyncadd.s32 $0xFFFFC000  }
0x117: {  	[spmem:s2] =	stream.indirect.scatter.add.f32 [tilespmem:s17], [sflag:$0xC], $0x80, s16, s10, $0xb8;
	[tilespmem:$0x14700] =	vst v63  }
0x118: {  	s0 =	rddreg [dreg:$0x11]  }
0x119: {  	[tilespmem:s12], [sflag:$0x3] =	stream.linear.gather [hbm4b:s0+s3], $0x80, $0x38;
	[tilespmem:$0x14700] =	vst v63  }
0x11a: {  	s4 =	rddreg [dreg:$0x12]  }
0x11b: {  	[tilespmem:s13], [sflag:$0x7] =	stream.linear.gather [hbm4b:s4+s3], $0x4000, $0x38;
	[tilespmem:$0x14700] =	vst v63  }
0x11c: {  	_ =	swait.ge [sflag:s14], $0x80  }
0x11d: {  	[sflag:s14] =	ssyncset.done $0x0  }
0x11e: {  	[sflag:s14] =	ssyncadd.s32 $0xFFFFFF80  }
0x11f: {  	_ =	swait.ge [sflag:s15], $0x4000  }
0x120: {  	[sflag:s15] =	ssyncset.done $0x0  }
0x121: {  	[sflag:s15] =	ssyncadd.s32 $0xFFFFC000  }
0x122: {  	_ =	swait.ge [sflag:s28], $0x4000  }
0x123: {  	[sflag:s28] =	ssyncset.done $0x0  }
0x124: {  	[sflag:s28] =	ssyncadd.s32 $0xFFFFC000  }
0x125: {  	[spmem:s2] =	stream.indirect.scatter.add.f32 [tilespmem:s8], [sflag:$0x9], $0x80, s3, s10, $0xb8;
	[tilespmem:$0x14700] =	vst v63  }
0x126: {  	s0 =	rddreg [dreg:$0x13]  }
0x127: {  	[tilespmem:s16], [sflag:$0x4] =	stream.linear.gather [hbm4b:s0+s3], $0x80, $0x38;
	[tilespmem:$0x14700] =	vst v63  }
0x128: {  	s4 =	rddreg [dreg:$0x14]  }
0x129: {  	[tilespmem:s17], [sflag:$0x8] =	stream.linear.gather [hbm4b:s4+s3], $0x4000, $0x38;
	[tilespmem:$0x14700] =	vst v63  }
0x12a: {  	_ =	swait.ge [sflag:s18], $0x80  }
0x12b: {  	[sflag:s18] =	ssyncset.done $0x0  }
0x12c: {  	[sflag:s18] =	ssyncadd.s32 $0xFFFFFF80  }
0x12d: {  	_ =	swait.ge [sflag:s19], $0x4000  }
0x12e: {  	[sflag:s19] =	ssyncset.done $0x0  }
0x12f: {  	[sflag:s19] =	ssyncadd.s32 $0xFFFFC000  }
0x130: {  	_ =	swait.ge [sflag:s20], $0x4000  }
0x131: {  	[sflag:s20] =	ssyncset.done $0x0  }
0x132: {  	[sflag:s20] =	ssyncadd.s32 $0xFFFFC000  }
0x133: {  	[spmem:s2] =	stream.indirect.scatter.add.f32 [tilespmem:s11], [sflag:$0xA], $0x80, s10, s10, $0xb8;
	[tilespmem:$0x14700] =	vst v63  }
0x134: {  	s0 =	rddreg [dreg:$0x15]  }
0x135: {  	[tilespmem:s3], [sflag:$0x1] =	stream.linear.gather [hbm4b:s0+s3], $0x80, $0x38;
	[tilespmem:$0x14700] =	vst v63  }
0x136: {  	s4 =	rddreg [dreg:$0x16]  }
0x137: {  	[tilespmem:s8], [sflag:$0x5] =	stream.linear.gather [hbm4b:s4+s3], $0x4000, $0x38;
	[tilespmem:$0x14700] =	vst v63  }
0x138: {  	_ =	swait.ge [sflag:s21], $0x80  }
0x139: {  	[sflag:s21] =	ssyncset.done $0x0  }
0x13a: {  	[sflag:s21] =	ssyncadd.s32 $0xFFFFFF80  }
0x13b: {  	_ =	swait.ge [sflag:s22], $0x4000  }
0x13c: {  	[sflag:s22] =	ssyncset.done $0x0  }
0x13d: {  	[sflag:s22] =	ssyncadd.s32 $0xFFFFC000  }
0x13e: {  	_ =	swait.ge [sflag:s23], $0x4000  }
0x13f: {  	[sflag:s23] =	ssyncset.done $0x0  }
0x140: {  	[sflag:s23] =	ssyncadd.s32 $0xFFFFC000  }
0x141: {  	[spmem:s2] =	stream.indirect.scatter.add.f32 [tilespmem:s13], [sflag:$0xB], $0x80, s12, s10, $0xb8;
	[tilespmem:$0x14700] =	vst v63  }
0x142: {  	s0 =	rddreg [dreg:$0x17]  }
0x143: {  	[tilespmem:s10], [sflag:$0x2] =	stream.linear.gather [hbm4b:s0+s3], $0x80, $0x38;
	[tilespmem:$0x14700] =	vst v63  }
0x144: {  	s4 =	rddreg [dreg:$0x18]  }
0x145: {  	[tilespmem:s11], [sflag:$0x6] =	stream.linear.gather [hbm4b:s4+s3], $0x4000, $0x38;
	[tilespmem:$0x14700] =	vst v63  }
0x146: {  	_ =	swait.ge [sflag:s24], $0x80  }
0x147: {  	[sflag:s24] =	ssyncset.done $0x0  }
0x148: {  	[sflag:s24] =	ssyncadd.s32 $0xFFFFFF80  }
0x149: {  	_ =	swait.ge [sflag:s25], $0x4000  }
0x14a: {  	[sflag:s25] =	ssyncset.done $0x0  }
0x14b: {  	[sflag:s25] =	ssyncadd.s32 $0xFFFFC000  }
0x14c: {  	_ =	swait.ge [sflag:s26], $0x4000  }
0x14d: {  	[sflag:s26] =	ssyncset.done $0x0  }
0x14e: {  	[sflag:s26] =	ssyncadd.s32 $0xFFFFC000  }
0x14f: {  	[spmem:s2] =	stream.indirect.scatter.add.f32 [tilespmem:s17], [sflag:$0xC], $0x80, s16, s10, $0xb8;
	[tilespmem:$0x14700] =	vst v63  }
0x150: {  	s0 =	rddreg [dreg:$0x19]  }
0x151: {  	[tilespmem:s12], [sflag:$0x3] =	stream.linear.gather [hbm4b:s0+s3], $0x80, $0x38;
	[tilespmem:$0x14700] =	vst v63  }
0x152: {  	s4 =	rddreg [dreg:$0x1a]  }
0x153: {  	[tilespmem:s13], [sflag:$0x7] =	stream.linear.gather [hbm4b:s4+s3], $0x4000, $0x38;
	[tilespmem:$0x14700] =	vst v63  }
0x154: {  	_ =	swait.ge [sflag:s14], $0x80  }
0x155: {  	[sflag:s14] =	ssyncset.done $0x0  }
0x156: {  	[sflag:s14] =	ssyncadd.s32 $0xFFFFFF80  }
0x157: {  	_ =	swait.ge [sflag:s15], $0x4000  }
0x158: {  	[sflag:s15] =	ssyncset.done $0x0  }
0x159: {  	[sflag:s15] =	ssyncadd.s32 $0xFFFFC000  }
0x15a: {  	_ =	swait.ge [sflag:s28], $0x4000  }
0x15b: {  	[sflag:s28] =	ssyncset.done $0x0  }
0x15c: {  	[sflag:s28] =	ssyncadd.s32 $0xFFFFC000  }
0x15d: {  	[spmem:s2] =	stream.indirect.scatter.add.f32 [tilespmem:s8], [sflag:$0x9], $0x80, s3, s10, $0xb8;
	[tilespmem:$0x14700] =	vst v63  }
0x15e: {  	s0 =	rddreg [dreg:$0x1b]  }
0x15f: {  	[tilespmem:s16], [sflag:$0x4] =	stream.linear.gather [hbm4b:s0+s3], $0x80, $0x38;
	[tilespmem:$0x14700] =	vst v63  }
0x160: {  	s4 =	rddreg [dreg:$0x1c]  }
0x161: {  	[tilespmem:s17], [sflag:$0x8] =	stream.linear.gather [hbm4b:s4+s3], $0x4000, $0x38;
	[tilespmem:$0x14700] =	vst v63  }
0x162: {  	_ =	swait.ge [sflag:s18], $0x80  }
0x163: {  	[sflag:s18] =	ssyncset.done $0x0  }
0x164: {  	[sflag:s18] =	ssyncadd.s32 $0xFFFFFF80  }
0x165: {  	_ =	swait.ge [sflag:s19], $0x4000  }
0x166: {  	[sflag:s19] =	ssyncset.done $0x0  }
0x167: {  	[sflag:s19] =	ssyncadd.s32 $0xFFFFC000  }
0x168: {  	_ =	swait.ge [sflag:s20], $0x4000  }
0x169: {  	[sflag:s20] =	ssyncset.done $0x0  }
0x16a: {  	[sflag:s20] =	ssyncadd.s32 $0xFFFFC000  }
0x16b: {  	[spmem:s2] =	stream.indirect.scatter.add.f32 [tilespmem:s11], [sflag:$0xA], $0x80, s10, s10, $0xb8;
	[tilespmem:$0x14700] =	vst v63  }
0x16c: {  	s0 =	rddreg [dreg:$0x1d]  }
0x16d: {  	[tilespmem:s3], [sflag:$0x1] =	stream.linear.gather [hbm4b:s0+s3], $0x80, $0x38;
	[tilespmem:$0x14700] =	vst v63  }
0x16e: {  	s4 =	rddreg [dreg:$0x1e]  }
0x16f: {  	[tilespmem:s8], [sflag:$0x5] =	stream.linear.gather [hbm4b:s4+s3], $0x4000, $0x38;
	[tilespmem:$0x14700] =	vst v63  }
0x170: {  	_ =	swait.ge [sflag:s21], $0x80  }
0x171: {  	[sflag:s21] =	ssyncset.done $0x0  }
0x172: {  	[sflag:s21] =	ssyncadd.s32 $0xFFFFFF80  }
0x173: {  	_ =	swait.ge [sflag:s22], $0x4000  }
0x174: {  	[sflag:s22] =	ssyncset.done $0x0  }
0x175: {  	[sflag:s22] =	ssyncadd.s32 $0xFFFFC000  }
0x176: {  	_ =	swait.ge [sflag:s23], $0x4000  }
0x177: {  	[sflag:s23] =	ssyncset.done $0x0  }
0x178: {  	s0 =	rddreg [dreg:$0x1f];
	[sflag:s23] =	ssyncadd.s32 $0xFFFFC000  }
0x179: {  	[spmem:s2] =	stream.indirect.scatter.add.f32 [tilespmem:s13], [sflag:$0xB], $0x80, s12, s10, $0xb8;
	[tilespmem:$0x14700] =	vst v63  }
0x17a: {  	s4 =	sld [smem:$0x7E5]  }
0x17b: {  	[tilespmem:s10], [sflag:$0x2] =	stream.linear.gather [hbm4b:s0+s3], $0x80, $0x38;
	[tilespmem:$0x14700] =	vst v63  }
0x17c: {  	_ = 	snop  }
0x17d: {  	[tilespmem:s11], [sflag:$0x6] =	stream.linear.gather [hbm4b:s4+s3], $0x4000, $0x38;
	[tilespmem:$0x14700] =	vst v63  }
0x17e: {  	_ =	swait.ge [sflag:s24], $0x80  }
0x17f: {  	[sflag:s24] =	ssyncset.done $0x0  }
0x180: {  	[sflag:s24] =	ssyncadd.s32 $0xFFFFFF80  }
0x181: {  	_ =	swait.ge [sflag:s25], $0x4000  }
0x182: {  	[sflag:s25] =	ssyncset.done $0x0  }
0x183: {  	[sflag:s25] =	ssyncadd.s32 $0xFFFFC000  }
0x184: {  	_ =	swait.ge [sflag:s26], $0x4000  }
0x185: {  	[sflag:s26] =	ssyncset.done $0x0  }
0x186: {  	s0 =	sld [smem:$0x7E6];
	[sflag:s26] =	ssyncadd.s32 $0xFFFFC000  }
0x187: {  	[spmem:s2] =	stream.indirect.scatter.add.f32 [tilespmem:s17], [sflag:$0xC], $0x80, s16, s10, $0xb8;
	[tilespmem:$0x14700] =	vst v63  }
0x188: {  	s4 =	sld [smem:$0x7E7]  }
0x189: {  	[tilespmem:s12], [sflag:$0x3] =	stream.linear.gather [hbm4b:s0+s3], $0x80, $0x38;
	[tilespmem:$0x14700] =	vst v63  }
0x18a: {  	_ = 	snop  }
0x18b: {  	[tilespmem:s13], [sflag:$0x7] =	stream.linear.gather [hbm4b:s4+s3], $0x4000, $0x38;
	[tilespmem:$0x14700] =	vst v63  }
0x18c: {  	_ =	swait.ge [sflag:s14], $0x80  }
0x18d: {  	[sflag:s14] =	ssyncset.done $0x0  }
0x18e: {  	[sflag:s14] =	ssyncadd.s32 $0xFFFFFF80  }
0x18f: {  	_ =	swait.ge [sflag:s15], $0x4000  }
0x190: {  	[sflag:s15] =	ssyncset.done $0x0  }
0x191: {  	[sflag:s15] =	ssyncadd.s32 $0xFFFFC000  }
0x192: {  	_ =	swait.ge [sflag:s28], $0x4000  }
0x193: {  	[sflag:s28] =	ssyncset.done $0x0  }
0x194: {  	s0 =	sld [smem:$0x7E8];
	[sflag:s28] =	ssyncadd.s32 $0xFFFFC000  }
0x195: {  	[spmem:s2] =	stream.indirect.scatter.add.f32 [tilespmem:s8], [sflag:$0x9], $0x80, s3, s10, $0xb8;
	[tilespmem:$0x14700] =	vst v63  }
0x196: {  	s4 =	sld [smem:$0x7E9]  }
0x197: {  	[tilespmem:s16], [sflag:$0x4] =	stream.linear.gather [hbm4b:s0+s3], $0x80, $0x38;
	[tilespmem:$0x14700] =	vst v63  }
0x198: {  	_ = 	snop  }
0x199: {  	[tilespmem:s17], [sflag:$0x8] =	stream.linear.gather [hbm4b:s4+s3], $0x4000, $0x38;
	[tilespmem:$0x14700] =	vst v63  }
0x19a: {  	_ =	swait.ge [sflag:s18], $0x80  }
0x19b: {  	[sflag:s18] =	ssyncset.done $0x0  }
0x19c: {  	[sflag:s18] =	ssyncadd.s32 $0xFFFFFF80  }
0x19d: {  	_ =	swait.ge [sflag:s19], $0x4000  }
0x19e: {  	[sflag:s19] =	ssyncset.done $0x0  }
0x19f: {  	[sflag:s19] =	ssyncadd.s32 $0xFFFFC000  }
0x1a0: {  	_ =	swait.ge [sflag:s20], $0x4000  }
0x1a1: {  	[sflag:s20] =	ssyncset.done $0x0  }
0x1a2: {  	s0 =	sld [smem:$0x7EA];
	[sflag:s20] =	ssyncadd.s32 $0xFFFFC000  }
0x1a3: {  	[spmem:s2] =	stream.indirect.scatter.add.f32 [tilespmem:s11], [sflag:$0xA], $0x80, s10, s10, $0xb8;
	[tilespmem:$0x14700] =	vst v63  }
0x1a4: {  	s4 =	sld [smem:$0x7EB]  }
0x1a5: {  	[tilespmem:s3], [sflag:$0x1] =	stream.linear.gather [hbm4b:s0+s3], $0x80, $0x38;
	[tilespmem:$0x14700] =	vst v63  }
0x1a6: {  	_ = 	snop  }
0x1a7: {  	[tilespmem:s8], [sflag:$0x5] =	stream.linear.gather [hbm4b:s4+s3], $0x4000, $0x38;
	[tilespmem:$0x14700] =	vst v63  }
0x1a8: {  	_ =	swait.ge [sflag:s21], $0x80  }
0x1a9: {  	[sflag:s21] =	ssyncset.done $0x0  }
0x1aa: {  	[sflag:s21] =	ssyncadd.s32 $0xFFFFFF80  }
0x1ab: {  	_ =	swait.ge [sflag:s22], $0x4000  }
0x1ac: {  	[sflag:s22] =	ssyncset.done $0x0  }
0x1ad: {  	[sflag:s22] =	ssyncadd.s32 $0xFFFFC000  }
0x1ae: {  	_ =	swait.ge [sflag:s23], $0x4000  }
0x1af: {  	[sflag:s23] =	ssyncset.done $0x0  }
0x1b0: {  	s0 =	sld [smem:$0x7EC];
	[sflag:s23] =	ssyncadd.s32 $0xFFFFC000  }
0x1b1: {  	[spmem:s2] =	stream.indirect.scatter.add.f32 [tilespmem:s13], [sflag:$0xB], $0x80, s12, s10, $0xb8;
	[tilespmem:$0x14700] =	vst v63  }
0x1b2: {  	s4 =	sld [smem:$0x7ED]  }
0x1b3: {  	[tilespmem:s10], [sflag:$0x2] =	stream.linear.gather [hbm4b:s0+s3], $0x80, $0x38;
	[tilespmem:$0x14700] =	vst v63  }
0x1b4: {  	_ = 	snop  }
0x1b5: {  	[tilespmem:s11], [sflag:$0x6] =	stream.linear.gather [hbm4b:s4+s3], $0x4000, $0x38;
	[tilespmem:$0x14700] =	vst v63  }
0x1b6: {  	_ =	swait.ge [sflag:s24], $0x80  }
0x1b7: {  	[sflag:s24] =	ssyncset.done $0x0  }
0x1b8: {  	[sflag:s24] =	ssyncadd.s32 $0xFFFFFF80  }
0x1b9: {  	_ =	swait.ge [sflag:s25], $0x4000  }
0x1ba: {  	[sflag:s25] =	ssyncset.done $0x0  }
0x1bb: {  	[sflag:s25] =	ssyncadd.s32 $0xFFFFC000  }
0x1bc: {  	_ =	swait.ge [sflag:s26], $0x4000  }
0x1bd: {  	[sflag:s26] =	ssyncset.done $0x0  }
0x1be: {  	s0 =	sld [smem:$0x7EE];
	[sflag:s26] =	ssyncadd.s32 $0xFFFFC000  }
0x1bf: {  	[spmem:s2] =	stream.indirect.scatter.add.f32 [tilespmem:s17], [sflag:$0xC], $0x80, s16, s10, $0xb8;
	[tilespmem:$0x14700] =	vst v63  }
0x1c0: {  	s4 =	sld [smem:$0x7F0]  }
0x1c1: {  	[tilespmem:s12], [sflag:$0x3] =	stream.linear.gather [hbm4b:s0+s3], $0x80, $0x38;
	[tilespmem:$0x14700] =	vst v63  }
0x1c2: {  	_ = 	snop  }
0x1c3: {  	[tilespmem:s13], [sflag:$0x7] =	stream.linear.gather [hbm4b:s4+s3], $0x4000, $0x38;
	[tilespmem:$0x14700] =	vst v63  }
0x1c4: {  	_ =	swait.ge [sflag:s14], $0x80  }
0x1c5: {  	[sflag:s14] =	ssyncset.done $0x0  }
0x1c6: {  	[sflag:s14] =	ssyncadd.s32 $0xFFFFFF80  }
0x1c7: {  	_ =	swait.ge [sflag:s15], $0x4000  }
0x1c8: {  	[sflag:s15] =	ssyncset.done $0x0  }
0x1c9: {  	[sflag:s15] =	ssyncadd.s32 $0xFFFFC000  }
0x1ca: {  	_ =	swait.ge [sflag:s28], $0x4000  }
0x1cb: {  	[sflag:s28] =	ssyncset.done $0x0  }
0x1cc: {  	s0 =	sld [smem:$0x7F1];
	[sflag:s28] =	ssyncadd.s32 $0xFFFFC000  }
0x1cd: {  	[spmem:s2] =	stream.indirect.scatter.add.f32 [tilespmem:s8], [sflag:$0x9], $0x80, s3, s10, $0xb8;
	[tilespmem:$0x14700] =	vst v63  }
0x1ce: {  	s4 =	sld [smem:$0x7F2]  }
0x1cf: {  	[tilespmem:s16], [sflag:$0x4] =	stream.linear.gather [hbm4b:s0+s3], $0x80, $0x38;
	[tilespmem:$0x14700] =	vst v63  }
0x1d0: {  	_ = 	snop  }
0x1d1: {  	[tilespmem:s17], [sflag:$0x8] =	stream.linear.gather [hbm4b:s4+s3], $0x4000, $0x38;
	[tilespmem:$0x14700] =	vst v63  }
0x1d2: {  	_ =	swait.ge [sflag:s18], $0x80  }
0x1d3: {  	[sflag:s18] =	ssyncset.done $0x0  }
0x1d4: {  	[sflag:s18] =	ssyncadd.s32 $0xFFFFFF80  }
0x1d5: {  	_ =	swait.ge [sflag:s19], $0x4000  }
0x1d6: {  	[sflag:s19] =	ssyncset.done $0x0  }
0x1d7: {  	[sflag:s19] =	ssyncadd.s32 $0xFFFFC000  }
0x1d8: {  	_ =	swait.ge [sflag:s20], $0x4000  }
0x1d9: {  	[sflag:s20] =	ssyncset.done $0x0  }
0x1da: {  	s0 =	sld [smem:$0x7F3];
	[sflag:s20] =	ssyncadd.s32 $0xFFFFC000  }
0x1db: {  	[spmem:s2] =	stream.indirect.scatter.add.f32 [tilespmem:s11], [sflag:$0xA], $0x80, s10, s10, $0xb8;
	[tilespmem:$0x14700] =	vst v63  }
0x1dc: {  	s4 =	sld [smem:$0x7F4]  }
0x1dd: {  	[tilespmem:s3], [sflag:$0x1] =	stream.linear.gather [hbm4b:s0+s3], $0x80, $0x38;
	[tilespmem:$0x14700] =	vst v63  }
0x1de: {  	_ = 	snop  }
0x1df: {  	[tilespmem:s8], [sflag:$0x5] =	stream.linear.gather [hbm4b:s4+s3], $0x4000, $0x38;
	[tilespmem:$0x14700] =	vst v63  }
0x1e0: {  	_ =	swait.ge [sflag:s21], $0x80  }
0x1e1: {  	[sflag:s21] =	ssyncset.done $0x0  }
0x1e2: {  	[sflag:s21] =	ssyncadd.s32 $0xFFFFFF80  }
0x1e3: {  	_ =	swait.ge [sflag:s22], $0x4000  }
0x1e4: {  	[sflag:s22] =	ssyncset.done $0x0  }
0x1e5: {  	[sflag:s22] =	ssyncadd.s32 $0xFFFFC000  }
0x1e6: {  	_ =	swait.ge [sflag:s23], $0x4000  }
0x1e7: {  	[sflag:s23] =	ssyncset.done $0x0  }
0x1e8: {  	s0 =	sld [smem:$0x7F5];
	[sflag:s23] =	ssyncadd.s32 $0xFFFFC000  }
0x1e9: {  	[spmem:s2] =	stream.indirect.scatter.add.f32 [tilespmem:s13], [sflag:$0xB], $0x80, s12, s10, $0xb8;
	[tilespmem:$0x14700] =	vst v63  }
0x1ea: {  	s4 =	sld [smem:$0x7F6]  }
0x1eb: {  	[tilespmem:s10], [sflag:$0x2] =	stream.linear.gather [hbm4b:s0+s3], $0x80, $0x38;
	[tilespmem:$0x14700] =	vst v63  }
0x1ec: {  	_ = 	snop  }
0x1ed: {  	[tilespmem:s11], [sflag:$0x6] =	stream.linear.gather [hbm4b:s4+s3], $0x4000, $0x38;
	[tilespmem:$0x14700] =	vst v63  }
0x1ee: {  	_ =	swait.ge [sflag:s24], $0x80  }
0x1ef: {  	[sflag:s24] =	ssyncset.done $0x0  }
0x1f0: {  	[sflag:s24] =	ssyncadd.s32 $0xFFFFFF80  }
0x1f1: {  	_ =	swait.ge [sflag:s25], $0x4000  }
0x1f2: {  	[sflag:s25] =	ssyncset.done $0x0  }
0x1f3: {  	[sflag:s25] =	ssyncadd.s32 $0xFFFFC000  }
0x1f4: {  	_ =	swait.ge [sflag:s26], $0x4000  }
0x1f5: {  	[sflag:s26] =	ssyncset.done $0x0  }
0x1f6: {  	s0 =	sld [smem:$0x7F7];
	[sflag:s26] =	ssyncadd.s32 $0xFFFFC000  }
0x1f7: {  	[spmem:s2] =	stream.indirect.scatter.add.f32 [tilespmem:s17], [sflag:$0xC], $0x80, s16, s10, $0xb8;
	[tilespmem:$0x14700] =	vst v63  }
0x1f8: {  	s4 =	sld [smem:$0x7F8]  }
0x1f9: {  	[tilespmem:s12], [sflag:$0x3] =	stream.linear.gather [hbm4b:s0+s3], $0x80, $0x38;
	[tilespmem:$0x14700] =	vst v63  }
0x1fa: {  	_ = 	snop  }
0x1fb: {  	[tilespmem:s13], [sflag:$0x7] =	stream.linear.gather [hbm4b:s4+s3], $0x4000, $0x38;
	[tilespmem:$0x14700] =	vst v63  }
0x1fc: {  	_ =	swait.ge [sflag:s14], $0x80  }
0x1fd: {  	[sflag:s14] =	ssyncset.done $0x0  }
0x1fe: {  	[sflag:s14] =	ssyncadd.s32 $0xFFFFFF80  }
0x1ff: {  	_ =	swait.ge [sflag:s15], $0x4000  }
0x200: {  	[sflag:s15] =	ssyncset.done $0x0  }
0x201: {  	[sflag:s15] =	ssyncadd.s32 $0xFFFFC000  }
0x202: {  	_ =	swait.ge [sflag:s28], $0x4000  }
0x203: {  	[sflag:s28] =	ssyncset.done $0x0  }
0x204: {  	s0 =	sld [smem:$0x7F9];
	[sflag:s28] =	ssyncadd.s32 $0xFFFFC000  }
0x205: {  	[spmem:s2] =	stream.indirect.scatter.add.f32 [tilespmem:s8], [sflag:$0x9], $0x80, s3, s10, $0xb8;
	[tilespmem:$0x14700] =	vst v63  }
0x206: {  	s4 =	sld [smem:$0x7FA]  }
0x207: {  	[tilespmem:s16], [sflag:$0x4] =	stream.linear.gather [hbm4b:s0+s3], $0x80, $0x38;
	[tilespmem:$0x14700] =	vst v63  }
0x208: {  	_ = 	snop  }
0x209: {  	[tilespmem:s17], [sflag:$0x8] =	stream.linear.gather [hbm4b:s4+s3], $0x4000, $0x38;
	[tilespmem:$0x14700] =	vst v63  }
0x20a: {  	_ =	swait.ge [sflag:s18], $0x80  }
0x20b: {  	[sflag:s18] =	ssyncset.done $0x0  }
0x20c: {  	[sflag:s18] =	ssyncadd.s32 $0xFFFFFF80  }
0x20d: {  	_ =	swait.ge [sflag:s19], $0x4000  }
0x20e: {  	[sflag:s19] =	ssyncset.done $0x0  }
0x20f: {  	[sflag:s19] =	ssyncadd.s32 $0xFFFFC000  }
0x210: {  	_ =	swait.ge [sflag:s20], $0x4000  }
0x211: {  	[sflag:s20] =	ssyncset.done $0x0  }
0x212: {  	[sflag:s20] =	ssyncadd.s32 $0xFFFFC000  }
0x213: {  	[spmem:s2] =	stream.indirect.scatter.add.f32 [tilespmem:s11], [sflag:$0xA], $0x80, s10, s10, $0xb8;
	[tilespmem:$0x14700] =	vst v63  }
0x214: {  	_ =	swait.ge [sflag:s21], $0x80  }
0x215: {  	[sflag:s21] =	ssyncset.done $0x0  }
0x216: {  	[sflag:s21] =	ssyncadd.s32 $0xFFFFFF80  }
0x217: {  	_ =	swait.ge [sflag:s22], $0x4000  }
0x218: {  	[sflag:s22] =	ssyncset.done $0x0  }
0x219: {  	[sflag:s22] =	ssyncadd.s32 $0xFFFFC000  }
0x21a: {  	_ =	swait.ge [sflag:s23], $0x4000  }
0x21b: {  	[sflag:s23] =	ssyncset.done $0x0  }
0x21c: {  	[sflag:s23] =	ssyncadd.s32 $0xFFFFC000  }
0x21d: {  	[spmem:s2] =	stream.indirect.scatter.add.f32 [tilespmem:s13], [sflag:$0xB], $0x80, s12, s10, $0xb8;
	[tilespmem:$0x14700] =	vst v63  }
0x21e: {  	_ =	swait.ge [sflag:s24], $0x80  }
0x21f: {  	[sflag:s24] =	ssyncset.done $0x0  }
0x220: {  	[sflag:s24] =	ssyncadd.s32 $0xFFFFFF80  }
0x221: {  	_ =	swait.ge [sflag:s25], $0x4000  }
0x222: {  	[sflag:s25] =	ssyncset.done $0x0  }
0x223: {  	[sflag:s25] =	ssyncadd.s32 $0xFFFFC000  }
0x224: {  	_ =	swait.ge [sflag:s26], $0x4000  }
0x225: {  	[sflag:s26] =	ssyncset.done $0x0  }
0x226: {  	[sflag:s26] =	ssyncadd.s32 $0xFFFFC000  }
0x227: {  	[spmem:s2] =	stream.indirect.scatter.add.f32 [tilespmem:s17], [sflag:$0xC], $0x80, s16, s10, $0xb8;
	[tilespmem:$0x14700] =	vst v63  }
0x228: {  	_ =	swait.ge [sflag:s28], $0x4000  }
0x229: {  	[sflag:s28] =	ssyncset.done $0x0  }
0x22a: {  	s0 =	simm.s32 @p0 $0xD;
	[sflag:s28] =	ssyncadd.s32 $0xFFFFC000  }
0x22b: {  	_ =	swait.ge @p0 [sflag:s0], $0x30  }
0x22c: {  	[sflag:s0] =	ssyncset.done @p0 $0x0  }
0x22d: {  	[sflag:s0] =	ssyncadd.s32 @p0 $0xFFFFFFD0  }
0x22e: {  	_ =	swait.ge @p0 [sflag:s0], $0x1800  }
0x22f: {  	[sflag:s0] =	ssyncset.done @p0 $0x0  }
0x230: {  	[sflag:s0] =	ssyncadd.s32 @p0 $0xFFFFE800;
	s0 =	simm.s32 @p0 $0x30  }
0x231: {  	[spmem:s2] =	stream.indirect.scatter.add.f32 @p0 [tilespmem:s1], [sflag:$0xE], $0x80, s31, s0, $0xb8;
	[tilespmem:$0x14700] =	vst v63  }
0x232: {  	s0 =	simm.s32 @p0 $0xE  }
0x233: {  	_ =	swait.ge @p0 [sflag:s0], $0x1800  }
0x234: {  	[sflag:s0] =	ssyncset.done @p0 $0x0  }
0x235: {  	[sflag:s0] =	ssyncadd.s32 @p0 $0xFFFFE800;
	s0 =	simm.s32 @!p0 $0xD  }
0x236: {  	_ =	swait.ge @!p0 [sflag:s0], $0x38  }
0x237: {  	[sflag:s0] =	ssyncset.done @!p0 $0x0  }
0x238: {  	[sflag:s0] =	ssyncadd.s32 @!p0 $0xFFFFFFC8  }
0x239: {  	_ =	swait.ge @!p0 [sflag:s0], $0x1C00  }
0x23a: {  	[sflag:s0] =	ssyncset.done @!p0 $0x0  }
0x23b: {  	[sflag:s0] =	ssyncadd.s32 @!p0 $0xFFFFE400;
	s0 =	simm.s32 @!p0 $0x38  }
0x23c: {  	[spmem:s2] =	stream.indirect.scatter.add.f32 @!p0 [tilespmem:s30], [sflag:$0xE], $0x80, s29, s0, $0xb8;
	[tilespmem:$0x14700] =	vst v63  }
0x23d: {  	s0 =	simm.s32 @!p0 $0xE  }
0x23e: {  	_ =	swait.ge @!p0 [sflag:s0], $0x1C00  }
0x23f: {  	[sflag:s0] =	ssyncset.done @!p0 $0x0  }
0x240: {  	[sflag:s0] =	ssyncadd.s32 @!p0 $0xFFFFE400  }
0x241: {  	[bflag:$0x0] =	sbarrier.arrive $0xFFFF  }
0x242: {  	s7 =	sadd.s32 $0xFFFFFFFF, s7;
	s30 =	stileid.u32;
	s29 =	sld [smem:$0x7FC]  }
0x243: {  	p1 =	sne.s32 s7, $0x0;
	s1 =	sshll.u32 s30, $0x6  }
.Ltmp0:
0x244: {  	s31 =	sshrl.u32 s5, $0x3;
	s1 =	sor.u32 $0x1C0E, s1;
	(pc) =	sbr.rel @p1 .LBB2_1-.Ltmp0, $4  }
0x245: {  	[hbm:s29], [sflag:s1] =	dma.local [spmem:s31], $0x100  }
0x246: {  	_ =	swait.ge [sflag:s9], $0x100  }
0x247: {  	[sflag:s9] =	ssyncset.done $0x0  }
0x248: {  	[sflag:s9] =	ssyncadd.s32 $0xFFFFFF00  }
0x249: {  	_ =	sfence.sel $0x180000  }
0x24a: {  	[bflag:$0x0] =	sbarrier.arrive $0xFFFF  }
0x24b: {  	_ =	strace $0x90000047  }
0x24c: {  	s0 =	stileid.u32;
	[bflag:$0x2] =	sbarrier.arrive $0xFFFF  }
0x24d: {  	p0 =	sne.s32 s0, $0x0;
	s0 =	rddreg [dreg:$0x4]  }
0x24e: {  	s0 =	sadd.s32 @!p0 $0x100000, s0  }
0x24f: {  	[sflag:s0] =	ssyncadd.tile.s32 @!p0 $0x1;
	_ =	shalt  }
.Lfunc_end2:
_tile_overlayer_lowered:
.L_overlay_start_2:
0x250: {  	(tag) =	ssettag $0x2  }
0x251: {  	s0 =	rddreg [dreg:$0x0];
	s2 =	stileid.u32  }
0x252: {  	s1 =	rddreg [dreg:$0x1];
	p0 =	sne.s32 s2, $0x0  }
0x253: {  	s3 =	rddreg [dreg:$0x2];
	[bflag:$0x3] =	sbarrier.arrive $0xFFFF;
	s2 =	simm.s32 @!p0 $0x1C0E  }
0x254: {  	[timem:s3], [sflag:s2] =	dma.local @!p0 [hbm:s0], s1  }
0x255: {  	s0 =	simm.s32 @!p0 $0xE  }
0x256: {  	_ =	swait.ge @!p0 [sflag:s0], s1  }
0x257: {  	s1 =	ssub.s32 @!p0 $0x0, s1;
	[sflag:s0] =	ssyncset.done @!p0 $0x0  }
0x258: {  	[sflag:s0] =	ssyncadd.s32 @!p0 s1  }
0x259: {  	[bflag:$0x3] =	sbarrier.arrive $0xFFFF  }
0x25a: {  	_ =	shalt  }

</sc_bundles>
